<compile_context>
chip_gen: v7x
topology: tpu7x:2x2x1
jax: 0.10.2.dev20260603
libtpu: 0.0.44.dev20260713+nightly
codegen_flags: <defaults>
</compile_context>

<pallas_src>
import functools

import jax
import jax.numpy as jnp
from jax import lax
from jax.experimental import pallas as pl
from jax.experimental.pallas import tpu as pltpu
from jax.experimental.pallas import tpu_sc as plsc

N = 10000
E = 320000
D = 128
H = 128
C = 40
EPS = 1e-5

NC = 2
NS = 16
NW = NC * NS
EPT = E // NW
CH = 80
NCHUNK = EPT // CH
NBUF = 3
NG = (NCHUNK + 7) // 8
NCP = NG * 8
NP = 10240
RPT = NP // NS

_mesh = plsc.VectorSubcoreMesh(
    core_axis_name="c", subcore_axis_name="s", num_cores=NC, num_subcores=NS)


@functools.partial(
    pl.kernel,
    out_type=jax.ShapeDtypeStruct((NC, 1, NP), jnp.float32),
    mesh=_mesh,
    scratch_types=[
        pltpu.VMEM((NCP, CH), jnp.int32),
        pltpu.VMEM((CH,), jnp.float32),
        pltpu.VMEM_SHARED((NP,), jnp.float32),
    ],
)
def _deg_kernel(dst3_hbm, zeros_hbm, ones_hbm, out_hbm, dsts_v, ones_v, acc_sh):
    cid = lax.axis_index("c")
    sid = lax.axis_index("s")
    wid = sid * NC + cid

    pltpu.sync_copy(ones_hbm, ones_v)
    pltpu.sync_copy(dst3_hbm.at[wid], dsts_v)
    pltpu.sync_copy(zeros_hbm.at[pl.ds(sid * RPT, RPT)],
                    acc_sh.at[pl.ds(sid * RPT, RPT)])
    plsc.subcore_barrier()

    @pl.loop(0, NCHUNK)
    def _chunks(j):
        pltpu.sync_copy(ones_v, acc_sh.at[dsts_v.at[j]], add=True)

    plsc.subcore_barrier()
    pltpu.sync_copy(acc_sh.at[pl.ds(sid * RPT, RPT)],
                    out_hbm.at[cid, 0, pl.ds(sid * RPT, RPT)])


@functools.partial(
    pl.kernel,
    out_type=jax.ShapeDtypeStruct((NC, NP, H), jnp.float32),
    mesh=_mesh,
    scratch_types=[
        pltpu.VMEM((EPT,), jnp.int32),
        pltpu.VMEM((2, 8, CH), jnp.int32),
        pltpu.VMEM((NBUF, CH, H), jnp.float32),
        pltpu.VMEM_SHARED((NP, H), jnp.float32),
        pltpu.SemaphoreType.DMA,
        pltpu.SemaphoreType.DMA,
        pltpu.SemaphoreType.DMA,
        pltpu.SemaphoreType.DMA,
        pltpu.SemaphoreType.DMA,
        pltpu.SemaphoreType.DMA,
        pltpu.SemaphoreType.DMA,
        pltpu.SemaphoreType.DMA,
    ],
)
def _agg_kernel(table_hbm, src1_hbm, dst3_hbm, zeros_hbm, out_hbm,
                srcs_v, dring_v, rows_v, acc_sh,
                g0, g1, g2, s0, s1, s2, d0, d1):
    gsem = [g0, g1, g2]
    ssem = [s0, s1, s2]
    dsem = [d0, d1]
    cid = lax.axis_index("c")
    sid = lax.axis_index("s")
    wid = sid * NC + cid

    pltpu.sync_copy(src1_hbm.at[pl.ds(wid * EPT, EPT)], srcs_v)
    pltpu.sync_copy(dst3_hbm.at[wid, pl.ds(0, 8)], dring_v.at[0])
    pltpu.async_copy(dst3_hbm.at[wid, pl.ds(8, 8)], dring_v.at[1], dsem[1])
    pltpu.sync_copy(zeros_hbm.at[pl.ds(0, CH)], rows_v.at[0])

    @pl.loop(0, RPT // CH)
    def _zinit(i):
        pltpu.sync_copy(rows_v.at[0],
                        acc_sh.at[pl.ds(sid * RPT + i * CH, CH)])

    plsc.subcore_barrier()

    for b in range(NBUF - 1):
        pltpu.async_copy(table_hbm.at[srcs_v.at[pl.ds(b * CH, CH)]],
                         rows_v.at[b], gsem[b])

    @pl.loop(0, NCHUNK, step=NBUF)
    def _outer(o):
        for b in range(NBUF):
            j = o + b

            @pl.when(j < NCHUNK)
            def _():
                g = lax.shift_right_logical(j, 3)
                gb = lax.bitwise_and(g, 1)
                r = lax.bitwise_and(j, 7)

                @pl.when((r == 0) & (g >= 1))
                def _():
                    @pl.when(gb == 0)
                    def _():
                        pltpu.make_async_copy(
                            dst3_hbm.at[wid, pl.ds(0, 8)], dring_v.at[0],
                            dsem[0]).wait()

                    @pl.when(gb == 1)
                    def _():
                        pltpu.make_async_copy(
                            dst3_hbm.at[wid, pl.ds(0, 8)], dring_v.at[1],
                            dsem[1]).wait()

                pltpu.make_async_copy(
                    table_hbm.at[srcs_v.at[pl.ds(j * CH, CH)]],
                    rows_v.at[b], gsem[b]).wait()
                pltpu.async_copy(rows_v.at[b], acc_sh.at[dring_v.at[gb, r]],
                                 ssem[b], add=True)

                k = j + NBUF - 1
                bk = (b + NBUF - 1) % NBUF

                @pl.when(k < NCHUNK)
                def _():
                    @pl.when(j >= 1)
                    def _():
                        pltpu.make_async_copy(
                            rows_v.at[bk], acc_sh.at[dring_v.at[0, 0]],
                            ssem[bk]).wait()

                    pltpu.async_copy(
                        table_hbm.at[srcs_v.at[pl.ds(k * CH, CH)]],
                        rows_v.at[bk], gsem[bk])

                @pl.when((r == 0) & (g >= 1) & (g < NG - 1))
                def _():
                    nxt = pl.multiple_of((g + 1) * 8, 8)

                    @pl.when(gb == 0)
                    def _():
                        pltpu.async_copy(dst3_hbm.at[wid, pl.ds(nxt, 8)],
                                         dring_v.at[1], dsem[1])

                    @pl.when(gb == 1)
                    def _():
                        pltpu.async_copy(dst3_hbm.at[wid, pl.ds(nxt, 8)],
                                         dring_v.at[0], dsem[0])

    for b in range(NBUF):
        pltpu.make_async_copy(rows_v.at[b], acc_sh.at[dring_v.at[0, 0]],
                              ssem[b]).wait()

    plsc.subcore_barrier()
    pltpu.sync_copy(acc_sh.at[pl.ds(sid * RPT, RPT)],
                    out_hbm.at[cid, pl.ds(sid * RPT, RPT)])


def _dis_from_degp(degp):
    deg = 1.0 + degp[0] + degp[1]
    return lax.rsqrt(deg)


def _tc1a_body(x_ref, w1_ref, o_ref):
    o_ref[...] = jnp.dot(x_ref[...], w1_ref[...],
                         preferred_element_type=jnp.float32)


_tc1a = pl.pallas_call(
    _tc1a_body, out_shape=jax.ShapeDtypeStruct((N, H), jnp.float32))


def _tc1b_body(h_ref, degp_ref, o_ref):
    o_ref[...] = h_ref[...] * _dis_from_degp(degp_ref[...])


_tc1b = pl.pallas_call(
    _tc1b_body, out_shape=jax.ShapeDtypeStruct((N, H), jnp.float32))


def _bn_relu(z, g, be):
    mean = jnp.mean(z, axis=0, keepdims=True)
    c = z - mean
    var = jnp.mean(c * c, axis=0, keepdims=True)
    return jnp.maximum(c * lax.rsqrt(var + EPS) * g + be, 0.0)


def _tc2_body(part_ref, hp_ref, degp_ref, b_ref, g_ref, be_ref, w2_ref, o_ref):
    dis = _dis_from_degp(degp_ref[...])
    part = part_ref[...]
    z = (part[0, :N] + part[1, :N] + hp_ref[...]) * dis + b_ref[...]
    y = _bn_relu(z, g_ref[...], be_ref[...])
    o_ref[...] = jnp.dot(y, w2_ref[...], preferred_element_type=jnp.float32) * dis


_tc2 = pl.pallas_call(
    _tc2_body, out_shape=jax.ShapeDtypeStruct((N, H), jnp.float32))


def _tc3_body(part_ref, hp_ref, degp_ref, b_ref, g_ref, be_ref, wc_ref,
              bc_ref, o_ref):
    dis = _dis_from_degp(degp_ref[...])
    part = part_ref[...]
    z = (part[0, :N] + part[1, :N] + hp_ref[...]) * dis + b_ref[...]
    y = _bn_relu(z, g_ref[...], be_ref[...])
    logits = jnp.dot(y, wc_ref[...], preferred_element_type=jnp.float32) + bc_ref[...]
    m = jnp.max(logits, axis=1, keepdims=True)
    s = logits - m
    lse = jnp.log(jnp.sum(jnp.exp(s), axis=1, keepdims=True))
    o_ref[...] = s - lse


_tc3 = pl.pallas_call(
    _tc3_body, out_shape=jax.ShapeDtypeStruct((N, C), jnp.float32))


def kernel(x, edge_index, W1, b1, g1, be1, W2, b2, g2, be2, Wc, bc):
    ei = edge_index.astype(jnp.int32)
    src1 = ei[0]
    dst2 = ei[1].reshape(NW, NCHUNK, CH)
    dst2 = jnp.pad(dst2, ((0, 0), (0, NCP - NCHUNK), (0, 0)))
    zeros_nh = jnp.zeros((NP, H), jnp.float32)
    zeros_1d = jnp.zeros((NP,), jnp.float32)
    ones_c = jnp.ones((CH,), jnp.float32)

    degp = _deg_kernel(dst2, zeros_1d, ones_c)
    h1 = _tc1a(x, W1)
    degp = degp.reshape(NC, NP, 1)[:, :N]
    h1p = _tc1b(h1, degp)
    pA = _agg_kernel(h1p, src1, dst2, zeros_nh)
    h2p = _tc2(pA, h1p, degp, b1.reshape(1, H), g1.reshape(1, H),
               be1.reshape(1, H), W2)
    pB = _agg_kernel(h2p, src1, dst2, zeros_nh)
    out = _tc3(pB, h2p, degp, b2.reshape(1, H), g2.reshape(1, H),
               be2.reshape(1, H), Wc, bc.reshape(1, C))
    return out

# --- scband reference (transcript-rebuilt; emitter-appended) ---
"""Pipeline reference for scband-base-gnn-13589276524898 (READ-ONLY COPY).

The authoritative reference and input builder live on the scoring server;
editing this copy changes nothing except your own understanding.
"""

import jax, jax.numpy as jnp
import numpy as np

N = 10000
E = 320000
D = 128
H = 128
C = 40
EPS = 1e-5


def gcn_conv(x, edge_index, W, b):
    n = x.shape[0]
    src = edge_index[0]
    dst = edge_index[1]
    loop = jnp.arange(n, dtype=edge_index.dtype)
    src = jnp.concatenate([src, loop])
    dst = jnp.concatenate([dst, loop])
    deg = jnp.zeros((n,), dtype=x.dtype).at[dst].add(1.0)
    dis = jnp.where(deg > 0, deg ** -0.5, 0.0)
    norm = dis[src] * dis[dst]
    h = x @ W
    msg = h[src] * norm[:, None]
    out = jnp.zeros((n, W.shape[1]), dtype=x.dtype).at[dst].add(msg)
    return out + b


def batch_norm(x, gamma, beta):
    mean = jnp.mean(x, axis=0)
    var = jnp.var(x, axis=0)
    return (x - mean) / jnp.sqrt(var + EPS) * gamma + beta


def setup_inputs(seed: int = 0) -> dict:
    key = jax.random.key(seed)
    ks = jax.random.split(key, 8)
    x = jax.random.normal(ks[0], (N, D), dtype=jnp.float32)
    edge_index = jax.random.randint(ks[1], (2, E), 0, N, dtype=jnp.int64)
    W1 = jax.random.normal(ks[2], (D, H), dtype=jnp.float32) * (1.0 / np.sqrt(D))
    b1 = jnp.zeros((H,), dtype=jnp.float32)
    g1 = jnp.ones((H,), dtype=jnp.float32)
    be1 = jnp.zeros((H,), dtype=jnp.float32)
    W2 = jax.random.normal(ks[3], (H, H), dtype=jnp.float32) * (1.0 / np.sqrt(H))
    b2 = jnp.zeros((H,), dtype=jnp.float32)
    g2 = jnp.ones((H,), dtype=jnp.float32)
    be2 = jnp.zeros((H,), dtype=jnp.float32)
    Wc = jax.random.normal(ks[4], (H, C), dtype=jnp.float32) * (1.0 / np.sqrt(H))
    bc = jnp.zeros((C,), dtype=jnp.float32)
    return {"x": x, "edge_index": edge_index, "W1": W1, "b1": b1, "g1": g1, "be1": be1,
            "W2": W2, "b2": b2, "g2": g2, "be2": be2, "Wc": Wc, "bc": bc}


def reference(x, edge_index, W1, b1, g1, be1, W2, b2, g2, be2, Wc, bc):
    # Dropout is identity in eval/reference mode.
    h = gcn_conv(x, edge_index, W1, b1)
    h = jax.nn.relu(batch_norm(h, g1, be1))
    h = gcn_conv(h, edge_index, W2, b2)
    h = jax.nn.relu(batch_norm(h, g2, be2))
    logits = h @ Wc + bc
    return jax.nn.log_softmax(logits, axis=1)

if __name__ == "__main__":
    import jax
    _d = setup_inputs()
    print(jax.jit(kernel)(*tuple(_d.values())))

</pallas_src>

<mosaic_0001>
#map = affine_map<(d0, d1) -> (0, 0)>
#map1 = affine_map<(d0, d1) -> (0)>
#map2 = affine_map<(d0, d1) -> (0, 0, 0)>
module attributes {stable_mosaic.version = 14 : i64} {
  func.func @_agg_kernel(%arg0: i32, %arg1: i32, %arg2: memref<10000x128xf32, #tpu.memory_space<hbm>>, %arg3: memref<320000xi32, #tpu.memory_space<hbm>>, %arg4: memref<32x128x80xi32, #tpu.memory_space<hbm>>, %arg5: memref<10240x128xf32, #tpu.memory_space<hbm>>, %arg6: memref<2x10240x128xf32, #tpu.memory_space<hbm>>, %arg7: memref<10000xi32, #tpu.memory_space<vmem>>, %arg8: memref<2x8x80xi32, #tpu.memory_space<vmem>>, %arg9: memref<3x80x128xf32, #tpu.memory_space<vmem>>, %arg10: memref<10240x128xf32, #tpu.memory_space<vmem_shared>>, %arg11: memref<!tpu.dma_semaphore, #tpu.memory_space<semaphore_mem>>, %arg12: memref<!tpu.dma_semaphore, #tpu.memory_space<semaphore_mem>>, %arg13: memref<!tpu.dma_semaphore, #tpu.memory_space<semaphore_mem>>, %arg14: memref<!tpu.dma_semaphore, #tpu.memory_space<semaphore_mem>>, %arg15: memref<!tpu.dma_semaphore, #tpu.memory_space<semaphore_mem>>, %arg16: memref<!tpu.dma_semaphore, #tpu.memory_space<semaphore_mem>>, %arg17: memref<!tpu.dma_semaphore, #tpu.memory_space<semaphore_mem>>, %arg18: memref<!tpu.dma_semaphore, #tpu.memory_space<semaphore_mem>>) attributes {dimension_semantics = [#tpu.dimension_semantics<core_parallel>, #tpu.dimension_semantics<subcore_parallel>], iteration_bounds = array<i64: 2, 16>, scalar_prefetch = 0 : i64, scratch_operands = 12 : i64, tpu.core_type = #tpu.core_type<sc_vector_subcore>, window_params = [{transform_indices = #map}, {transform_indices = #map1}, {transform_indices = #map2}, {transform_indices = #map}, {transform_indices = #map2}]} {
    %mul3A = arith.constant 2 : i32
    %mul3A_0 = arith.muli %arg1, %mul3A : i32
    %add3A = arith.addi %mul3A_0, %arg0 : i32
    %mul3A_1 = arith.constant 10000 : i32
    %mul3A_2 = arith.muli %add3A, %mul3A_1 : i32
    "tpu.region"() ({
      %run_scoped3A_92 = tpu.sem_alloc : memref<!tpu.dma_semaphore, #tpu.memory_space<semaphore_mem>>
      %dma_start3A_93 = tpu.memref_slice %arg3[%mul3A_2] : memref<320000xi32, #tpu.memory_space<hbm>> -> memref<10000xi32, #tpu.memory_space<hbm>>
      %dma_start3A_94 = tpu.memref_slice %arg3[%mul3A_2] : memref<320000xi32, #tpu.memory_space<hbm>> -> memref<10000xi32, #tpu.memory_space<hbm>>
      tpu.enqueue_dma source(%dma_start3A_94 : memref<10000xi32, #tpu.memory_space<hbm>>) target(%arg7 : memref<10000xi32, #tpu.memory_space<vmem>>) target_semaphore(%run_scoped3A_92 : memref<!tpu.dma_semaphore, #tpu.memory_space<semaphore_mem>>)
      %dma_wait3A_95 = tpu.memref_slice %arg3[%mul3A_2] : memref<320000xi32, #tpu.memory_space<hbm>> -> memref<10000xi32, #tpu.memory_space<hbm>>
      %dma_wait3A_96 = tpu.memref_slice %arg3[%mul3A_2] : memref<320000xi32, #tpu.memory_space<hbm>> -> memref<10000xi32, #tpu.memory_space<hbm>>
      tpu.wait_dma2 semaphore(%run_scoped3A_92 : memref<!tpu.dma_semaphore, #tpu.memory_space<semaphore_mem>>) src(%dma_wait3A_96 : memref<10000xi32, #tpu.memory_space<hbm>>) dst(%arg7 : memref<10000xi32, #tpu.memory_space<vmem>>)
      tpu.yield
    }) : () -> ()
    %run_scoped3A = arith.constant 0 : i32
    "tpu.region"() ({
      %run_scoped3A_92 = tpu.sem_alloc : memref<!tpu.dma_semaphore, #tpu.memory_space<semaphore_mem>>
      %dma_start3A_93 = arith.constant 0 : i32
      %dma_start3A_94 = arith.constant 0 : i32
      %dma_start3A_95 = tpu.memref_slice %arg8[%run_scoped3A, %dma_start3A_93, %dma_start3A_94] : memref<2x8x80xi32, #tpu.memory_space<vmem>> -> memref<1x8x80xi32, #tpu.memory_space<vmem>>
      %dma_start3A_96 = tpu.memref_squeeze %dma_start3A_95 : memref<1x8x80xi32, #tpu.memory_space<vmem>> -> memref<8x80xi32, #tpu.memory_space<vmem>>
      %dma_start3A_97 = arith.constant 0 : i32
      %dma_start3A_98 = arith.constant 0 : i32
      %dma_start3A_99 = tpu.memref_slice %arg4[%add3A, %dma_start3A_97, %dma_start3A_98] : memref<32x128x80xi32, #tpu.memory_space<hbm>> -> memref<1x8x80xi32, #tpu.memory_space<hbm>>
      %dma_start3A_100 = tpu.memref_squeeze %dma_start3A_99 : memref<1x8x80xi32, #tpu.memory_space<hbm>> -> memref<8x80xi32, #tpu.memory_space<hbm>>
      %dma_start3A_101 = arith.constant 0 : i32
      %dma_start3A_102 = arith.constant 0 : i32
      %dma_start3A_103 = tpu.memref_slice %arg8[%run_scoped3A, %dma_start3A_101, %dma_start3A_102] : memref<2x8x80xi32, #tpu.memory_space<vmem>> -> memref<1x8x80xi32, #tpu.memory_space<vmem>>
      %dma_start3A_104 = tpu.memref_squeeze %dma_start3A_103 : memref<1x8x80xi32, #tpu.memory_space<vmem>> -> memref<8x80xi32, #tpu.memory_space<vmem>>
      %dma_start3A_105 = arith.constant 0 : i32
      %dma_start3A_106 = arith.constant 0 : i32
      %dma_start3A_107 = tpu.memref_slice %arg4[%add3A, %dma_start3A_105, %dma_start3A_106] : memref<32x128x80xi32, #tpu.memory_space<hbm>> -> memref<1x8x80xi32, #tpu.memory_space<hbm>>
      %dma_start3A_108 = tpu.memref_squeeze %dma_start3A_107 : memref<1x8x80xi32, #tpu.memory_space<hbm>> -> memref<8x80xi32, #tpu.memory_space<hbm>>
      tpu.enqueue_dma source(%dma_start3A_108 : memref<8x80xi32, #tpu.memory_space<hbm>>) target(%dma_start3A_104 : memref<8x80xi32, #tpu.memory_space<vmem>>) target_semaphore(%run_scoped3A_92 : memref<!tpu.dma_semaphore, #tpu.memory_space<semaphore_mem>>)
      %dma_wait3A_109 = arith.constant 0 : i32
      %dma_wait3A_110 = arith.constant 0 : i32
      %dma_wait3A_111 = tpu.memref_slice %arg8[%run_scoped3A, %dma_wait3A_109, %dma_wait3A_110] : memref<2x8x80xi32, #tpu.memory_space<vmem>> -> memref<1x8x80xi32, #tpu.memory_space<vmem>>
      %dma_wait3A_112 = tpu.memref_squeeze %dma_wait3A_111 : memref<1x8x80xi32, #tpu.memory_space<vmem>> -> memref<8x80xi32, #tpu.memory_space<vmem>>
      %dma_wait3A_113 = arith.constant 0 : i32
      %dma_wait3A_114 = arith.constant 0 : i32
      %dma_wait3A_115 = tpu.memref_slice %arg4[%add3A, %dma_wait3A_113, %dma_wait3A_114] : memref<32x128x80xi32, #tpu.memory_space<hbm>> -> memref<1x8x80xi32, #tpu.memory_space<hbm>>
      %dma_wait3A_116 = tpu.memref_squeeze %dma_wait3A_115 : memref<1x8x80xi32, #tpu.memory_space<hbm>> -> memref<8x80xi32, #tpu.memory_space<hbm>>
      %dma_wait3A_117 = arith.constant 0 : i32
      %dma_wait3A_118 = arith.constant 0 : i32
      %dma_wait3A_119 = tpu.memref_slice %arg8[%run_scoped3A, %dma_wait3A_117, %dma_wait3A_118] : memref<2x8x80xi32, #tpu.memory_space<vmem>> -> memref<1x8x80xi32, #tpu.memory_space<vmem>>
      %dma_wait3A_120 = tpu.memref_squeeze %dma_wait3A_119 : memref<1x8x80xi32, #tpu.memory_space<vmem>> -> memref<8x80xi32, #tpu.memory_space<vmem>>
      %dma_wait3A_121 = arith.constant 0 : i32
      %dma_wait3A_122 = arith.constant 0 : i32
      %dma_wait3A_123 = tpu.memref_slice %arg4[%add3A, %dma_wait3A_121, %dma_wait3A_122] : memref<32x128x80xi32, #tpu.memory_space<hbm>> -> memref<1x8x80xi32, #tpu.memory_space<hbm>>
      %dma_wait3A_124 = tpu.memref_squeeze %dma_wait3A_123 : memref<1x8x80xi32, #tpu.memory_space<hbm>> -> memref<8x80xi32, #tpu.memory_space<hbm>>
      tpu.wait_dma2 semaphore(%run_scoped3A_92 : memref<!tpu.dma_semaphore, #tpu.memory_space<semaphore_mem>>) src(%dma_wait3A_124 : memref<8x80xi32, #tpu.memory_space<hbm>>) dst(%dma_wait3A_120 : memref<8x80xi32, #tpu.memory_space<vmem>>)
      tpu.yield
    }) : () -> ()
    %dma_start3A = arith.constant 1 : i32
    %dma_start3A_3 = arith.constant 0 : i32
    %dma_start3A_4 = arith.constant 0 : i32
    %dma_start3A_5 = tpu.memref_slice %arg8[%dma_start3A, %dma_start3A_3, %dma_start3A_4] : memref<2x8x80xi32, #tpu.memory_space<vmem>> -> memref<1x8x80xi32, #tpu.memory_space<vmem>>
    %dma_start3A_6 = tpu.memref_squeeze %dma_start3A_5 : memref<1x8x80xi32, #tpu.memory_space<vmem>> -> memref<8x80xi32, #tpu.memory_space<vmem>>
    %dma_start3A_7 = arith.constant 8 : i32
    %dma_start3A_8 = arith.constant 0 : i32
    %dma_start3A_9 = tpu.memref_slice %arg4[%add3A, %dma_start3A_7, %dma_start3A_8] : memref<32x128x80xi32, #tpu.memory_space<hbm>> -> memref<1x8x80xi32, #tpu.memory_space<hbm>>
    %dma_start3A_10 = tpu.memref_squeeze %dma_start3A_9 : memref<1x8x80xi32, #tpu.memory_space<hbm>> -> memref<8x80xi32, #tpu.memory_space<hbm>>
    %dma_start3A_11 = arith.constant 0 : i32
    %dma_start3A_12 = arith.constant 0 : i32
    %dma_start3A_13 = tpu.memref_slice %arg8[%dma_start3A, %dma_start3A_11, %dma_start3A_12] : memref<2x8x80xi32, #tpu.memory_space<vmem>> -> memref<1x8x80xi32, #tpu.memory_space<vmem>>
    %dma_start3A_14 = tpu.memref_squeeze %dma_start3A_13 : memref<1x8x80xi32, #tpu.memory_space<vmem>> -> memref<8x80xi32, #tpu.memory_space<vmem>>
    %dma_start3A_15 = arith.constant 8 : i32
    %dma_start3A_16 = arith.constant 0 : i32
    %dma_start3A_17 = tpu.memref_slice %arg4[%add3A, %dma_start3A_15, %dma_start3A_16] : memref<32x128x80xi32, #tpu.memory_space<hbm>> -> memref<1x8x80xi32, #tpu.memory_space<hbm>>
    %dma_start3A_18 = tpu.memref_squeeze %dma_start3A_17 : memref<1x8x80xi32, #tpu.memory_space<hbm>> -> memref<8x80xi32, #tpu.memory_space<hbm>>
    tpu.enqueue_dma source(%dma_start3A_18 : memref<8x80xi32, #tpu.memory_space<hbm>>) target(%dma_start3A_14 : memref<8x80xi32, #tpu.memory_space<vmem>>) target_semaphore(%arg18 : memref<!tpu.dma_semaphore, #tpu.memory_space<semaphore_mem>>)
    %run_scoped3A_19 = arith.constant 0 : i32
    "tpu.region"() ({
      %run_scoped3A_92 = tpu.sem_alloc : memref<!tpu.dma_semaphore, #tpu.memory_space<semaphore_mem>>
      %dma_start3A_93 = arith.constant 0 : i32
      %dma_start3A_94 = arith.constant 0 : i32
      %dma_start3A_95 = tpu.memref_slice %arg9[%run_scoped3A_19, %dma_start3A_93, %dma_start3A_94] : memref<3x80x128xf32, #tpu.memory_space<vmem>> -> memref<1x80x128xf32, #tpu.memory_space<vmem>>
      %dma_start3A_96 = tpu.memref_squeeze %dma_start3A_95 : memref<1x80x128xf32, #tpu.memory_space<vmem>> -> memref<80x128xf32, #tpu.memory_space<vmem>>
      %dma_start3A_97 = arith.constant 0 : i32
      %dma_start3A_98 = arith.constant 0 : i32
      %dma_start3A_99 = tpu.memref_slice %arg5[%dma_start3A_97, %dma_start3A_98] : memref<10240x128xf32, #tpu.memory_space<hbm>> -> memref<80x128xf32, #tpu.memory_space<hbm>>
      %dma_start3A_100 = arith.constant 0 : i32
      %dma_start3A_101 = arith.constant 0 : i32
      %dma_start3A_102 = tpu.memref_slice %arg9[%run_scoped3A_19, %dma_start3A_100, %dma_start3A_101] : memref<3x80x128xf32, #tpu.memory_space<vmem>> -> memref<1x80x128xf32, #tpu.memory_space<vmem>>
      %dma_start3A_103 = tpu.memref_squeeze %dma_start3A_102 : memref<1x80x128xf32, #tpu.memory_space<vmem>> -> memref<80x128xf32, #tpu.memory_space<vmem>>
      %dma_start3A_104 = arith.constant 0 : i32
      %dma_start3A_105 = arith.constant 0 : i32
      %dma_start3A_106 = tpu.memref_slice %arg5[%dma_start3A_104, %dma_start3A_105] : memref<10240x128xf32, #tpu.memory_space<hbm>> -> memref<80x128xf32, #tpu.memory_space<hbm>>
      tpu.enqueue_dma source(%dma_start3A_106 : memref<80x128xf32, #tpu.memory_space<hbm>>) target(%dma_start3A_103 : memref<80x128xf32, #tpu.memory_space<vmem>>) target_semaphore(%run_scoped3A_92 : memref<!tpu.dma_semaphore, #tpu.memory_space<semaphore_mem>>)
      %dma_wait3A_107 = arith.constant 0 : i32
      %dma_wait3A_108 = arith.constant 0 : i32
      %dma_wait3A_109 = tpu.memref_slice %arg9[%run_scoped3A_19, %dma_wait3A_107, %dma_wait3A_108] : memref<3x80x128xf32, #tpu.memory_space<vmem>> -> memref<1x80x128xf32, #tpu.memory_space<vmem>>
      %dma_wait3A_110 = tpu.memref_squeeze %dma_wait3A_109 : memref<1x80x128xf32, #tpu.memory_space<vmem>> -> memref<80x128xf32, #tpu.memory_space<vmem>>
      %dma_wait3A_111 = arith.constant 0 : i32
      %dma_wait3A_112 = arith.constant 0 : i32
      %dma_wait3A_113 = tpu.memref_slice %arg5[%dma_wait3A_111, %dma_wait3A_112] : memref<10240x128xf32, #tpu.memory_space<hbm>> -> memref<80x128xf32, #tpu.memory_space<hbm>>
      %dma_wait3A_114 = arith.constant 0 : i32
      %dma_wait3A_115 = arith.constant 0 : i32
      %dma_wait3A_116 = tpu.memref_slice %arg9[%run_scoped3A_19, %dma_wait3A_114, %dma_wait3A_115] : memref<3x80x128xf32, #tpu.memory_space<vmem>> -> memref<1x80x128xf32, #tpu.memory_space<vmem>>
      %dma_wait3A_117 = tpu.memref_squeeze %dma_wait3A_116 : memref<1x80x128xf32, #tpu.memory_space<vmem>> -> memref<80x128xf32, #tpu.memory_space<vmem>>
      %dma_wait3A_118 = arith.constant 0 : i32
      %dma_wait3A_119 = arith.constant 0 : i32
      %dma_wait3A_120 = tpu.memref_slice %arg5[%dma_wait3A_118, %dma_wait3A_119] : memref<10240x128xf32, #tpu.memory_space<hbm>> -> memref<80x128xf32, #tpu.memory_space<hbm>>
      tpu.wait_dma2 semaphore(%run_scoped3A_92 : memref<!tpu.dma_semaphore, #tpu.memory_space<semaphore_mem>>) src(%dma_wait3A_120 : memref<80x128xf32, #tpu.memory_space<hbm>>) dst(%dma_wait3A_117 : memref<80x128xf32, #tpu.memory_space<vmem>>)
      tpu.yield
    }) : () -> ()
    %scan3A = arith.constant 0 : i32
    %scan3A_20 = arith.constant 8 : i32
    %scan3A_21 = arith.addi %scan3A, %scan3A_20 : i32
    %scan3A_22 = arith.constant 1 : i32
    scf.for %scan3A_92 = %scan3A to %scan3A_21 step %scan3A_22  : i32 {
      %mul3A_93 = arith.constant 1 : i32
      %mul3A_94 = arith.muli %scan3A_92, %mul3A_93 : i32
      %add3A_95 = arith.constant 0 : i32
      %add3A_96 = arith.addi %add3A_95, %mul3A_94 : i32
      %mul3A_97 = arith.constant 640 : i32
      %mul3A_98 = arith.muli %arg1, %mul3A_97 : i32
      %mul3A_99 = arith.constant 80 : i32
      %mul3A_100 = arith.muli %add3A_96, %mul3A_99 : i32
      %add3A_101 = arith.addi %mul3A_98, %mul3A_100 : i32
      %run_scoped3A_102 = arith.constant 0 : i32
      "tpu.region"() ({
        %run_scoped3A_103 = tpu.sem_alloc : memref<!tpu.dma_semaphore, #tpu.memory_space<semaphore_mem>>
        %dma_start3A_104 = arith.constant 0 : i32
        %dma_start3A_105 = arith.constant 0 : i32
        %dma_start3A_106 = tpu.memref_slice %arg9[%run_scoped3A_102, %dma_start3A_104, %dma_start3A_105] : memref<3x80x128xf32, #tpu.memory_space<vmem>> -> memref<1x80x128xf32, #tpu.memory_space<vmem>>
        %dma_start3A_107 = tpu.memref_squeeze %dma_start3A_106 : memref<1x80x128xf32, #tpu.memory_space<vmem>> -> memref<80x128xf32, #tpu.memory_space<vmem>>
        %dma_start3A_108 = arith.constant 0 : i32
        %dma_start3A_109 = tpu.memref_slice %arg10[%add3A_101, %dma_start3A_108] : memref<10240x128xf32, #tpu.memory_space<vmem_shared>> -> memref<80x128xf32, #tpu.memory_space<vmem_shared>>
        %dma_start3A_110 = arith.constant 0 : i32
        %dma_start3A_111 = tpu.memref_slice %arg10[%add3A_101, %dma_start3A_110] : memref<10240x128xf32, #tpu.memory_space<vmem_shared>> -> memref<80x128xf32, #tpu.memory_space<vmem_shared>>
        %dma_start3A_112 = arith.constant 0 : i32
        %dma_start3A_113 = arith.constant 0 : i32
        %dma_start3A_114 = tpu.memref_slice %arg9[%run_scoped3A_102, %dma_start3A_112, %dma_start3A_113] : memref<3x80x128xf32, #tpu.memory_space<vmem>> -> memref<1x80x128xf32, #tpu.memory_space<vmem>>
        %dma_start3A_115 = tpu.memref_squeeze %dma_start3A_114 : memref<1x80x128xf32, #tpu.memory_space<vmem>> -> memref<80x128xf32, #tpu.memory_space<vmem>>
        tpu.enqueue_dma source(%dma_start3A_115 : memref<80x128xf32, #tpu.memory_space<vmem>>) target(%dma_start3A_111 : memref<80x128xf32, #tpu.memory_space<vmem_shared>>) target_semaphore(%run_scoped3A_103 : memref<!tpu.dma_semaphore, #tpu.memory_space<semaphore_mem>>)
        %dma_wait3A_116 = arith.constant 0 : i32
        %dma_wait3A_117 = arith.constant 0 : i32
        %dma_wait3A_118 = tpu.memref_slice %arg9[%run_scoped3A_102, %dma_wait3A_116, %dma_wait3A_117] : memref<3x80x128xf32, #tpu.memory_space<vmem>> -> memref<1x80x128xf32, #tpu.memory_space<vmem>>
        %dma_wait3A_119 = tpu.memref_squeeze %dma_wait3A_118 : memref<1x80x128xf32, #tpu.memory_space<vmem>> -> memref<80x128xf32, #tpu.memory_space<vmem>>
        %dma_wait3A_120 = arith.constant 0 : i32
        %dma_wait3A_121 = tpu.memref_slice %arg10[%add3A_101, %dma_wait3A_120] : memref<10240x128xf32, #tpu.memory_space<vmem_shared>> -> memref<80x128xf32, #tpu.memory_space<vmem_shared>>
        %dma_wait3A_122 = arith.constant 0 : i32
        %dma_wait3A_123 = tpu.memref_slice %arg10[%add3A_101, %dma_wait3A_122] : memref<10240x128xf32, #tpu.memory_space<vmem_shared>> -> memref<80x128xf32, #tpu.memory_space<vmem_shared>>
        %dma_wait3A_124 = arith.constant 0 : i32
        %dma_wait3A_125 = arith.constant 0 : i32
        %dma_wait3A_126 = tpu.memref_slice %arg9[%run_scoped3A_102, %dma_wait3A_124, %dma_wait3A_125] : memref<3x80x128xf32, #tpu.memory_space<vmem>> -> memref<1x80x128xf32, #tpu.memory_space<vmem>>
        %dma_wait3A_127 = tpu.memref_squeeze %dma_wait3A_126 : memref<1x80x128xf32, #tpu.memory_space<vmem>> -> memref<80x128xf32, #tpu.memory_space<vmem>>
        tpu.wait_dma2 semaphore(%run_scoped3A_103 : memref<!tpu.dma_semaphore, #tpu.memory_space<semaphore_mem>>) src(%dma_wait3A_127 : memref<80x128xf32, #tpu.memory_space<vmem>>) dst(%dma_wait3A_123 : memref<80x128xf32, #tpu.memory_space<vmem_shared>>)
        tpu.yield
      }) : () -> ()
    }
    %scan3A_23 = arith.constant 8 : i32
    %barrier3A = arith.constant 0 : index
    tpu.barrier barrier_id(%barrier3A)
    %dma_start3A_24 = arith.constant 0 : i32
    %dma_start3A_25 = arith.constant 0 : i32
    %dma_start3A_26 = arith.constant 0 : i32
    %dma_start3A_27 = tpu.memref_slice %arg9[%dma_start3A_24, %dma_start3A_25, %dma_start3A_26] : memref<3x80x128xf32, #tpu.memory_space<vmem>> -> memref<1x80x128xf32, #tpu.memory_space<vmem>>
    %dma_start3A_28 = tpu.memref_squeeze %dma_start3A_27 : memref<1x80x128xf32, #tpu.memory_space<vmem>> -> memref<80x128xf32, #tpu.memory_space<vmem>>
    %dma_start3A_29 = arith.constant 0 : i32
    %dma_start3A_30 = tpu.memref_slice %arg7[%dma_start3A_29] : memref<10000xi32, #tpu.memory_space<vmem>> -> memref<80xi32, #tpu.memory_space<vmem>>
    %dma_start3A_31 = arith.constant 0 : i32
    %dma_start3A_32 = arith.constant 0 : i32
    %dma_start3A_33 = tpu.memref_slice %arg2[%dma_start3A_31, %dma_start3A_32] : memref<10000x128xf32, #tpu.memory_space<hbm>> -> memref<10000x128xf32, #tpu.memory_space<hbm>>
    tpu.enqueue_indirect_dma source(%dma_start3A_33 : memref<10000x128xf32, #tpu.memory_space<hbm>>) target(%dma_start3A_28 : memref<80x128xf32, #tpu.memory_space<vmem>>) offsets(%dma_start3A_30 : memref<80xi32, #tpu.memory_space<vmem>>) semaphore(%arg11 : memref<!tpu.dma_semaphore, #tpu.memory_space<semaphore_mem>>)
    %dma_start3A_34 = arith.constant 1 : i32
    %dma_start3A_35 = arith.constant 0 : i32
    %dma_start3A_36 = arith.constant 0 : i32
    %dma_start3A_37 = tpu.memref_slice %arg9[%dma_start3A_34, %dma_start3A_35, %dma_start3A_36] : memref<3x80x128xf32, #tpu.memory_space<vmem>> -> memref<1x80x128xf32, #tpu.memory_space<vmem>>
    %dma_start3A_38 = tpu.memref_squeeze %dma_start3A_37 : memref<1x80x128xf32, #tpu.memory_space<vmem>> -> memref<80x128xf32, #tpu.memory_space<vmem>>
    %dma_start3A_39 = arith.constant 80 : i32
    %dma_start3A_40 = tpu.memref_slice %arg7[%dma_start3A_39] : memref<10000xi32, #tpu.memory_space<vmem>> -> memref<80xi32, #tpu.memory_space<vmem>>
    %dma_start3A_41 = arith.constant 0 : i32
    %dma_start3A_42 = arith.constant 0 : i32
    %dma_start3A_43 = tpu.memref_slice %arg2[%dma_start3A_41, %dma_start3A_42] : memref<10000x128xf32, #tpu.memory_space<hbm>> -> memref<10000x128xf32, #tpu.memory_space<hbm>>
    tpu.enqueue_indirect_dma source(%dma_start3A_43 : memref<10000x128xf32, #tpu.memory_space<hbm>>) target(%dma_start3A_38 : memref<80x128xf32, #tpu.memory_space<vmem>>) offsets(%dma_start3A_40 : memref<80xi32, #tpu.memory_space<vmem>>) semaphore(%arg12 : memref<!tpu.dma_semaphore, #tpu.memory_space<semaphore_mem>>)
    %scan3A_44 = arith.constant 0 : i32
    %scan3A_45 = arith.constant 42 : i32
    %scan3A_46 = arith.addi %scan3A_44, %scan3A_45 : i32
    %scan3A_47 = arith.constant 1 : i32
    scf.for %scan3A_92 = %scan3A_44 to %scan3A_46 step %scan3A_47  : i32 {
      %mul3A_93 = arith.constant 3 : i32
      %mul3A_94 = arith.muli %scan3A_92, %mul3A_93 : i32
      %add3A_95 = arith.constant 0 : i32
      %add3A_96 = arith.addi %add3A_95, %mul3A_94 : i32
      %add3A_97 = arith.constant 0 : i32
      %add3A_98 = arith.addi %add3A_96, %add3A_97 : i32
      %lt3A = arith.constant 125 : i32
      %lt3A_99 = arith.cmpi slt, %add3A_98, %lt3A : i32
      %convert_element_type3A = arith.extui %lt3A_99 : i1 to i32
      %cond3A = arith.constant 0 : i32
      %cond3A_100 = arith.cmpi ne, %convert_element_type3A, %cond3A : i32
      scf.if %cond3A_100 {
        %shift_right_logical3A = arith.constant 3 : i32
        %shift_right_logical3A_115 = arith.shrui %add3A_98, %shift_right_logical3A : i32
        %and3A = arith.constant 1 : i32
        %and3A_116 = arith.andi %shift_right_logical3A_115, %and3A : i32
        %and3A_117 = arith.constant 7 : i32
        %and3A_118 = arith.andi %add3A_98, %and3A_117 : i32
        %eq3A = arith.constant 0 : i32
        %eq3A_119 = arith.cmpi eq, %and3A_118, %eq3A : i32
        %ge3A = arith.constant 1 : i32
        %ge3A_120 = arith.cmpi sge, %shift_right_logical3A_115, %ge3A : i32
        %and3A_121 = arith.andi %eq3A_119, %ge3A_120 : i1
        %convert_element_type3A_122 = arith.extui %and3A_121 : i1 to i32
        %cond3A_123 = arith.constant 0 : i32
        %cond3A_124 = arith.cmpi ne, %convert_element_type3A_122, %cond3A_123 : i32
        scf.if %cond3A_124 {
          %eq3A_166 = arith.constant 0 : i32
          %eq3A_167 = arith.cmpi eq, %and3A_116, %eq3A_166 : i32
          %convert_element_type3A_168 = arith.extui %eq3A_167 : i1 to i32
          %cond3A_169 = arith.constant 0 : i32
          %cond3A_170 = arith.cmpi ne, %convert_element_type3A_168, %cond3A_169 : i32
          scf.if %cond3A_170 {
            %dma_wait3A_176 = arith.constant 0 : i32
            %dma_wait3A_177 = arith.constant 0 : i32
            %dma_wait3A_178 = arith.constant 0 : i32
            %dma_wait3A_179 = tpu.memref_slice %arg8[%dma_wait3A_176, %dma_wait3A_177, %dma_wait3A_178] : memref<2x8x80xi32, #tpu.memory_space<vmem>> -> memref<1x8x80xi32, #tpu.memory_space<vmem>>
            %dma_wait3A_180 = tpu.memref_squeeze %dma_wait3A_179 : memref<1x8x80xi32, #tpu.memory_space<vmem>> -> memref<8x80xi32, #tpu.memory_space<vmem>>
            %dma_wait3A_181 = arith.constant 0 : i32
            %dma_wait3A_182 = arith.constant 0 : i32
            %dma_wait3A_183 = tpu.memref_slice %arg4[%add3A, %dma_wait3A_181, %dma_wait3A_182] : memref<32x128x80xi32, #tpu.memory_space<hbm>> -> memref<1x8x80xi32, #tpu.memory_space<hbm>>
            %dma_wait3A_184 = tpu.memref_squeeze %dma_wait3A_183 : memref<1x8x80xi32, #tpu.memory_space<hbm>> -> memref<8x80xi32, #tpu.memory_space<hbm>>
            %dma_wait3A_185 = arith.constant 0 : i32
            %dma_wait3A_186 = arith.constant 0 : i32
            %dma_wait3A_187 = tpu.memref_slice %arg8[%dma_wait3A_176, %dma_wait3A_185, %dma_wait3A_186] : memref<2x8x80xi32, #tpu.memory_space<vmem>> -> memref<1x8x80xi32, #tpu.memory_space<vmem>>
            %dma_wait3A_188 = tpu.memref_squeeze %dma_wait3A_187 : memref<1x8x80xi32, #tpu.memory_space<vmem>> -> memref<8x80xi32, #tpu.memory_space<vmem>>
            %dma_wait3A_189 = arith.constant 0 : i32
            %dma_wait3A_190 = arith.constant 0 : i32
            %dma_wait3A_191 = tpu.memref_slice %arg4[%add3A, %dma_wait3A_189, %dma_wait3A_190] : memref<32x128x80xi32, #tpu.memory_space<hbm>> -> memref<1x8x80xi32, #tpu.memory_space<hbm>>
            %dma_wait3A_192 = tpu.memref_squeeze %dma_wait3A_191 : memref<1x8x80xi32, #tpu.memory_space<hbm>> -> memref<8x80xi32, #tpu.memory_space<hbm>>
            tpu.wait_dma2 semaphore(%arg17 : memref<!tpu.dma_semaphore, #tpu.memory_space<semaphore_mem>>) src(%dma_wait3A_192 : memref<8x80xi32, #tpu.memory_space<hbm>>) dst(%dma_wait3A_188 : memref<8x80xi32, #tpu.memory_space<vmem>>)
          } else {
          }
          %eq3A_171 = arith.constant 1 : i32
          %eq3A_172 = arith.cmpi eq, %and3A_116, %eq3A_171 : i32
          %convert_element_type3A_173 = arith.extui %eq3A_172 : i1 to i32
          %cond3A_174 = arith.constant 0 : i32
          %cond3A_175 = arith.cmpi ne, %convert_element_type3A_173, %cond3A_174 : i32
          scf.if %cond3A_175 {
            %dma_wait3A_176 = arith.constant 1 : i32
            %dma_wait3A_177 = arith.constant 0 : i32
            %dma_wait3A_178 = arith.constant 0 : i32
            %dma_wait3A_179 = tpu.memref_slice %arg8[%dma_wait3A_176, %dma_wait3A_177, %dma_wait3A_178] : memref<2x8x80xi32, #tpu.memory_space<vmem>> -> memref<1x8x80xi32, #tpu.memory_space<vmem>>
            %dma_wait3A_180 = tpu.memref_squeeze %dma_wait3A_179 : memref<1x8x80xi32, #tpu.memory_space<vmem>> -> memref<8x80xi32, #tpu.memory_space<vmem>>
            %dma_wait3A_181 = arith.constant 0 : i32
            %dma_wait3A_182 = arith.constant 0 : i32
            %dma_wait3A_183 = tpu.memref_slice %arg4[%add3A, %dma_wait3A_181, %dma_wait3A_182] : memref<32x128x80xi32, #tpu.memory_space<hbm>> -> memref<1x8x80xi32, #tpu.memory_space<hbm>>
            %dma_wait3A_184 = tpu.memref_squeeze %dma_wait3A_183 : memref<1x8x80xi32, #tpu.memory_space<hbm>> -> memref<8x80xi32, #tpu.memory_space<hbm>>
            %dma_wait3A_185 = arith.constant 0 : i32
            %dma_wait3A_186 = arith.constant 0 : i32
            %dma_wait3A_187 = tpu.memref_slice %arg8[%dma_wait3A_176, %dma_wait3A_185, %dma_wait3A_186] : memref<2x8x80xi32, #tpu.memory_space<vmem>> -> memref<1x8x80xi32, #tpu.memory_space<vmem>>
            %dma_wait3A_188 = tpu.memref_squeeze %dma_wait3A_187 : memref<1x8x80xi32, #tpu.memory_space<vmem>> -> memref<8x80xi32, #tpu.memory_space<vmem>>
            %dma_wait3A_189 = arith.constant 0 : i32
            %dma_wait3A_190 = arith.constant 0 : i32
            %dma_wait3A_191 = tpu.memref_slice %arg4[%add3A, %dma_wait3A_189, %dma_wait3A_190] : memref<32x128x80xi32, #tpu.memory_space<hbm>> -> memref<1x8x80xi32, #tpu.memory_space<hbm>>
            %dma_wait3A_192 = tpu.memref_squeeze %dma_wait3A_191 : memref<1x8x80xi32, #tpu.memory_space<hbm>> -> memref<8x80xi32, #tpu.memory_space<hbm>>
            tpu.wait_dma2 semaphore(%arg18 : memref<!tpu.dma_semaphore, #tpu.memory_space<semaphore_mem>>) src(%dma_wait3A_192 : memref<8x80xi32, #tpu.memory_space<hbm>>) dst(%dma_wait3A_188 : memref<8x80xi32, #tpu.memory_space<vmem>>)
          } else {
          }
        } else {
        }
        %mul3A_125 = arith.constant 80 : i32
        %mul3A_126 = arith.muli %add3A_98, %mul3A_125 : i32
        %dma_wait3A_127 = arith.constant 0 : i32
        %dma_wait3A_128 = arith.constant 0 : i32
        %dma_wait3A_129 = arith.constant 0 : i32
        %dma_wait3A_130 = tpu.memref_slice %arg9[%dma_wait3A_127, %dma_wait3A_128, %dma_wait3A_129] : memref<3x80x128xf32, #tpu.memory_space<vmem>> -> memref<1x80x128xf32, #tpu.memory_space<vmem>>
        %dma_wait3A_131 = tpu.memref_squeeze %dma_wait3A_130 : memref<1x80x128xf32, #tpu.memory_space<vmem>> -> memref<80x128xf32, #tpu.memory_space<vmem>>
        %dma_wait3A_132 = tpu.memref_slice %arg7[%mul3A_126] : memref<10000xi32, #tpu.memory_space<vmem>> -> memref<80xi32, #tpu.memory_space<vmem>>
        %dma_wait3A_133 = arith.constant 0 : i32
        %dma_wait3A_134 = arith.constant 0 : i32
        %dma_wait3A_135 = tpu.memref_slice %arg2[%dma_wait3A_133, %dma_wait3A_134] : memref<10000x128xf32, #tpu.memory_space<hbm>> -> memref<10000x128xf32, #tpu.memory_space<hbm>>
        tpu.wait_indirect_dma semaphore(%arg11 : memref<!tpu.dma_semaphore, #tpu.memory_space<semaphore_mem>>) src(%dma_wait3A_135 : memref<10000x128xf32, #tpu.memory_space<hbm>>) dst(%dma_wait3A_131 : memref<80x128xf32, #tpu.memory_space<vmem>>)
        %dma_start3A_136 = arith.constant 0 : i32
        %dma_start3A_137 = arith.constant 0 : i32
        %dma_start3A_138 = arith.constant 0 : i32
        %dma_start3A_139 = tpu.memref_slice %arg9[%dma_start3A_136, %dma_start3A_137, %dma_start3A_138] : memref<3x80x128xf32, #tpu.memory_space<vmem>> -> memref<1x80x128xf32, #tpu.memory_space<vmem>>
        %dma_start3A_140 = tpu.memref_squeeze %dma_start3A_139 : memref<1x80x128xf32, #tpu.memory_space<vmem>> -> memref<80x128xf32, #tpu.memory_space<vmem>>
        %dma_start3A_141 = arith.constant 0 : i32
        %dma_start3A_142 = tpu.memref_slice %arg8[%and3A_116, %and3A_118, %dma_start3A_141] : memref<2x8x80xi32, #tpu.memory_space<vmem>> -> memref<1x1x80xi32, #tpu.memory_space<vmem>>
        %dma_start3A_143 = tpu.memref_squeeze %dma_start3A_142 : memref<1x1x80xi32, #tpu.memory_space<vmem>> -> memref<80xi32, #tpu.memory_space<vmem>>
        %dma_start3A_144 = arith.constant 0 : i32
        %dma_start3A_145 = arith.constant 0 : i32
        %dma_start3A_146 = tpu.memref_slice %arg10[%dma_start3A_144, %dma_start3A_145] : memref<10240x128xf32, #tpu.memory_space<vmem_shared>> -> memref<10240x128xf32, #tpu.memory_space<vmem_shared>>
        tpu.enqueue_indirect_dma source(%dma_start3A_140 : memref<80x128xf32, #tpu.memory_space<vmem>>) target(%dma_start3A_146 : memref<10240x128xf32, #tpu.memory_space<vmem_shared>>) offsets(%dma_start3A_143 : memref<80xi32, #tpu.memory_space<vmem>>) semaphore(%arg14 : memref<!tpu.dma_semaphore, #tpu.memory_space<semaphore_mem>>) {add = true}
        %add3A_147 = arith.constant 3 : i32
        %add3A_148 = arith.addi %add3A_98, %add3A_147 : i32
        %sub3A = arith.constant 1 : i32
        %sub3A_149 = arith.subi %add3A_148, %sub3A : i32
        %lt3A_150 = arith.constant 125 : i32
        %lt3A_151 = arith.cmpi slt, %sub3A_149, %lt3A_150 : i32
        %convert_element_type3A_152 = arith.extui %lt3A_151 : i1 to i32
        %cond3A_153 = arith.constant 0 : i32
        %cond3A_154 = arith.cmpi ne, %convert_element_type3A_152, %cond3A_153 : i32
        scf.if %cond3A_154 {
          %ge3A_166 = arith.constant 1 : i32
          %ge3A_167 = arith.cmpi sge, %add3A_98, %ge3A_166 : i32
          %convert_element_type3A_168 = arith.extui %ge3A_167 : i1 to i32
          %cond3A_169 = arith.constant 0 : i32
          %cond3A_170 = arith.cmpi ne, %convert_element_type3A_168, %cond3A_169 : i32
          scf.if %cond3A_170 {
            %dma_wait3A_182 = arith.constant 2 : i32
            %dma_wait3A_183 = arith.constant 0 : i32
            %dma_wait3A_184 = arith.constant 0 : i32
            %dma_wait3A_185 = arith.constant 0 : i32
            %dma_wait3A_186 = arith.constant 0 : i32
            %dma_wait3A_187 = tpu.memref_slice %arg9[%dma_wait3A_182, %dma_wait3A_185, %dma_wait3A_186] : memref<3x80x128xf32, #tpu.memory_space<vmem>> -> memref<1x80x128xf32, #tpu.memory_space<vmem>>
            %dma_wait3A_188 = tpu.memref_squeeze %dma_wait3A_187 : memref<1x80x128xf32, #tpu.memory_space<vmem>> -> memref<80x128xf32, #tpu.memory_space<vmem>>
            %dma_wait3A_189 = arith.constant 0 : i32
            %dma_wait3A_190 = tpu.memref_slice %arg8[%dma_wait3A_183, %dma_wait3A_184, %dma_wait3A_189] : memref<2x8x80xi32, #tpu.memory_space<vmem>> -> memref<1x1x80xi32, #tpu.memory_space<vmem>>
            %dma_wait3A_191 = tpu.memref_squeeze %dma_wait3A_190 : memref<1x1x80xi32, #tpu.memory_space<vmem>> -> memref<80xi32, #tpu.memory_space<vmem>>
            %dma_wait3A_192 = arith.constant 0 : i32
            %dma_wait3A_193 = arith.constant 0 : i32
            %dma_wait3A_194 = tpu.memref_slice %arg10[%dma_wait3A_192, %dma_wait3A_193] : memref<10240x128xf32, #tpu.memory_space<vmem_shared>> -> memref<10240x128xf32, #tpu.memory_space<vmem_shared>>
            tpu.wait_indirect_dma semaphore(%arg16 : memref<!tpu.dma_semaphore, #tpu.memory_space<semaphore_mem>>) src(%dma_wait3A_188 : memref<80x128xf32, #tpu.memory_space<vmem>>) dst(%dma_wait3A_194 : memref<10240x128xf32, #tpu.memory_space<vmem_shared>>)
          } else {
          }
          %mul3A_171 = arith.constant 80 : i32
          %mul3A_172 = arith.muli %sub3A_149, %mul3A_171 : i32
          %dma_start3A_173 = arith.constant 2 : i32
          %dma_start3A_174 = arith.constant 0 : i32
          %dma_start3A_175 = arith.constant 0 : i32
          %dma_start3A_176 = tpu.memref_slice %arg9[%dma_start3A_173, %dma_start3A_174, %dma_start3A_175] : memref<3x80x128xf32, #tpu.memory_space<vmem>> -> memref<1x80x128xf32, #tpu.memory_space<vmem>>
          %dma_start3A_177 = tpu.memref_squeeze %dma_start3A_176 : memref<1x80x128xf32, #tpu.memory_space<vmem>> -> memref<80x128xf32, #tpu.memory_space<vmem>>
          %dma_start3A_178 = tpu.memref_slice %arg7[%mul3A_172] : memref<10000xi32, #tpu.memory_space<vmem>> -> memref<80xi32, #tpu.memory_space<vmem>>
          %dma_start3A_179 = arith.constant 0 : i32
          %dma_start3A_180 = arith.constant 0 : i32
          %dma_start3A_181 = tpu.memref_slice %arg2[%dma_start3A_179, %dma_start3A_180] : memref<10000x128xf32, #tpu.memory_space<hbm>> -> memref<10000x128xf32, #tpu.memory_space<hbm>>
          tpu.enqueue_indirect_dma source(%dma_start3A_181 : memref<10000x128xf32, #tpu.memory_space<hbm>>) target(%dma_start3A_177 : memref<80x128xf32, #tpu.memory_space<vmem>>) offsets(%dma_start3A_178 : memref<80xi32, #tpu.memory_space<vmem>>) semaphore(%arg13 : memref<!tpu.dma_semaphore, #tpu.memory_space<semaphore_mem>>)
        } else {
        }
        %eq3A_155 = arith.constant 0 : i32
        %eq3A_156 = arith.cmpi eq, %and3A_118, %eq3A_155 : i32
        %ge3A_157 = arith.constant 1 : i32
        %ge3A_158 = arith.cmpi sge, %shift_right_logical3A_115, %ge3A_157 : i32
        %and3A_159 = arith.andi %eq3A_156, %ge3A_158 : i1
        %lt3A_160 = arith.constant 15 : i32
        %lt3A_161 = arith.cmpi slt, %shift_right_logical3A_115, %lt3A_160 : i32
        %and3A_162 = arith.andi %and3A_159, %lt3A_161 : i1
        %convert_element_type3A_163 = arith.extui %and3A_162 : i1 to i32
        %cond3A_164 = arith.constant 0 : i32
        %cond3A_165 = arith.cmpi ne, %convert_element_type3A_163, %cond3A_164 : i32
        scf.if %cond3A_165 {
          %add3A_166 = arith.constant 1 : i32
          %add3A_167 = arith.addi %shift_right_logical3A_115, %add3A_166 : i32
          %mul3A_168 = arith.constant 8 : i32
          %mul3A_169 = arith.muli %add3A_167, %mul3A_168 : i32
          %multiple_of3A = tpu.assume_multiple %mul3A_169, 8 : i32
          %eq3A_170 = arith.constant 0 : i32
          %eq3A_171 = arith.cmpi eq, %and3A_116, %eq3A_170 : i32
          %convert_element_type3A_172 = arith.extui %eq3A_171 : i1 to i32
          %cond3A_173 = arith.constant 0 : i32
          %cond3A_174 = arith.cmpi ne, %convert_element_type3A_172, %cond3A_173 : i32
          scf.if %cond3A_174 {
            %dma_start3A_180 = arith.constant 1 : i32
            %dma_start3A_181 = arith.constant 0 : i32
            %dma_start3A_182 = arith.constant 0 : i32
            %dma_start3A_183 = tpu.memref_slice %arg8[%dma_start3A_180, %dma_start3A_181, %dma_start3A_182] : memref<2x8x80xi32, #tpu.memory_space<vmem>> -> memref<1x8x80xi32, #tpu.memory_space<vmem>>
            %dma_start3A_184 = tpu.memref_squeeze %dma_start3A_183 : memref<1x8x80xi32, #tpu.memory_space<vmem>> -> memref<8x80xi32, #tpu.memory_space<vmem>>
            %dma_start3A_185 = arith.constant 0 : i32
            %dma_start3A_186 = tpu.memref_slice %arg4[%add3A, %multiple_of3A, %dma_start3A_185] : memref<32x128x80xi32, #tpu.memory_space<hbm>> -> memref<1x8x80xi32, #tpu.memory_space<hbm>>
            %dma_start3A_187 = tpu.memref_squeeze %dma_start3A_186 : memref<1x8x80xi32, #tpu.memory_space<hbm>> -> memref<8x80xi32, #tpu.memory_space<hbm>>
            %dma_start3A_188 = arith.constant 0 : i32
            %dma_start3A_189 = arith.constant 0 : i32
            %dma_start3A_190 = tpu.memref_slice %arg8[%dma_start3A_180, %dma_start3A_188, %dma_start3A_189] : memref<2x8x80xi32, #tpu.memory_space<vmem>> -> memref<1x8x80xi32, #tpu.memory_space<vmem>>
            %dma_start3A_191 = tpu.memref_squeeze %dma_start3A_190 : memref<1x8x80xi32, #tpu.memory_space<vmem>> -> memref<8x80xi32, #tpu.memory_space<vmem>>
            %dma_start3A_192 = arith.constant 0 : i32
            %dma_start3A_193 = tpu.memref_slice %arg4[%add3A, %multiple_of3A, %dma_start3A_192] : memref<32x128x80xi32, #tpu.memory_space<hbm>> -> memref<1x8x80xi32, #tpu.memory_space<hbm>>
            %dma_start3A_194 = tpu.memref_squeeze %dma_start3A_193 : memref<1x8x80xi32, #tpu.memory_space<hbm>> -> memref<8x80xi32, #tpu.memory_space<hbm>>
            tpu.enqueue_dma source(%dma_start3A_194 : memref<8x80xi32, #tpu.memory_space<hbm>>) target(%dma_start3A_191 : memref<8x80xi32, #tpu.memory_space<vmem>>) target_semaphore(%arg18 : memref<!tpu.dma_semaphore, #tpu.memory_space<semaphore_mem>>)
          } else {
          }
          %eq3A_175 = arith.constant 1 : i32
          %eq3A_176 = arith.cmpi eq, %and3A_116, %eq3A_175 : i32
          %convert_element_type3A_177 = arith.extui %eq3A_176 : i1 to i32
          %cond3A_178 = arith.constant 0 : i32
          %cond3A_179 = arith.cmpi ne, %convert_element_type3A_177, %cond3A_178 : i32
          scf.if %cond3A_179 {
            %dma_start3A_180 = arith.constant 0 : i32
            %dma_start3A_181 = arith.constant 0 : i32
            %dma_start3A_182 = arith.constant 0 : i32
            %dma_start3A_183 = tpu.memref_slice %arg8[%dma_start3A_180, %dma_start3A_181, %dma_start3A_182] : memref<2x8x80xi32, #tpu.memory_space<vmem>> -> memref<1x8x80xi32, #tpu.memory_space<vmem>>
            %dma_start3A_184 = tpu.memref_squeeze %dma_start3A_183 : memref<1x8x80xi32, #tpu.memory_space<vmem>> -> memref<8x80xi32, #tpu.memory_space<vmem>>
            %dma_start3A_185 = arith.constant 0 : i32
            %dma_start3A_186 = tpu.memref_slice %arg4[%add3A, %multiple_of3A, %dma_start3A_185] : memref<32x128x80xi32, #tpu.memory_space<hbm>> -> memref<1x8x80xi32, #tpu.memory_space<hbm>>
            %dma_start3A_187 = tpu.memref_squeeze %dma_start3A_186 : memref<1x8x80xi32, #tpu.memory_space<hbm>> -> memref<8x80xi32, #tpu.memory_space<hbm>>
            %dma_start3A_188 = arith.constant 0 : i32
            %dma_start3A_189 = arith.constant 0 : i32
            %dma_start3A_190 = tpu.memref_slice %arg8[%dma_start3A_180, %dma_start3A_188, %dma_start3A_189] : memref<2x8x80xi32, #tpu.memory_space<vmem>> -> memref<1x8x80xi32, #tpu.memory_space<vmem>>
            %dma_start3A_191 = tpu.memref_squeeze %dma_start3A_190 : memref<1x8x80xi32, #tpu.memory_space<vmem>> -> memref<8x80xi32, #tpu.memory_space<vmem>>
            %dma_start3A_192 = arith.constant 0 : i32
            %dma_start3A_193 = tpu.memref_slice %arg4[%add3A, %multiple_of3A, %dma_start3A_192] : memref<32x128x80xi32, #tpu.memory_space<hbm>> -> memref<1x8x80xi32, #tpu.memory_space<hbm>>
            %dma_start3A_194 = tpu.memref_squeeze %dma_start3A_193 : memref<1x8x80xi32, #tpu.memory_space<hbm>> -> memref<8x80xi32, #tpu.memory_space<hbm>>
            tpu.enqueue_dma source(%dma_start3A_194 : memref<8x80xi32, #tpu.memory_space<hbm>>) target(%dma_start3A_191 : memref<8x80xi32, #tpu.memory_space<vmem>>) target_semaphore(%arg17 : memref<!tpu.dma_semaphore, #tpu.memory_space<semaphore_mem>>)
          } else {
          }
        } else {
        }
      } else {
      }
      %add3A_101 = arith.constant 1 : i32
      %add3A_102 = arith.addi %add3A_96, %add3A_101 : i32
      %lt3A_103 = arith.constant 125 : i32
      %lt3A_104 = arith.cmpi slt, %add3A_102, %lt3A_103 : i32
      %convert_element_type3A_105 = arith.extui %lt3A_104 : i1 to i32
      %cond3A_106 = arith.constant 0 : i32
      %cond3A_107 = arith.cmpi ne, %convert_element_type3A_105, %cond3A_106 : i32
      scf.if %cond3A_107 {
        %shift_right_logical3A = arith.constant 3 : i32
        %shift_right_logical3A_115 = arith.shrui %add3A_102, %shift_right_logical3A : i32
        %and3A = arith.constant 1 : i32
        %and3A_116 = arith.andi %shift_right_logical3A_115, %and3A : i32
        %and3A_117 = arith.constant 7 : i32
        %and3A_118 = arith.andi %add3A_102, %and3A_117 : i32
        %eq3A = arith.constant 0 : i32
        %eq3A_119 = arith.cmpi eq, %and3A_118, %eq3A : i32
        %ge3A = arith.constant 1 : i32
        %ge3A_120 = arith.cmpi sge, %shift_right_logical3A_115, %ge3A : i32
        %and3A_121 = arith.andi %eq3A_119, %ge3A_120 : i1
        %convert_element_type3A_122 = arith.extui %and3A_121 : i1 to i32
        %cond3A_123 = arith.constant 0 : i32
        %cond3A_124 = arith.cmpi ne, %convert_element_type3A_122, %cond3A_123 : i32
        scf.if %cond3A_124 {
          %eq3A_166 = arith.constant 0 : i32
          %eq3A_167 = arith.cmpi eq, %and3A_116, %eq3A_166 : i32
          %convert_element_type3A_168 = arith.extui %eq3A_167 : i1 to i32
          %cond3A_169 = arith.constant 0 : i32
          %cond3A_170 = arith.cmpi ne, %convert_element_type3A_168, %cond3A_169 : i32
          scf.if %cond3A_170 {
            %dma_wait3A_176 = arith.constant 0 : i32
            %dma_wait3A_177 = arith.constant 0 : i32
            %dma_wait3A_178 = arith.constant 0 : i32
            %dma_wait3A_179 = tpu.memref_slice %arg8[%dma_wait3A_176, %dma_wait3A_177, %dma_wait3A_178] : memref<2x8x80xi32, #tpu.memory_space<vmem>> -> memref<1x8x80xi32, #tpu.memory_space<vmem>>
            %dma_wait3A_180 = tpu.memref_squeeze %dma_wait3A_179 : memref<1x8x80xi32, #tpu.memory_space<vmem>> -> memref<8x80xi32, #tpu.memory_space<vmem>>
            %dma_wait3A_181 = arith.constant 0 : i32
            %dma_wait3A_182 = arith.constant 0 : i32
            %dma_wait3A_183 = tpu.memref_slice %arg4[%add3A, %dma_wait3A_181, %dma_wait3A_182] : memref<32x128x80xi32, #tpu.memory_space<hbm>> -> memref<1x8x80xi32, #tpu.memory_space<hbm>>
            %dma_wait3A_184 = tpu.memref_squeeze %dma_wait3A_183 : memref<1x8x80xi32, #tpu.memory_space<hbm>> -> memref<8x80xi32, #tpu.memory_space<hbm>>
            %dma_wait3A_185 = arith.constant 0 : i32
            %dma_wait3A_186 = arith.constant 0 : i32
            %dma_wait3A_187 = tpu.memref_slice %arg8[%dma_wait3A_176, %dma_wait3A_185, %dma_wait3A_186] : memref<2x8x80xi32, #tpu.memory_space<vmem>> -> memref<1x8x80xi32, #tpu.memory_space<vmem>>
            %dma_wait3A_188 = tpu.memref_squeeze %dma_wait3A_187 : memref<1x8x80xi32, #tpu.memory_space<vmem>> -> memref<8x80xi32, #tpu.memory_space<vmem>>
            %dma_wait3A_189 = arith.constant 0 : i32
            %dma_wait3A_190 = arith.constant 0 : i32
            %dma_wait3A_191 = tpu.memref_slice %arg4[%add3A, %dma_wait3A_189, %dma_wait3A_190] : memref<32x128x80xi32, #tpu.memory_space<hbm>> -> memref<1x8x80xi32, #tpu.memory_space<hbm>>
            %dma_wait3A_192 = tpu.memref_squeeze %dma_wait3A_191 : memref<1x8x80xi32, #tpu.memory_space<hbm>> -> memref<8x80xi32, #tpu.memory_space<hbm>>
            tpu.wait_dma2 semaphore(%arg17 : memref<!tpu.dma_semaphore, #tpu.memory_space<semaphore_mem>>) src(%dma_wait3A_192 : memref<8x80xi32, #tpu.memory_space<hbm>>) dst(%dma_wait3A_188 : memref<8x80xi32, #tpu.memory_space<vmem>>)
          } else {
          }
          %eq3A_171 = arith.constant 1 : i32
          %eq3A_172 = arith.cmpi eq, %and3A_116, %eq3A_171 : i32
          %convert_element_type3A_173 = arith.extui %eq3A_172 : i1 to i32
          %cond3A_174 = arith.constant 0 : i32
          %cond3A_175 = arith.cmpi ne, %convert_element_type3A_173, %cond3A_174 : i32
          scf.if %cond3A_175 {
            %dma_wait3A_176 = arith.constant 1 : i32
            %dma_wait3A_177 = arith.constant 0 : i32
            %dma_wait3A_178 = arith.constant 0 : i32
            %dma_wait3A_179 = tpu.memref_slice %arg8[%dma_wait3A_176, %dma_wait3A_177, %dma_wait3A_178] : memref<2x8x80xi32, #tpu.memory_space<vmem>> -> memref<1x8x80xi32, #tpu.memory_space<vmem>>
            %dma_wait3A_180 = tpu.memref_squeeze %dma_wait3A_179 : memref<1x8x80xi32, #tpu.memory_space<vmem>> -> memref<8x80xi32, #tpu.memory_space<vmem>>
            %dma_wait3A_181 = arith.constant 0 : i32
            %dma_wait3A_182 = arith.constant 0 : i32
            %dma_wait3A_183 = tpu.memref_slice %arg4[%add3A, %dma_wait3A_181, %dma_wait3A_182] : memref<32x128x80xi32, #tpu.memory_space<hbm>> -> memref<1x8x80xi32, #tpu.memory_space<hbm>>
            %dma_wait3A_184 = tpu.memref_squeeze %dma_wait3A_183 : memref<1x8x80xi32, #tpu.memory_space<hbm>> -> memref<8x80xi32, #tpu.memory_space<hbm>>
            %dma_wait3A_185 = arith.constant 0 : i32
            %dma_wait3A_186 = arith.constant 0 : i32
            %dma_wait3A_187 = tpu.memref_slice %arg8[%dma_wait3A_176, %dma_wait3A_185, %dma_wait3A_186] : memref<2x8x80xi32, #tpu.memory_space<vmem>> -> memref<1x8x80xi32, #tpu.memory_space<vmem>>
            %dma_wait3A_188 = tpu.memref_squeeze %dma_wait3A_187 : memref<1x8x80xi32, #tpu.memory_space<vmem>> -> memref<8x80xi32, #tpu.memory_space<vmem>>
            %dma_wait3A_189 = arith.constant 0 : i32
            %dma_wait3A_190 = arith.constant 0 : i32
            %dma_wait3A_191 = tpu.memref_slice %arg4[%add3A, %dma_wait3A_189, %dma_wait3A_190] : memref<32x128x80xi32, #tpu.memory_space<hbm>> -> memref<1x8x80xi32, #tpu.memory_space<hbm>>
            %dma_wait3A_192 = tpu.memref_squeeze %dma_wait3A_191 : memref<1x8x80xi32, #tpu.memory_space<hbm>> -> memref<8x80xi32, #tpu.memory_space<hbm>>
            tpu.wait_dma2 semaphore(%arg18 : memref<!tpu.dma_semaphore, #tpu.memory_space<semaphore_mem>>) src(%dma_wait3A_192 : memref<8x80xi32, #tpu.memory_space<hbm>>) dst(%dma_wait3A_188 : memref<8x80xi32, #tpu.memory_space<vmem>>)
          } else {
          }
        } else {
        }
        %mul3A_125 = arith.constant 80 : i32
        %mul3A_126 = arith.muli %add3A_102, %mul3A_125 : i32
        %dma_wait3A_127 = arith.constant 1 : i32
        %dma_wait3A_128 = arith.constant 0 : i32
        %dma_wait3A_129 = arith.constant 0 : i32
        %dma_wait3A_130 = tpu.memref_slice %arg9[%dma_wait3A_127, %dma_wait3A_128, %dma_wait3A_129] : memref<3x80x128xf32, #tpu.memory_space<vmem>> -> memref<1x80x128xf32, #tpu.memory_space<vmem>>
        %dma_wait3A_131 = tpu.memref_squeeze %dma_wait3A_130 : memref<1x80x128xf32, #tpu.memory_space<vmem>> -> memref<80x128xf32, #tpu.memory_space<vmem>>
        %dma_wait3A_132 = tpu.memref_slice %arg7[%mul3A_126] : memref<10000xi32, #tpu.memory_space<vmem>> -> memref<80xi32, #tpu.memory_space<vmem>>
        %dma_wait3A_133 = arith.constant 0 : i32
        %dma_wait3A_134 = arith.constant 0 : i32
        %dma_wait3A_135 = tpu.memref_slice %arg2[%dma_wait3A_133, %dma_wait3A_134] : memref<10000x128xf32, #tpu.memory_space<hbm>> -> memref<10000x128xf32, #tpu.memory_space<hbm>>
        tpu.wait_indirect_dma semaphore(%arg12 : memref<!tpu.dma_semaphore, #tpu.memory_space<semaphore_mem>>) src(%dma_wait3A_135 : memref<10000x128xf32, #tpu.memory_space<hbm>>) dst(%dma_wait3A_131 : memref<80x128xf32, #tpu.memory_space<vmem>>)
        %dma_start3A_136 = arith.constant 1 : i32
        %dma_start3A_137 = arith.constant 0 : i32
        %dma_start3A_138 = arith.constant 0 : i32
        %dma_start3A_139 = tpu.memref_slice %arg9[%dma_start3A_136, %dma_start3A_137, %dma_start3A_138] : memref<3x80x128xf32, #tpu.memory_space<vmem>> -> memref<1x80x128xf32, #tpu.memory_space<vmem>>
        %dma_start3A_140 = tpu.memref_squeeze %dma_start3A_139 : memref<1x80x128xf32, #tpu.memory_space<vmem>> -> memref<80x128xf32, #tpu.memory_space<vmem>>
        %dma_start3A_141 = arith.constant 0 : i32
        %dma_start3A_142 = tpu.memref_slice %arg8[%and3A_116, %and3A_118, %dma_start3A_141] : memref<2x8x80xi32, #tpu.memory_space<vmem>> -> memref<1x1x80xi32, #tpu.memory_space<vmem>>
        %dma_start3A_143 = tpu.memref_squeeze %dma_start3A_142 : memref<1x1x80xi32, #tpu.memory_space<vmem>> -> memref<80xi32, #tpu.memory_space<vmem>>
        %dma_start3A_144 = arith.constant 0 : i32
        %dma_start3A_145 = arith.constant 0 : i32
        %dma_start3A_146 = tpu.memref_slice %arg10[%dma_start3A_144, %dma_start3A_145] : memref<10240x128xf32, #tpu.memory_space<vmem_shared>> -> memref<10240x128xf32, #tpu.memory_space<vmem_shared>>
        tpu.enqueue_indirect_dma source(%dma_start3A_140 : memref<80x128xf32, #tpu.memory_space<vmem>>) target(%dma_start3A_146 : memref<10240x128xf32, #tpu.memory_space<vmem_shared>>) offsets(%dma_start3A_143 : memref<80xi32, #tpu.memory_space<vmem>>) semaphore(%arg15 : memref<!tpu.dma_semaphore, #tpu.memory_space<semaphore_mem>>) {add = true}
        %add3A_147 = arith.constant 3 : i32
        %add3A_148 = arith.addi %add3A_102, %add3A_147 : i32
        %sub3A = arith.constant 1 : i32
        %sub3A_149 = arith.subi %add3A_148, %sub3A : i32
        %lt3A_150 = arith.constant 125 : i32
        %lt3A_151 = arith.cmpi slt, %sub3A_149, %lt3A_150 : i32
        %convert_element_type3A_152 = arith.extui %lt3A_151 : i1 to i32
        %cond3A_153 = arith.constant 0 : i32
        %cond3A_154 = arith.cmpi ne, %convert_element_type3A_152, %cond3A_153 : i32
        scf.if %cond3A_154 {
          %ge3A_166 = arith.constant 1 : i32
          %ge3A_167 = arith.cmpi sge, %add3A_102, %ge3A_166 : i32
          %convert_element_type3A_168 = arith.extui %ge3A_167 : i1 to i32
          %cond3A_169 = arith.constant 0 : i32
          %cond3A_170 = arith.cmpi ne, %convert_element_type3A_168, %cond3A_169 : i32
          scf.if %cond3A_170 {
            %dma_wait3A_182 = arith.constant 0 : i32
            %dma_wait3A_183 = arith.constant 0 : i32
            %dma_wait3A_184 = arith.constant 0 : i32
            %dma_wait3A_185 = arith.constant 0 : i32
            %dma_wait3A_186 = arith.constant 0 : i32
            %dma_wait3A_187 = tpu.memref_slice %arg9[%dma_wait3A_182, %dma_wait3A_185, %dma_wait3A_186] : memref<3x80x128xf32, #tpu.memory_space<vmem>> -> memref<1x80x128xf32, #tpu.memory_space<vmem>>
            %dma_wait3A_188 = tpu.memref_squeeze %dma_wait3A_187 : memref<1x80x128xf32, #tpu.memory_space<vmem>> -> memref<80x128xf32, #tpu.memory_space<vmem>>
            %dma_wait3A_189 = arith.constant 0 : i32
            %dma_wait3A_190 = tpu.memref_slice %arg8[%dma_wait3A_183, %dma_wait3A_184, %dma_wait3A_189] : memref<2x8x80xi32, #tpu.memory_space<vmem>> -> memref<1x1x80xi32, #tpu.memory_space<vmem>>
            %dma_wait3A_191 = tpu.memref_squeeze %dma_wait3A_190 : memref<1x1x80xi32, #tpu.memory_space<vmem>> -> memref<80xi32, #tpu.memory_space<vmem>>
            %dma_wait3A_192 = arith.constant 0 : i32
            %dma_wait3A_193 = arith.constant 0 : i32
            %dma_wait3A_194 = tpu.memref_slice %arg10[%dma_wait3A_192, %dma_wait3A_193] : memref<10240x128xf32, #tpu.memory_space<vmem_shared>> -> memref<10240x128xf32, #tpu.memory_space<vmem_shared>>
            tpu.wait_indirect_dma semaphore(%arg14 : memref<!tpu.dma_semaphore, #tpu.memory_space<semaphore_mem>>) src(%dma_wait3A_188 : memref<80x128xf32, #tpu.memory_space<vmem>>) dst(%dma_wait3A_194 : memref<10240x128xf32, #tpu.memory_space<vmem_shared>>)
          } else {
          }
          %mul3A_171 = arith.constant 80 : i32
          %mul3A_172 = arith.muli %sub3A_149, %mul3A_171 : i32
          %dma_start3A_173 = arith.constant 0 : i32
          %dma_start3A_174 = arith.constant 0 : i32
          %dma_start3A_175 = arith.constant 0 : i32
          %dma_start3A_176 = tpu.memref_slice %arg9[%dma_start3A_173, %dma_start3A_174, %dma_start3A_175] : memref<3x80x128xf32, #tpu.memory_space<vmem>> -> memref<1x80x128xf32, #tpu.memory_space<vmem>>
          %dma_start3A_177 = tpu.memref_squeeze %dma_start3A_176 : memref<1x80x128xf32, #tpu.memory_space<vmem>> -> memref<80x128xf32, #tpu.memory_space<vmem>>
          %dma_start3A_178 = tpu.memref_slice %arg7[%mul3A_172] : memref<10000xi32, #tpu.memory_space<vmem>> -> memref<80xi32, #tpu.memory_space<vmem>>
          %dma_start3A_179 = arith.constant 0 : i32
          %dma_start3A_180 = arith.constant 0 : i32
          %dma_start3A_181 = tpu.memref_slice %arg2[%dma_start3A_179, %dma_start3A_180] : memref<10000x128xf32, #tpu.memory_space<hbm>> -> memref<10000x128xf32, #tpu.memory_space<hbm>>
          tpu.enqueue_indirect_dma source(%dma_start3A_181 : memref<10000x128xf32, #tpu.memory_space<hbm>>) target(%dma_start3A_177 : memref<80x128xf32, #tpu.memory_space<vmem>>) offsets(%dma_start3A_178 : memref<80xi32, #tpu.memory_space<vmem>>) semaphore(%arg11 : memref<!tpu.dma_semaphore, #tpu.memory_space<semaphore_mem>>)
        } else {
        }
        %eq3A_155 = arith.constant 0 : i32
        %eq3A_156 = arith.cmpi eq, %and3A_118, %eq3A_155 : i32
        %ge3A_157 = arith.constant 1 : i32
        %ge3A_158 = arith.cmpi sge, %shift_right_logical3A_115, %ge3A_157 : i32
        %and3A_159 = arith.andi %eq3A_156, %ge3A_158 : i1
        %lt3A_160 = arith.constant 15 : i32
        %lt3A_161 = arith.cmpi slt, %shift_right_logical3A_115, %lt3A_160 : i32
        %and3A_162 = arith.andi %and3A_159, %lt3A_161 : i1
        %convert_element_type3A_163 = arith.extui %and3A_162 : i1 to i32
        %cond3A_164 = arith.constant 0 : i32
        %cond3A_165 = arith.cmpi ne, %convert_element_type3A_163, %cond3A_164 : i32
        scf.if %cond3A_165 {
          %add3A_166 = arith.constant 1 : i32
          %add3A_167 = arith.addi %shift_right_logical3A_115, %add3A_166 : i32
          %mul3A_168 = arith.constant 8 : i32
          %mul3A_169 = arith.muli %add3A_167, %mul3A_168 : i32
          %multiple_of3A = tpu.assume_multiple %mul3A_169, 8 : i32
          %eq3A_170 = arith.constant 0 : i32
          %eq3A_171 = arith.cmpi eq, %and3A_116, %eq3A_170 : i32
          %convert_element_type3A_172 = arith.extui %eq3A_171 : i1 to i32
          %cond3A_173 = arith.constant 0 : i32
          %cond3A_174 = arith.cmpi ne, %convert_element_type3A_172, %cond3A_173 : i32
          scf.if %cond3A_174 {
            %dma_start3A_180 = arith.constant 1 : i32
            %dma_start3A_181 = arith.constant 0 : i32
            %dma_start3A_182 = arith.constant 0 : i32
            %dma_start3A_183 = tpu.memref_slice %arg8[%dma_start3A_180, %dma_start3A_181, %dma_start3A_182] : memref<2x8x80xi32, #tpu.memory_space<vmem>> -> memref<1x8x80xi32, #tpu.memory_space<vmem>>
            %dma_start3A_184 = tpu.memref_squeeze %dma_start3A_183 : memref<1x8x80xi32, #tpu.memory_space<vmem>> -> memref<8x80xi32, #tpu.memory_space<vmem>>
            %dma_start3A_185 = arith.constant 0 : i32
            %dma_start3A_186 = tpu.memref_slice %arg4[%add3A, %multiple_of3A, %dma_start3A_185] : memref<32x128x80xi32, #tpu.memory_space<hbm>> -> memref<1x8x80xi32, #tpu.memory_space<hbm>>
            %dma_start3A_187 = tpu.memref_squeeze %dma_start3A_186 : memref<1x8x80xi32, #tpu.memory_space<hbm>> -> memref<8x80xi32, #tpu.memory_space<hbm>>
            %dma_start3A_188 = arith.constant 0 : i32
            %dma_start3A_189 = arith.constant 0 : i32
            %dma_start3A_190 = tpu.memref_slice %arg8[%dma_start3A_180, %dma_start3A_188, %dma_start3A_189] : memref<2x8x80xi32, #tpu.memory_space<vmem>> -> memref<1x8x80xi32, #tpu.memory_space<vmem>>
            %dma_start3A_191 = tpu.memref_squeeze %dma_start3A_190 : memref<1x8x80xi32, #tpu.memory_space<vmem>> -> memref<8x80xi32, #tpu.memory_space<vmem>>
            %dma_start3A_192 = arith.constant 0 : i32
            %dma_start3A_193 = tpu.memref_slice %arg4[%add3A, %multiple_of3A, %dma_start3A_192] : memref<32x128x80xi32, #tpu.memory_space<hbm>> -> memref<1x8x80xi32, #tpu.memory_space<hbm>>
            %dma_start3A_194 = tpu.memref_squeeze %dma_start3A_193 : memref<1x8x80xi32, #tpu.memory_space<hbm>> -> memref<8x80xi32, #tpu.memory_space<hbm>>
            tpu.enqueue_dma source(%dma_start3A_194 : memref<8x80xi32, #tpu.memory_space<hbm>>) target(%dma_start3A_191 : memref<8x80xi32, #tpu.memory_space<vmem>>) target_semaphore(%arg18 : memref<!tpu.dma_semaphore, #tpu.memory_space<semaphore_mem>>)
          } else {
          }
          %eq3A_175 = arith.constant 1 : i32
          %eq3A_176 = arith.cmpi eq, %and3A_116, %eq3A_175 : i32
          %convert_element_type3A_177 = arith.extui %eq3A_176 : i1 to i32
          %cond3A_178 = arith.constant 0 : i32
          %cond3A_179 = arith.cmpi ne, %convert_element_type3A_177, %cond3A_178 : i32
          scf.if %cond3A_179 {
            %dma_start3A_180 = arith.constant 0 : i32
            %dma_start3A_181 = arith.constant 0 : i32
            %dma_start3A_182 = arith.constant 0 : i32
            %dma_start3A_183 = tpu.memref_slice %arg8[%dma_start3A_180, %dma_start3A_181, %dma_start3A_182] : memref<2x8x80xi32, #tpu.memory_space<vmem>> -> memref<1x8x80xi32, #tpu.memory_space<vmem>>
            %dma_start3A_184 = tpu.memref_squeeze %dma_start3A_183 : memref<1x8x80xi32, #tpu.memory_space<vmem>> -> memref<8x80xi32, #tpu.memory_space<vmem>>
            %dma_start3A_185 = arith.constant 0 : i32
            %dma_start3A_186 = tpu.memref_slice %arg4[%add3A, %multiple_of3A, %dma_start3A_185] : memref<32x128x80xi32, #tpu.memory_space<hbm>> -> memref<1x8x80xi32, #tpu.memory_space<hbm>>
            %dma_start3A_187 = tpu.memref_squeeze %dma_start3A_186 : memref<1x8x80xi32, #tpu.memory_space<hbm>> -> memref<8x80xi32, #tpu.memory_space<hbm>>
            %dma_start3A_188 = arith.constant 0 : i32
            %dma_start3A_189 = arith.constant 0 : i32
            %dma_start3A_190 = tpu.memref_slice %arg8[%dma_start3A_180, %dma_start3A_188, %dma_start3A_189] : memref<2x8x80xi32, #tpu.memory_space<vmem>> -> memref<1x8x80xi32, #tpu.memory_space<vmem>>
            %dma_start3A_191 = tpu.memref_squeeze %dma_start3A_190 : memref<1x8x80xi32, #tpu.memory_space<vmem>> -> memref<8x80xi32, #tpu.memory_space<vmem>>
            %dma_start3A_192 = arith.constant 0 : i32
            %dma_start3A_193 = tpu.memref_slice %arg4[%add3A, %multiple_of3A, %dma_start3A_192] : memref<32x128x80xi32, #tpu.memory_space<hbm>> -> memref<1x8x80xi32, #tpu.memory_space<hbm>>
            %dma_start3A_194 = tpu.memref_squeeze %dma_start3A_193 : memref<1x8x80xi32, #tpu.memory_space<hbm>> -> memref<8x80xi32, #tpu.memory_space<hbm>>
            tpu.enqueue_dma source(%dma_start3A_194 : memref<8x80xi32, #tpu.memory_space<hbm>>) target(%dma_start3A_191 : memref<8x80xi32, #tpu.memory_space<vmem>>) target_semaphore(%arg17 : memref<!tpu.dma_semaphore, #tpu.memory_space<semaphore_mem>>)
          } else {
          }
        } else {
        }
      } else {
      }
      %add3A_108 = arith.constant 2 : i32
      %add3A_109 = arith.addi %add3A_96, %add3A_108 : i32
      %lt3A_110 = arith.constant 125 : i32
      %lt3A_111 = arith.cmpi slt, %add3A_109, %lt3A_110 : i32
      %convert_element_type3A_112 = arith.extui %lt3A_111 : i1 to i32
      %cond3A_113 = arith.constant 0 : i32
      %cond3A_114 = arith.cmpi ne, %convert_element_type3A_112, %cond3A_113 : i32
      scf.if %cond3A_114 {
        %shift_right_logical3A = arith.constant 3 : i32
        %shift_right_logical3A_115 = arith.shrui %add3A_109, %shift_right_logical3A : i32
        %and3A = arith.constant 1 : i32
        %and3A_116 = arith.andi %shift_right_logical3A_115, %and3A : i32
        %and3A_117 = arith.constant 7 : i32
        %and3A_118 = arith.andi %add3A_109, %and3A_117 : i32
        %eq3A = arith.constant 0 : i32
        %eq3A_119 = arith.cmpi eq, %and3A_118, %eq3A : i32
        %ge3A = arith.constant 1 : i32
        %ge3A_120 = arith.cmpi sge, %shift_right_logical3A_115, %ge3A : i32
        %and3A_121 = arith.andi %eq3A_119, %ge3A_120 : i1
        %convert_element_type3A_122 = arith.extui %and3A_121 : i1 to i32
        %cond3A_123 = arith.constant 0 : i32
        %cond3A_124 = arith.cmpi ne, %convert_element_type3A_122, %cond3A_123 : i32
        scf.if %cond3A_124 {
          %eq3A_166 = arith.constant 0 : i32
          %eq3A_167 = arith.cmpi eq, %and3A_116, %eq3A_166 : i32
          %convert_element_type3A_168 = arith.extui %eq3A_167 : i1 to i32
          %cond3A_169 = arith.constant 0 : i32
          %cond3A_170 = arith.cmpi ne, %convert_element_type3A_168, %cond3A_169 : i32
          scf.if %cond3A_170 {
            %dma_wait3A_176 = arith.constant 0 : i32
            %dma_wait3A_177 = arith.constant 0 : i32
            %dma_wait3A_178 = arith.constant 0 : i32
            %dma_wait3A_179 = tpu.memref_slice %arg8[%dma_wait3A_176, %dma_wait3A_177, %dma_wait3A_178] : memref<2x8x80xi32, #tpu.memory_space<vmem>> -> memref<1x8x80xi32, #tpu.memory_space<vmem>>
            %dma_wait3A_180 = tpu.memref_squeeze %dma_wait3A_179 : memref<1x8x80xi32, #tpu.memory_space<vmem>> -> memref<8x80xi32, #tpu.memory_space<vmem>>
            %dma_wait3A_181 = arith.constant 0 : i32
            %dma_wait3A_182 = arith.constant 0 : i32
            %dma_wait3A_183 = tpu.memref_slice %arg4[%add3A, %dma_wait3A_181, %dma_wait3A_182] : memref<32x128x80xi32, #tpu.memory_space<hbm>> -> memref<1x8x80xi32, #tpu.memory_space<hbm>>
            %dma_wait3A_184 = tpu.memref_squeeze %dma_wait3A_183 : memref<1x8x80xi32, #tpu.memory_space<hbm>> -> memref<8x80xi32, #tpu.memory_space<hbm>>
            %dma_wait3A_185 = arith.constant 0 : i32
            %dma_wait3A_186 = arith.constant 0 : i32
            %dma_wait3A_187 = tpu.memref_slice %arg8[%dma_wait3A_176, %dma_wait3A_185, %dma_wait3A_186] : memref<2x8x80xi32, #tpu.memory_space<vmem>> -> memref<1x8x80xi32, #tpu.memory_space<vmem>>
            %dma_wait3A_188 = tpu.memref_squeeze %dma_wait3A_187 : memref<1x8x80xi32, #tpu.memory_space<vmem>> -> memref<8x80xi32, #tpu.memory_space<vmem>>
            %dma_wait3A_189 = arith.constant 0 : i32
            %dma_wait3A_190 = arith.constant 0 : i32
            %dma_wait3A_191 = tpu.memref_slice %arg4[%add3A, %dma_wait3A_189, %dma_wait3A_190] : memref<32x128x80xi32, #tpu.memory_space<hbm>> -> memref<1x8x80xi32, #tpu.memory_space<hbm>>
            %dma_wait3A_192 = tpu.memref_squeeze %dma_wait3A_191 : memref<1x8x80xi32, #tpu.memory_space<hbm>> -> memref<8x80xi32, #tpu.memory_space<hbm>>
            tpu.wait_dma2 semaphore(%arg17 : memref<!tpu.dma_semaphore, #tpu.memory_space<semaphore_mem>>) src(%dma_wait3A_192 : memref<8x80xi32, #tpu.memory_space<hbm>>) dst(%dma_wait3A_188 : memref<8x80xi32, #tpu.memory_space<vmem>>)
          } else {
          }
          %eq3A_171 = arith.constant 1 : i32
          %eq3A_172 = arith.cmpi eq, %and3A_116, %eq3A_171 : i32
          %convert_element_type3A_173 = arith.extui %eq3A_172 : i1 to i32
          %cond3A_174 = arith.constant 0 : i32
          %cond3A_175 = arith.cmpi ne, %convert_element_type3A_173, %cond3A_174 : i32
          scf.if %cond3A_175 {
            %dma_wait3A_176 = arith.constant 1 : i32
            %dma_wait3A_177 = arith.constant 0 : i32
            %dma_wait3A_178 = arith.constant 0 : i32
            %dma_wait3A_179 = tpu.memref_slice %arg8[%dma_wait3A_176, %dma_wait3A_177, %dma_wait3A_178] : memref<2x8x80xi32, #tpu.memory_space<vmem>> -> memref<1x8x80xi32, #tpu.memory_space<vmem>>
            %dma_wait3A_180 = tpu.memref_squeeze %dma_wait3A_179 : memref<1x8x80xi32, #tpu.memory_space<vmem>> -> memref<8x80xi32, #tpu.memory_space<vmem>>
            %dma_wait3A_181 = arith.constant 0 : i32
            %dma_wait3A_182 = arith.constant 0 : i32
            %dma_wait3A_183 = tpu.memref_slice %arg4[%add3A, %dma_wait3A_181, %dma_wait3A_182] : memref<32x128x80xi32, #tpu.memory_space<hbm>> -> memref<1x8x80xi32, #tpu.memory_space<hbm>>
            %dma_wait3A_184 = tpu.memref_squeeze %dma_wait3A_183 : memref<1x8x80xi32, #tpu.memory_space<hbm>> -> memref<8x80xi32, #tpu.memory_space<hbm>>
            %dma_wait3A_185 = arith.constant 0 : i32
            %dma_wait3A_186 = arith.constant 0 : i32
            %dma_wait3A_187 = tpu.memref_slice %arg8[%dma_wait3A_176, %dma_wait3A_185, %dma_wait3A_186] : memref<2x8x80xi32, #tpu.memory_space<vmem>> -> memref<1x8x80xi32, #tpu.memory_space<vmem>>
            %dma_wait3A_188 = tpu.memref_squeeze %dma_wait3A_187 : memref<1x8x80xi32, #tpu.memory_space<vmem>> -> memref<8x80xi32, #tpu.memory_space<vmem>>
            %dma_wait3A_189 = arith.constant 0 : i32
            %dma_wait3A_190 = arith.constant 0 : i32
            %dma_wait3A_191 = tpu.memref_slice %arg4[%add3A, %dma_wait3A_189, %dma_wait3A_190] : memref<32x128x80xi32, #tpu.memory_space<hbm>> -> memref<1x8x80xi32, #tpu.memory_space<hbm>>
            %dma_wait3A_192 = tpu.memref_squeeze %dma_wait3A_191 : memref<1x8x80xi32, #tpu.memory_space<hbm>> -> memref<8x80xi32, #tpu.memory_space<hbm>>
            tpu.wait_dma2 semaphore(%arg18 : memref<!tpu.dma_semaphore, #tpu.memory_space<semaphore_mem>>) src(%dma_wait3A_192 : memref<8x80xi32, #tpu.memory_space<hbm>>) dst(%dma_wait3A_188 : memref<8x80xi32, #tpu.memory_space<vmem>>)
          } else {
          }
        } else {
        }
        %mul3A_125 = arith.constant 80 : i32
        %mul3A_126 = arith.muli %add3A_109, %mul3A_125 : i32
        %dma_wait3A_127 = arith.constant 2 : i32
        %dma_wait3A_128 = arith.constant 0 : i32
        %dma_wait3A_129 = arith.constant 0 : i32
        %dma_wait3A_130 = tpu.memref_slice %arg9[%dma_wait3A_127, %dma_wait3A_128, %dma_wait3A_129] : memref<3x80x128xf32, #tpu.memory_space<vmem>> -> memref<1x80x128xf32, #tpu.memory_space<vmem>>
        %dma_wait3A_131 = tpu.memref_squeeze %dma_wait3A_130 : memref<1x80x128xf32, #tpu.memory_space<vmem>> -> memref<80x128xf32, #tpu.memory_space<vmem>>
        %dma_wait3A_132 = tpu.memref_slice %arg7[%mul3A_126] : memref<10000xi32, #tpu.memory_space<vmem>> -> memref<80xi32, #tpu.memory_space<vmem>>
        %dma_wait3A_133 = arith.constant 0 : i32
        %dma_wait3A_134 = arith.constant 0 : i32
        %dma_wait3A_135 = tpu.memref_slice %arg2[%dma_wait3A_133, %dma_wait3A_134] : memref<10000x128xf32, #tpu.memory_space<hbm>> -> memref<10000x128xf32, #tpu.memory_space<hbm>>
        tpu.wait_indirect_dma semaphore(%arg13 : memref<!tpu.dma_semaphore, #tpu.memory_space<semaphore_mem>>) src(%dma_wait3A_135 : memref<10000x128xf32, #tpu.memory_space<hbm>>) dst(%dma_wait3A_131 : memref<80x128xf32, #tpu.memory_space<vmem>>)
        %dma_start3A_136 = arith.constant 2 : i32
        %dma_start3A_137 = arith.constant 0 : i32
        %dma_start3A_138 = arith.constant 0 : i32
        %dma_start3A_139 = tpu.memref_slice %arg9[%dma_start3A_136, %dma_start3A_137, %dma_start3A_138] : memref<3x80x128xf32, #tpu.memory_space<vmem>> -> memref<1x80x128xf32, #tpu.memory_space<vmem>>
        %dma_start3A_140 = tpu.memref_squeeze %dma_start3A_139 : memref<1x80x128xf32, #tpu.memory_space<vmem>> -> memref<80x128xf32, #tpu.memory_space<vmem>>
        %dma_start3A_141 = arith.constant 0 : i32
        %dma_start3A_142 = tpu.memref_slice %arg8[%and3A_116, %and3A_118, %dma_start3A_141] : memref<2x8x80xi32, #tpu.memory_space<vmem>> -> memref<1x1x80xi32, #tpu.memory_space<vmem>>
        %dma_start3A_143 = tpu.memref_squeeze %dma_start3A_142 : memref<1x1x80xi32, #tpu.memory_space<vmem>> -> memref<80xi32, #tpu.memory_space<vmem>>
        %dma_start3A_144 = arith.constant 0 : i32
        %dma_start3A_145 = arith.constant 0 : i32
        %dma_start3A_146 = tpu.memref_slice %arg10[%dma_start3A_144, %dma_start3A_145] : memref<10240x128xf32, #tpu.memory_space<vmem_shared>> -> memref<10240x128xf32, #tpu.memory_space<vmem_shared>>
        tpu.enqueue_indirect_dma source(%dma_start3A_140 : memref<80x128xf32, #tpu.memory_space<vmem>>) target(%dma_start3A_146 : memref<10240x128xf32, #tpu.memory_space<vmem_shared>>) offsets(%dma_start3A_143 : memref<80xi32, #tpu.memory_space<vmem>>) semaphore(%arg16 : memref<!tpu.dma_semaphore, #tpu.memory_space<semaphore_mem>>) {add = true}
        %add3A_147 = arith.constant 3 : i32
        %add3A_148 = arith.addi %add3A_109, %add3A_147 : i32
        %sub3A = arith.constant 1 : i32
        %sub3A_149 = arith.subi %add3A_148, %sub3A : i32
        %lt3A_150 = arith.constant 125 : i32
        %lt3A_151 = arith.cmpi slt, %sub3A_149, %lt3A_150 : i32
        %convert_element_type3A_152 = arith.extui %lt3A_151 : i1 to i32
        %cond3A_153 = arith.constant 0 : i32
        %cond3A_154 = arith.cmpi ne, %convert_element_type3A_152, %cond3A_153 : i32
        scf.if %cond3A_154 {
          %ge3A_166 = arith.constant 1 : i32
          %ge3A_167 = arith.cmpi sge, %add3A_109, %ge3A_166 : i32
          %convert_element_type3A_168 = arith.extui %ge3A_167 : i1 to i32
          %cond3A_169 = arith.constant 0 : i32
          %cond3A_170 = arith.cmpi ne, %convert_element_type3A_168, %cond3A_169 : i32
          scf.if %cond3A_170 {
            %dma_wait3A_182 = arith.constant 1 : i32
            %dma_wait3A_183 = arith.constant 0 : i32
            %dma_wait3A_184 = arith.constant 0 : i32
            %dma_wait3A_185 = arith.constant 0 : i32
            %dma_wait3A_186 = arith.constant 0 : i32
            %dma_wait3A_187 = tpu.memref_slice %arg9[%dma_wait3A_182, %dma_wait3A_185, %dma_wait3A_186] : memref<3x80x128xf32, #tpu.memory_space<vmem>> -> memref<1x80x128xf32, #tpu.memory_space<vmem>>
            %dma_wait3A_188 = tpu.memref_squeeze %dma_wait3A_187 : memref<1x80x128xf32, #tpu.memory_space<vmem>> -> memref<80x128xf32, #tpu.memory_space<vmem>>
            %dma_wait3A_189 = arith.constant 0 : i32
            %dma_wait3A_190 = tpu.memref_slice %arg8[%dma_wait3A_183, %dma_wait3A_184, %dma_wait3A_189] : memref<2x8x80xi32, #tpu.memory_space<vmem>> -> memref<1x1x80xi32, #tpu.memory_space<vmem>>
            %dma_wait3A_191 = tpu.memref_squeeze %dma_wait3A_190 : memref<1x1x80xi32, #tpu.memory_space<vmem>> -> memref<80xi32, #tpu.memory_space<vmem>>
            %dma_wait3A_192 = arith.constant 0 : i32
            %dma_wait3A_193 = arith.constant 0 : i32
            %dma_wait3A_194 = tpu.memref_slice %arg10[%dma_wait3A_192, %dma_wait3A_193] : memref<10240x128xf32, #tpu.memory_space<vmem_shared>> -> memref<10240x128xf32, #tpu.memory_space<vmem_shared>>
            tpu.wait_indirect_dma semaphore(%arg15 : memref<!tpu.dma_semaphore, #tpu.memory_space<semaphore_mem>>) src(%dma_wait3A_188 : memref<80x128xf32, #tpu.memory_space<vmem>>) dst(%dma_wait3A_194 : memref<10240x128xf32, #tpu.memory_space<vmem_shared>>)
          } else {
          }
          %mul3A_171 = arith.constant 80 : i32
          %mul3A_172 = arith.muli %sub3A_149, %mul3A_171 : i32
          %dma_start3A_173 = arith.constant 1 : i32
          %dma_start3A_174 = arith.constant 0 : i32
          %dma_start3A_175 = arith.constant 0 : i32
          %dma_start3A_176 = tpu.memref_slice %arg9[%dma_start3A_173, %dma_start3A_174, %dma_start3A_175] : memref<3x80x128xf32, #tpu.memory_space<vmem>> -> memref<1x80x128xf32, #tpu.memory_space<vmem>>
          %dma_start3A_177 = tpu.memref_squeeze %dma_start3A_176 : memref<1x80x128xf32, #tpu.memory_space<vmem>> -> memref<80x128xf32, #tpu.memory_space<vmem>>
          %dma_start3A_178 = tpu.memref_slice %arg7[%mul3A_172] : memref<10000xi32, #tpu.memory_space<vmem>> -> memref<80xi32, #tpu.memory_space<vmem>>
          %dma_start3A_179 = arith.constant 0 : i32
          %dma_start3A_180 = arith.constant 0 : i32
          %dma_start3A_181 = tpu.memref_slice %arg2[%dma_start3A_179, %dma_start3A_180] : memref<10000x128xf32, #tpu.memory_space<hbm>> -> memref<10000x128xf32, #tpu.memory_space<hbm>>
          tpu.enqueue_indirect_dma source(%dma_start3A_181 : memref<10000x128xf32, #tpu.memory_space<hbm>>) target(%dma_start3A_177 : memref<80x128xf32, #tpu.memory_space<vmem>>) offsets(%dma_start3A_178 : memref<80xi32, #tpu.memory_space<vmem>>) semaphore(%arg12 : memref<!tpu.dma_semaphore, #tpu.memory_space<semaphore_mem>>)
        } else {
        }
        %eq3A_155 = arith.constant 0 : i32
        %eq3A_156 = arith.cmpi eq, %and3A_118, %eq3A_155 : i32
        %ge3A_157 = arith.constant 1 : i32
        %ge3A_158 = arith.cmpi sge, %shift_right_logical3A_115, %ge3A_157 : i32
        %and3A_159 = arith.andi %eq3A_156, %ge3A_158 : i1
        %lt3A_160 = arith.constant 15 : i32
        %lt3A_161 = arith.cmpi slt, %shift_right_logical3A_115, %lt3A_160 : i32
        %and3A_162 = arith.andi %and3A_159, %lt3A_161 : i1
        %convert_element_type3A_163 = arith.extui %and3A_162 : i1 to i32
        %cond3A_164 = arith.constant 0 : i32
        %cond3A_165 = arith.cmpi ne, %convert_element_type3A_163, %cond3A_164 : i32
        scf.if %cond3A_165 {
          %add3A_166 = arith.constant 1 : i32
          %add3A_167 = arith.addi %shift_right_logical3A_115, %add3A_166 : i32
          %mul3A_168 = arith.constant 8 : i32
          %mul3A_169 = arith.muli %add3A_167, %mul3A_168 : i32
          %multiple_of3A = tpu.assume_multiple %mul3A_169, 8 : i32
          %eq3A_170 = arith.constant 0 : i32
          %eq3A_171 = arith.cmpi eq, %and3A_116, %eq3A_170 : i32
          %convert_element_type3A_172 = arith.extui %eq3A_171 : i1 to i32
          %cond3A_173 = arith.constant 0 : i32
          %cond3A_174 = arith.cmpi ne, %convert_element_type3A_172, %cond3A_173 : i32
          scf.if %cond3A_174 {
            %dma_start3A_180 = arith.constant 1 : i32
            %dma_start3A_181 = arith.constant 0 : i32
            %dma_start3A_182 = arith.constant 0 : i32
            %dma_start3A_183 = tpu.memref_slice %arg8[%dma_start3A_180, %dma_start3A_181, %dma_start3A_182] : memref<2x8x80xi32, #tpu.memory_space<vmem>> -> memref<1x8x80xi32, #tpu.memory_space<vmem>>
            %dma_start3A_184 = tpu.memref_squeeze %dma_start3A_183 : memref<1x8x80xi32, #tpu.memory_space<vmem>> -> memref<8x80xi32, #tpu.memory_space<vmem>>
            %dma_start3A_185 = arith.constant 0 : i32
            %dma_start3A_186 = tpu.memref_slice %arg4[%add3A, %multiple_of3A, %dma_start3A_185] : memref<32x128x80xi32, #tpu.memory_space<hbm>> -> memref<1x8x80xi32, #tpu.memory_space<hbm>>
            %dma_start3A_187 = tpu.memref_squeeze %dma_start3A_186 : memref<1x8x80xi32, #tpu.memory_space<hbm>> -> memref<8x80xi32, #tpu.memory_space<hbm>>
            %dma_start3A_188 = arith.constant 0 : i32
            %dma_start3A_189 = arith.constant 0 : i32
            %dma_start3A_190 = tpu.memref_slice %arg8[%dma_start3A_180, %dma_start3A_188, %dma_start3A_189] : memref<2x8x80xi32, #tpu.memory_space<vmem>> -> memref<1x8x80xi32, #tpu.memory_space<vmem>>
            %dma_start3A_191 = tpu.memref_squeeze %dma_start3A_190 : memref<1x8x80xi32, #tpu.memory_space<vmem>> -> memref<8x80xi32, #tpu.memory_space<vmem>>
            %dma_start3A_192 = arith.constant 0 : i32
            %dma_start3A_193 = tpu.memref_slice %arg4[%add3A, %multiple_of3A, %dma_start3A_192] : memref<32x128x80xi32, #tpu.memory_space<hbm>> -> memref<1x8x80xi32, #tpu.memory_space<hbm>>
            %dma_start3A_194 = tpu.memref_squeeze %dma_start3A_193 : memref<1x8x80xi32, #tpu.memory_space<hbm>> -> memref<8x80xi32, #tpu.memory_space<hbm>>
            tpu.enqueue_dma source(%dma_start3A_194 : memref<8x80xi32, #tpu.memory_space<hbm>>) target(%dma_start3A_191 : memref<8x80xi32, #tpu.memory_space<vmem>>) target_semaphore(%arg18 : memref<!tpu.dma_semaphore, #tpu.memory_space<semaphore_mem>>)
          } else {
          }
          %eq3A_175 = arith.constant 1 : i32
          %eq3A_176 = arith.cmpi eq, %and3A_116, %eq3A_175 : i32
          %convert_element_type3A_177 = arith.extui %eq3A_176 : i1 to i32
          %cond3A_178 = arith.constant 0 : i32
          %cond3A_179 = arith.cmpi ne, %convert_element_type3A_177, %cond3A_178 : i32
          scf.if %cond3A_179 {
            %dma_start3A_180 = arith.constant 0 : i32
            %dma_start3A_181 = arith.constant 0 : i32
            %dma_start3A_182 = arith.constant 0 : i32
            %dma_start3A_183 = tpu.memref_slice %arg8[%dma_start3A_180, %dma_start3A_181, %dma_start3A_182] : memref<2x8x80xi32, #tpu.memory_space<vmem>> -> memref<1x8x80xi32, #tpu.memory_space<vmem>>
            %dma_start3A_184 = tpu.memref_squeeze %dma_start3A_183 : memref<1x8x80xi32, #tpu.memory_space<vmem>> -> memref<8x80xi32, #tpu.memory_space<vmem>>
            %dma_start3A_185 = arith.constant 0 : i32
            %dma_start3A_186 = tpu.memref_slice %arg4[%add3A, %multiple_of3A, %dma_start3A_185] : memref<32x128x80xi32, #tpu.memory_space<hbm>> -> memref<1x8x80xi32, #tpu.memory_space<hbm>>
            %dma_start3A_187 = tpu.memref_squeeze %dma_start3A_186 : memref<1x8x80xi32, #tpu.memory_space<hbm>> -> memref<8x80xi32, #tpu.memory_space<hbm>>
            %dma_start3A_188 = arith.constant 0 : i32
            %dma_start3A_189 = arith.constant 0 : i32
            %dma_start3A_190 = tpu.memref_slice %arg8[%dma_start3A_180, %dma_start3A_188, %dma_start3A_189] : memref<2x8x80xi32, #tpu.memory_space<vmem>> -> memref<1x8x80xi32, #tpu.memory_space<vmem>>
            %dma_start3A_191 = tpu.memref_squeeze %dma_start3A_190 : memref<1x8x80xi32, #tpu.memory_space<vmem>> -> memref<8x80xi32, #tpu.memory_space<vmem>>
            %dma_start3A_192 = arith.constant 0 : i32
            %dma_start3A_193 = tpu.memref_slice %arg4[%add3A, %multiple_of3A, %dma_start3A_192] : memref<32x128x80xi32, #tpu.memory_space<hbm>> -> memref<1x8x80xi32, #tpu.memory_space<hbm>>
            %dma_start3A_194 = tpu.memref_squeeze %dma_start3A_193 : memref<1x8x80xi32, #tpu.memory_space<hbm>> -> memref<8x80xi32, #tpu.memory_space<hbm>>
            tpu.enqueue_dma source(%dma_start3A_194 : memref<8x80xi32, #tpu.memory_space<hbm>>) target(%dma_start3A_191 : memref<8x80xi32, #tpu.memory_space<vmem>>) target_semaphore(%arg17 : memref<!tpu.dma_semaphore, #tpu.memory_space<semaphore_mem>>)
          } else {
          }
        } else {
        }
      } else {
      }
    }
    %scan3A_48 = arith.constant 42 : i32
    %dma_wait3A = arith.constant 0 : i32
    %dma_wait3A_49 = arith.constant 0 : i32
    %dma_wait3A_50 = arith.constant 0 : i32
    %dma_wait3A_51 = arith.constant 0 : i32
    %dma_wait3A_52 = arith.constant 0 : i32
    %dma_wait3A_53 = tpu.memref_slice %arg9[%dma_wait3A, %dma_wait3A_51, %dma_wait3A_52] : memref<3x80x128xf32, #tpu.memory_space<vmem>> -> memref<1x80x128xf32, #tpu.memory_space<vmem>>
    %dma_wait3A_54 = tpu.memref_squeeze %dma_wait3A_53 : memref<1x80x128xf32, #tpu.memory_space<vmem>> -> memref<80x128xf32, #tpu.memory_space<vmem>>
    %dma_wait3A_55 = arith.constant 0 : i32
    %dma_wait3A_56 = tpu.memref_slice %arg8[%dma_wait3A_49, %dma_wait3A_50, %dma_wait3A_55] : memref<2x8x80xi32, #tpu.memory_space<vmem>> -> memref<1x1x80xi32, #tpu.memory_space<vmem>>
    %dma_wait3A_57 = tpu.memref_squeeze %dma_wait3A_56 : memref<1x1x80xi32, #tpu.memory_space<vmem>> -> memref<80xi32, #tpu.memory_space<vmem>>
    %dma_wait3A_58 = arith.constant 0 : i32
    %dma_wait3A_59 = arith.constant 0 : i32
    %dma_wait3A_60 = tpu.memref_slice %arg10[%dma_wait3A_58, %dma_wait3A_59] : memref<10240x128xf32, #tpu.memory_space<vmem_shared>> -> memref<10240x128xf32, #tpu.memory_space<vmem_shared>>
    tpu.wait_indirect_dma semaphore(%arg14 : memref<!tpu.dma_semaphore, #tpu.memory_space<semaphore_mem>>) src(%dma_wait3A_54 : memref<80x128xf32, #tpu.memory_space<vmem>>) dst(%dma_wait3A_60 : memref<10240x128xf32, #tpu.memory_space<vmem_shared>>)
    %dma_wait3A_61 = arith.constant 1 : i32
    %dma_wait3A_62 = arith.constant 0 : i32
    %dma_wait3A_63 = arith.constant 0 : i32
    %dma_wait3A_64 = arith.constant 0 : i32
    %dma_wait3A_65 = arith.constant 0 : i32
    %dma_wait3A_66 = tpu.memref_slice %arg9[%dma_wait3A_61, %dma_wait3A_64, %dma_wait3A_65] : memref<3x80x128xf32, #tpu.memory_space<vmem>> -> memref<1x80x128xf32, #tpu.memory_space<vmem>>
    %dma_wait3A_67 = tpu.memref_squeeze %dma_wait3A_66 : memref<1x80x128xf32, #tpu.memory_space<vmem>> -> memref<80x128xf32, #tpu.memory_space<vmem>>
    %dma_wait3A_68 = arith.constant 0 : i32
    %dma_wait3A_69 = tpu.memref_slice %arg8[%dma_wait3A_62, %dma_wait3A_63, %dma_wait3A_68] : memref<2x8x80xi32, #tpu.memory_space<vmem>> -> memref<1x1x80xi32, #tpu.memory_space<vmem>>
    %dma_wait3A_70 = tpu.memref_squeeze %dma_wait3A_69 : memref<1x1x80xi32, #tpu.memory_space<vmem>> -> memref<80xi32, #tpu.memory_space<vmem>>
    %dma_wait3A_71 = arith.constant 0 : i32
    %dma_wait3A_72 = arith.constant 0 : i32
    %dma_wait3A_73 = tpu.memref_slice %arg10[%dma_wait3A_71, %dma_wait3A_72] : memref<10240x128xf32, #tpu.memory_space<vmem_shared>> -> memref<10240x128xf32, #tpu.memory_space<vmem_shared>>
    tpu.wait_indirect_dma semaphore(%arg15 : memref<!tpu.dma_semaphore, #tpu.memory_space<semaphore_mem>>) src(%dma_wait3A_67 : memref<80x128xf32, #tpu.memory_space<vmem>>) dst(%dma_wait3A_73 : memref<10240x128xf32, #tpu.memory_space<vmem_shared>>)
    %dma_wait3A_74 = arith.constant 2 : i32
    %dma_wait3A_75 = arith.constant 0 : i32
    %dma_wait3A_76 = arith.constant 0 : i32
    %dma_wait3A_77 = arith.constant 0 : i32
    %dma_wait3A_78 = arith.constant 0 : i32
    %dma_wait3A_79 = tpu.memref_slice %arg9[%dma_wait3A_74, %dma_wait3A_77, %dma_wait3A_78] : memref<3x80x128xf32, #tpu.memory_space<vmem>> -> memref<1x80x128xf32, #tpu.memory_space<vmem>>
    %dma_wait3A_80 = tpu.memref_squeeze %dma_wait3A_79 : memref<1x80x128xf32, #tpu.memory_space<vmem>> -> memref<80x128xf32, #tpu.memory_space<vmem>>
    %dma_wait3A_81 = arith.constant 0 : i32
    %dma_wait3A_82 = tpu.memref_slice %arg8[%dma_wait3A_75, %dma_wait3A_76, %dma_wait3A_81] : memref<2x8x80xi32, #tpu.memory_space<vmem>> -> memref<1x1x80xi32, #tpu.memory_space<vmem>>
    %dma_wait3A_83 = tpu.memref_squeeze %dma_wait3A_82 : memref<1x1x80xi32, #tpu.memory_space<vmem>> -> memref<80xi32, #tpu.memory_space<vmem>>
    %dma_wait3A_84 = arith.constant 0 : i32
    %dma_wait3A_85 = arith.constant 0 : i32
    %dma_wait3A_86 = tpu.memref_slice %arg10[%dma_wait3A_84, %dma_wait3A_85] : memref<10240x128xf32, #tpu.memory_space<vmem_shared>> -> memref<10240x128xf32, #tpu.memory_space<vmem_shared>>
    tpu.wait_indirect_dma semaphore(%arg16 : memref<!tpu.dma_semaphore, #tpu.memory_space<semaphore_mem>>) src(%dma_wait3A_80 : memref<80x128xf32, #tpu.memory_space<vmem>>) dst(%dma_wait3A_86 : memref<10240x128xf32, #tpu.memory_space<vmem_shared>>)
    %barrier3A_87 = arith.constant 0 : index
    tpu.barrier barrier_id(%barrier3A_87)
    %mul3A_88 = arith.constant 640 : i32
    %mul3A_89 = arith.muli %arg1, %mul3A_88 : i32
    %mul3A_90 = arith.constant 640 : i32
    %mul3A_91 = arith.muli %arg1, %mul3A_90 : i32
    "tpu.region"() ({
      %run_scoped3A_92 = tpu.sem_alloc : memref<!tpu.dma_semaphore, #tpu.memory_space<semaphore_mem>>
      %dma_start3A_93 = arith.constant 0 : i32
      %dma_start3A_94 = tpu.memref_slice %arg6[%arg0, %mul3A_91, %dma_start3A_93] : memref<2x10240x128xf32, #tpu.memory_space<hbm>> -> memref<1x640x128xf32, #tpu.memory_space<hbm>>
      %dma_start3A_95 = tpu.memref_squeeze %dma_start3A_94 : memref<1x640x128xf32, #tpu.memory_space<hbm>> -> memref<640x128xf32, #tpu.memory_space<hbm>>
      %dma_start3A_96 = arith.constant 0 : i32
      %dma_start3A_97 = tpu.memref_slice %arg10[%mul3A_89, %dma_start3A_96] : memref<10240x128xf32, #tpu.memory_space<vmem_shared>> -> memref<640x128xf32, #tpu.memory_space<vmem_shared>>
      tpu.enqueue_dma source(%dma_start3A_97 : memref<640x128xf32, #tpu.memory_space<vmem_shared>>) target(%dma_start3A_95 : memref<640x128xf32, #tpu.memory_space<hbm>>) target_semaphore(%run_scoped3A_92 : memref<!tpu.dma_semaphore, #tpu.memory_space<semaphore_mem>>)
      %dma_wait3A_98 = arith.constant 0 : i32
      %dma_wait3A_99 = tpu.memref_slice %arg6[%arg0, %mul3A_91, %dma_wait3A_98] : memref<2x10240x128xf32, #tpu.memory_space<hbm>> -> memref<1x640x128xf32, #tpu.memory_space<hbm>>
      %dma_wait3A_100 = tpu.memref_squeeze %dma_wait3A_99 : memref<1x640x128xf32, #tpu.memory_space<hbm>> -> memref<640x128xf32, #tpu.memory_space<hbm>>
      %dma_wait3A_101 = arith.constant 0 : i32
      %dma_wait3A_102 = tpu.memref_slice %arg10[%mul3A_89, %dma_wait3A_101] : memref<10240x128xf32, #tpu.memory_space<vmem_shared>> -> memref<640x128xf32, #tpu.memory_space<vmem_shared>>
      tpu.wait_dma2 semaphore(%run_scoped3A_92 : memref<!tpu.dma_semaphore, #tpu.memory_space<semaphore_mem>>) src(%dma_wait3A_102 : memref<640x128xf32, #tpu.memory_space<vmem_shared>>) dst(%dma_wait3A_100 : memref<640x128xf32, #tpu.memory_space<hbm>>)
      tpu.yield
    }) : () -> ()
    return
  }
}

#map = affine_map<(d0, d1) -> (0, 0, 0)>
#map1 = affine_map<(d0, d1) -> (0)>
module attributes {stable_mosaic.version = 14 : i64} {
  func.func @_deg_kernel(%arg0: i32, %arg1: i32, %arg2: memref<32x128x80xi32, #tpu.memory_space<hbm>>, %arg3: memref<10240xf32, #tpu.memory_space<hbm>>, %arg4: memref<80xf32, #tpu.memory_space<hbm>>, %arg5: memref<2x1x10240xf32, #tpu.memory_space<hbm>>, %arg6: memref<128x80xi32, #tpu.memory_space<vmem>>, %arg7: memref<80xf32, #tpu.memory_space<vmem>>, %arg8: memref<10240xf32, #tpu.memory_space<vmem_shared>>) attributes {dimension_semantics = [#tpu.dimension_semantics<core_parallel>, #tpu.dimension_semantics<subcore_parallel>], iteration_bounds = array<i64: 2, 16>, scalar_prefetch = 0 : i64, scratch_operands = 3 : i64, tpu.core_type = #tpu.core_type<sc_vector_subcore>, window_params = [{transform_indices = #map}, {transform_indices = #map1}, {transform_indices = #map1}, {transform_indices = #map}]} {
    %mul3A = arith.constant 2 : i32
    %mul3A_0 = arith.muli %arg1, %mul3A : i32
    %add3A = arith.addi %mul3A_0, %arg0 : i32
    "tpu.region"() ({
      %run_scoped3A_14 = tpu.sem_alloc : memref<!tpu.dma_semaphore, #tpu.memory_space<semaphore_mem>>
      tpu.enqueue_dma source(%arg4 : memref<80xf32, #tpu.memory_space<hbm>>) target(%arg7 : memref<80xf32, #tpu.memory_space<vmem>>) target_semaphore(%run_scoped3A_14 : memref<!tpu.dma_semaphore, #tpu.memory_space<semaphore_mem>>)
      tpu.wait_dma2 semaphore(%run_scoped3A_14 : memref<!tpu.dma_semaphore, #tpu.memory_space<semaphore_mem>>) src(%arg4 : memref<80xf32, #tpu.memory_space<hbm>>) dst(%arg7 : memref<80xf32, #tpu.memory_space<vmem>>)
      tpu.yield
    }) : () -> ()
    "tpu.region"() ({
      %run_scoped3A_14 = tpu.sem_alloc : memref<!tpu.dma_semaphore, #tpu.memory_space<semaphore_mem>>
      %dma_start3A = arith.constant 0 : i32
      %dma_start3A_15 = arith.constant 0 : i32
      %dma_start3A_16 = tpu.memref_slice %arg2[%add3A, %dma_start3A, %dma_start3A_15] : memref<32x128x80xi32, #tpu.memory_space<hbm>> -> memref<1x128x80xi32, #tpu.memory_space<hbm>>
      %dma_start3A_17 = tpu.memref_squeeze %dma_start3A_16 : memref<1x128x80xi32, #tpu.memory_space<hbm>> -> memref<128x80xi32, #tpu.memory_space<hbm>>
      %dma_start3A_18 = arith.constant 0 : i32
      %dma_start3A_19 = arith.constant 0 : i32
      %dma_start3A_20 = tpu.memref_slice %arg2[%add3A, %dma_start3A_18, %dma_start3A_19] : memref<32x128x80xi32, #tpu.memory_space<hbm>> -> memref<1x128x80xi32, #tpu.memory_space<hbm>>
      %dma_start3A_21 = tpu.memref_squeeze %dma_start3A_20 : memref<1x128x80xi32, #tpu.memory_space<hbm>> -> memref<128x80xi32, #tpu.memory_space<hbm>>
      tpu.enqueue_dma source(%dma_start3A_21 : memref<128x80xi32, #tpu.memory_space<hbm>>) target(%arg6 : memref<128x80xi32, #tpu.memory_space<vmem>>) target_semaphore(%run_scoped3A_14 : memref<!tpu.dma_semaphore, #tpu.memory_space<semaphore_mem>>)
      %dma_wait3A = arith.constant 0 : i32
      %dma_wait3A_22 = arith.constant 0 : i32
      %dma_wait3A_23 = tpu.memref_slice %arg2[%add3A, %dma_wait3A, %dma_wait3A_22] : memref<32x128x80xi32, #tpu.memory_space<hbm>> -> memref<1x128x80xi32, #tpu.memory_space<hbm>>
      %dma_wait3A_24 = tpu.memref_squeeze %dma_wait3A_23 : memref<1x128x80xi32, #tpu.memory_space<hbm>> -> memref<128x80xi32, #tpu.memory_space<hbm>>
      %dma_wait3A_25 = arith.constant 0 : i32
      %dma_wait3A_26 = arith.constant 0 : i32
      %dma_wait3A_27 = tpu.memref_slice %arg2[%add3A, %dma_wait3A_25, %dma_wait3A_26] : memref<32x128x80xi32, #tpu.memory_space<hbm>> -> memref<1x128x80xi32, #tpu.memory_space<hbm>>
      %dma_wait3A_28 = tpu.memref_squeeze %dma_wait3A_27 : memref<1x128x80xi32, #tpu.memory_space<hbm>> -> memref<128x80xi32, #tpu.memory_space<hbm>>
      tpu.wait_dma2 semaphore(%run_scoped3A_14 : memref<!tpu.dma_semaphore, #tpu.memory_space<semaphore_mem>>) src(%dma_wait3A_28 : memref<128x80xi32, #tpu.memory_space<hbm>>) dst(%arg6 : memref<128x80xi32, #tpu.memory_space<vmem>>)
      tpu.yield
    }) : () -> ()
    %mul3A_1 = arith.constant 640 : i32
    %mul3A_2 = arith.muli %arg1, %mul3A_1 : i32
    %mul3A_3 = arith.constant 640 : i32
    %mul3A_4 = arith.muli %arg1, %mul3A_3 : i32
    "tpu.region"() ({
      %run_scoped3A_14 = tpu.sem_alloc : memref<!tpu.dma_semaphore, #tpu.memory_space<semaphore_mem>>
      %dma_start3A = tpu.memref_slice %arg8[%mul3A_4] : memref<10240xf32, #tpu.memory_space<vmem_shared>> -> memref<640xf32, #tpu.memory_space<vmem_shared>>
      %dma_start3A_15 = tpu.memref_slice %arg3[%mul3A_2] : memref<10240xf32, #tpu.memory_space<hbm>> -> memref<640xf32, #tpu.memory_space<hbm>>
      tpu.enqueue_dma source(%dma_start3A_15 : memref<640xf32, #tpu.memory_space<hbm>>) target(%dma_start3A : memref<640xf32, #tpu.memory_space<vmem_shared>>) target_semaphore(%run_scoped3A_14 : memref<!tpu.dma_semaphore, #tpu.memory_space<semaphore_mem>>)
      %dma_wait3A = tpu.memref_slice %arg8[%mul3A_4] : memref<10240xf32, #tpu.memory_space<vmem_shared>> -> memref<640xf32, #tpu.memory_space<vmem_shared>>
      %dma_wait3A_16 = tpu.memref_slice %arg3[%mul3A_2] : memref<10240xf32, #tpu.memory_space<hbm>> -> memref<640xf32, #tpu.memory_space<hbm>>
      tpu.wait_dma2 semaphore(%run_scoped3A_14 : memref<!tpu.dma_semaphore, #tpu.memory_space<semaphore_mem>>) src(%dma_wait3A_16 : memref<640xf32, #tpu.memory_space<hbm>>) dst(%dma_wait3A : memref<640xf32, #tpu.memory_space<vmem_shared>>)
      tpu.yield
    }) : () -> ()
    %barrier3A = arith.constant 0 : index
    tpu.barrier barrier_id(%barrier3A)
    %scan3A = arith.constant 0 : i32
    %scan3A_5 = arith.constant 125 : i32
    %scan3A_6 = arith.addi %scan3A, %scan3A_5 : i32
    %scan3A_7 = arith.constant 1 : i32
    scf.for %scan3A_14 = %scan3A to %scan3A_6 step %scan3A_7  : i32 {
      %mul3A_15 = arith.constant 1 : i32
      %mul3A_16 = arith.muli %scan3A_14, %mul3A_15 : i32
      %add3A_17 = arith.constant 0 : i32
      %add3A_18 = arith.addi %add3A_17, %mul3A_16 : i32
      "tpu.region"() ({
        %run_scoped3A_19 = tpu.sem_alloc : memref<!tpu.dma_semaphore, #tpu.memory_space<semaphore_mem>>
        %dma_start3A = arith.constant 0 : i32
        %dma_start3A_20 = tpu.memref_slice %arg6[%add3A_18, %dma_start3A] : memref<128x80xi32, #tpu.memory_space<vmem>> -> memref<1x80xi32, #tpu.memory_space<vmem>>
        %dma_start3A_21 = tpu.memref_squeeze %dma_start3A_20 : memref<1x80xi32, #tpu.memory_space<vmem>> -> memref<80xi32, #tpu.memory_space<vmem>>
        %dma_start3A_22 = arith.constant 0 : i32
        %dma_start3A_23 = tpu.memref_slice %arg8[%dma_start3A_22] : memref<10240xf32, #tpu.memory_space<vmem_shared>> -> memref<10240xf32, #tpu.memory_space<vmem_shared>>
        tpu.enqueue_indirect_dma source(%arg7 : memref<80xf32, #tpu.memory_space<vmem>>) target(%dma_start3A_23 : memref<10240xf32, #tpu.memory_space<vmem_shared>>) offsets(%dma_start3A_21 : memref<80xi32, #tpu.memory_space<vmem>>) semaphore(%run_scoped3A_19 : memref<!tpu.dma_semaphore, #tpu.memory_space<semaphore_mem>>) {add = true}
        %dma_wait3A = arith.constant 0 : i32
        %dma_wait3A_24 = tpu.memref_slice %arg6[%add3A_18, %dma_wait3A] : memref<128x80xi32, #tpu.memory_space<vmem>> -> memref<1x80xi32, #tpu.memory_space<vmem>>
        %dma_wait3A_25 = tpu.memref_squeeze %dma_wait3A_24 : memref<1x80xi32, #tpu.memory_space<vmem>> -> memref<80xi32, #tpu.memory_space<vmem>>
        %dma_wait3A_26 = arith.constant 0 : i32
        %dma_wait3A_27 = tpu.memref_slice %arg8[%dma_wait3A_26] : memref<10240xf32, #tpu.memory_space<vmem_shared>> -> memref<10240xf32, #tpu.memory_space<vmem_shared>>
        tpu.wait_indirect_dma semaphore(%run_scoped3A_19 : memref<!tpu.dma_semaphore, #tpu.memory_space<semaphore_mem>>) src(%arg7 : memref<80xf32, #tpu.memory_space<vmem>>) dst(%dma_wait3A_27 : memref<10240xf32, #tpu.memory_space<vmem_shared>>)
        tpu.yield
      }) : () -> ()
    }
    %scan3A_8 = arith.constant 125 : i32
    %barrier3A_9 = arith.constant 0 : index
    tpu.barrier barrier_id(%barrier3A_9)
    %mul3A_10 = arith.constant 640 : i32
    %mul3A_11 = arith.muli %arg1, %mul3A_10 : i32
    %mul3A_12 = arith.constant 640 : i32
    %mul3A_13 = arith.muli %arg1, %mul3A_12 : i32
    %run_scoped3A = arith.constant 0 : i32
    "tpu.region"() ({
      %run_scoped3A_14 = tpu.sem_alloc : memref<!tpu.dma_semaphore, #tpu.memory_space<semaphore_mem>>
      %dma_start3A = tpu.memref_slice %arg5[%arg0, %run_scoped3A, %mul3A_13] : memref<2x1x10240xf32, #tpu.memory_space<hbm>> -> memref<1x1x640xf32, #tpu.memory_space<hbm>>
      %dma_start3A_15 = tpu.memref_squeeze %dma_start3A : memref<1x1x640xf32, #tpu.memory_space<hbm>> -> memref<640xf32, #tpu.memory_space<hbm>>
      %dma_start3A_16 = tpu.memref_slice %arg8[%mul3A_11] : memref<10240xf32, #tpu.memory_space<vmem_shared>> -> memref<640xf32, #tpu.memory_space<vmem_shared>>
      tpu.enqueue_dma source(%dma_start3A_16 : memref<640xf32, #tpu.memory_space<vmem_shared>>) target(%dma_start3A_15 : memref<640xf32, #tpu.memory_space<hbm>>) target_semaphore(%run_scoped3A_14 : memref<!tpu.dma_semaphore, #tpu.memory_space<semaphore_mem>>)
      %dma_wait3A = tpu.memref_slice %arg5[%arg0, %run_scoped3A, %mul3A_13] : memref<2x1x10240xf32, #tpu.memory_space<hbm>> -> memref<1x1x640xf32, #tpu.memory_space<hbm>>
      %dma_wait3A_17 = tpu.memref_squeeze %dma_wait3A : memref<1x1x640xf32, #tpu.memory_space<hbm>> -> memref<640xf32, #tpu.memory_space<hbm>>
      %dma_wait3A_18 = tpu.memref_slice %arg8[%mul3A_11] : memref<10240xf32, #tpu.memory_space<vmem_shared>> -> memref<640xf32, #tpu.memory_space<vmem_shared>>
      tpu.wait_dma2 semaphore(%run_scoped3A_14 : memref<!tpu.dma_semaphore, #tpu.memory_space<semaphore_mem>>) src(%dma_wait3A_18 : memref<640xf32, #tpu.memory_space<vmem_shared>>) dst(%dma_wait3A_17 : memref<640xf32, #tpu.memory_space<hbm>>)
      tpu.yield
    }) : () -> ()
    return
  }
}

#map = affine_map<(d0, d1) -> (0, 0)>
#map1 = affine_map<(d0, d1) -> (0)>
#map2 = affine_map<(d0, d1) -> (0, 0, 0)>
module attributes {stable_mosaic.version = 14 : i64} {
  func.func @_agg_kernel(%arg0: i32, %arg1: i32, %arg2: memref<10000x128xf32, #tpu.memory_space<hbm>>, %arg3: memref<320000xi32, #tpu.memory_space<hbm>>, %arg4: memref<32x128x80xi32, #tpu.memory_space<hbm>>, %arg5: memref<10240x128xf32, #tpu.memory_space<hbm>>, %arg6: memref<2x10240x128xf32, #tpu.memory_space<hbm>>, %arg7: memref<10000xi32, #tpu.memory_space<vmem>>, %arg8: memref<2x8x80xi32, #tpu.memory_space<vmem>>, %arg9: memref<3x80x128xf32, #tpu.memory_space<vmem>>, %arg10: memref<10240x128xf32, #tpu.memory_space<vmem_shared>>, %arg11: memref<!tpu.dma_semaphore, #tpu.memory_space<semaphore_mem>>, %arg12: memref<!tpu.dma_semaphore, #tpu.memory_space<semaphore_mem>>, %arg13: memref<!tpu.dma_semaphore, #tpu.memory_space<semaphore_mem>>, %arg14: memref<!tpu.dma_semaphore, #tpu.memory_space<semaphore_mem>>, %arg15: memref<!tpu.dma_semaphore, #tpu.memory_space<semaphore_mem>>, %arg16: memref<!tpu.dma_semaphore, #tpu.memory_space<semaphore_mem>>, %arg17: memref<!tpu.dma_semaphore, #tpu.memory_space<semaphore_mem>>, %arg18: memref<!tpu.dma_semaphore, #tpu.memory_space<semaphore_mem>>) attributes {dimension_semantics = [#tpu.dimension_semantics<core_parallel>, #tpu.dimension_semantics<subcore_parallel>], iteration_bounds = array<i64: 2, 16>, scalar_prefetch = 0 : i64, scratch_operands = 12 : i64, tpu.core_type = #tpu.core_type<sc_vector_subcore>, window_params = [{transform_indices = #map}, {transform_indices = #map1}, {transform_indices = #map2}, {transform_indices = #map}, {transform_indices = #map2}]} {
    %mul3A = arith.constant 2 : i32
    %mul3A_0 = arith.muli %arg1, %mul3A : i32
    %add3A = arith.addi %mul3A_0, %arg0 : i32
    %mul3A_1 = arith.constant 10000 : i32
    %mul3A_2 = arith.muli %add3A, %mul3A_1 : i32
    "tpu.region"() ({
      %run_scoped3A_92 = tpu.sem_alloc : memref<!tpu.dma_semaphore, #tpu.memory_space<semaphore_mem>>
      %dma_start3A_93 = tpu.memref_slice %arg3[%mul3A_2] : memref<320000xi32, #tpu.memory_space<hbm>> -> memref<10000xi32, #tpu.memory_space<hbm>>
      %dma_start3A_94 = tpu.memref_slice %arg3[%mul3A_2] : memref<320000xi32, #tpu.memory_space<hbm>> -> memref<10000xi32, #tpu.memory_space<hbm>>
      tpu.enqueue_dma source(%dma_start3A_94 : memref<10000xi32, #tpu.memory_space<hbm>>) target(%arg7 : memref<10000xi32, #tpu.memory_space<vmem>>) target_semaphore(%run_scoped3A_92 : memref<!tpu.dma_semaphore, #tpu.memory_space<semaphore_mem>>)
      %dma_wait3A_95 = tpu.memref_slice %arg3[%mul3A_2] : memref<320000xi32, #tpu.memory_space<hbm>> -> memref<10000xi32, #tpu.memory_space<hbm>>
      %dma_wait3A_96 = tpu.memref_slice %arg3[%mul3A_2] : memref<320000xi32, #tpu.memory_space<hbm>> -> memref<10000xi32, #tpu.memory_space<hbm>>
      tpu.wait_dma2 semaphore(%run_scoped3A_92 : memref<!tpu.dma_semaphore, #tpu.memory_space<semaphore_mem>>) src(%dma_wait3A_96 : memref<10000xi32, #tpu.memory_space<hbm>>) dst(%arg7 : memref<10000xi32, #tpu.memory_space<vmem>>)
      tpu.yield
    }) : () -> ()
    %run_scoped3A = arith.constant 0 : i32
    "tpu.region"() ({
      %run_scoped3A_92 = tpu.sem_alloc : memref<!tpu.dma_semaphore, #tpu.memory_space<semaphore_mem>>
      %dma_start3A_93 = arith.constant 0 : i32
      %dma_start3A_94 = arith.constant 0 : i32
      %dma_start3A_95 = tpu.memref_slice %arg8[%run_scoped3A, %dma_start3A_93, %dma_start3A_94] : memref<2x8x80xi32, #tpu.memory_space<vmem>> -> memref<1x8x80xi32, #tpu.memory_space<vmem>>
      %dma_start3A_96 = tpu.memref_squeeze %dma_start3A_95 : memref<1x8x80xi32, #tpu.memory_space<vmem>> -> memref<8x80xi32, #tpu.memory_space<vmem>>
      %dma_start3A_97 = arith.constant 0 : i32
      %dma_start3A_98 = arith.constant 0 : i32
      %dma_start3A_99 = tpu.memref_slice %arg4[%add3A, %dma_start3A_97, %dma_start3A_98] : memref<32x128x80xi32, #tpu.memory_space<hbm>> -> memref<1x8x80xi32, #tpu.memory_space<hbm>>
      %dma_start3A_100 = tpu.memref_squeeze %dma_start3A_99 : memref<1x8x80xi32, #tpu.memory_space<hbm>> -> memref<8x80xi32, #tpu.memory_space<hbm>>
      %dma_start3A_101 = arith.constant 0 : i32
      %dma_start3A_102 = arith.constant 0 : i32
      %dma_start3A_103 = tpu.memref_slice %arg8[%run_scoped3A, %dma_start3A_101, %dma_start3A_102] : memref<2x8x80xi32, #tpu.memory_space<vmem>> -> memref<1x8x80xi32, #tpu.memory_space<vmem>>
      %dma_start3A_104 = tpu.memref_squeeze %dma_start3A_103 : memref<1x8x80xi32, #tpu.memory_space<vmem>> -> memref<8x80xi32, #tpu.memory_space<vmem>>
      %dma_start3A_105 = arith.constant 0 : i32
      %dma_start3A_106 = arith.constant 0 : i32
      %dma_start3A_107 = tpu.memref_slice %arg4[%add3A, %dma_start3A_105, %dma_start3A_106] : memref<32x128x80xi32, #tpu.memory_space<hbm>> -> memref<1x8x80xi32, #tpu.memory_space<hbm>>
      %dma_start3A_108 = tpu.memref_squeeze %dma_start3A_107 : memref<1x8x80xi32, #tpu.memory_space<hbm>> -> memref<8x80xi32, #tpu.memory_space<hbm>>
      tpu.enqueue_dma source(%dma_start3A_108 : memref<8x80xi32, #tpu.memory_space<hbm>>) target(%dma_start3A_104 : memref<8x80xi32, #tpu.memory_space<vmem>>) target_semaphore(%run_scoped3A_92 : memref<!tpu.dma_semaphore, #tpu.memory_space<semaphore_mem>>)
      %dma_wait3A_109 = arith.constant 0 : i32
      %dma_wait3A_110 = arith.constant 0 : i32
      %dma_wait3A_111 = tpu.memref_slice %arg8[%run_scoped3A, %dma_wait3A_109, %dma_wait3A_110] : memref<2x8x80xi32, #tpu.memory_space<vmem>> -> memref<1x8x80xi32, #tpu.memory_space<vmem>>
      %dma_wait3A_112 = tpu.memref_squeeze %dma_wait3A_111 : memref<1x8x80xi32, #tpu.memory_space<vmem>> -> memref<8x80xi32, #tpu.memory_space<vmem>>
      %dma_wait3A_113 = arith.constant 0 : i32
      %dma_wait3A_114 = arith.constant 0 : i32
      %dma_wait3A_115 = tpu.memref_slice %arg4[%add3A, %dma_wait3A_113, %dma_wait3A_114] : memref<32x128x80xi32, #tpu.memory_space<hbm>> -> memref<1x8x80xi32, #tpu.memory_space<hbm>>
      %dma_wait3A_116 = tpu.memref_squeeze %dma_wait3A_115 : memref<1x8x80xi32, #tpu.memory_space<hbm>> -> memref<8x80xi32, #tpu.memory_space<hbm>>
      %dma_wait3A_117 = arith.constant 0 : i32
      %dma_wait3A_118 = arith.constant 0 : i32
      %dma_wait3A_119 = tpu.memref_slice %arg8[%run_scoped3A, %dma_wait3A_117, %dma_wait3A_118] : memref<2x8x80xi32, #tpu.memory_space<vmem>> -> memref<1x8x80xi32, #tpu.memory_space<vmem>>
      %dma_wait3A_120 = tpu.memref_squeeze %dma_wait3A_119 : memref<1x8x80xi32, #tpu.memory_space<vmem>> -> memref<8x80xi32, #tpu.memory_space<vmem>>
      %dma_wait3A_121 = arith.constant 0 : i32
      %dma_wait3A_122 = arith.constant 0 : i32
      %dma_wait3A_123 = tpu.memref_slice %arg4[%add3A, %dma_wait3A_121, %dma_wait3A_122] : memref<32x128x80xi32, #tpu.memory_space<hbm>> -> memref<1x8x80xi32, #tpu.memory_space<hbm>>
      %dma_wait3A_124 = tpu.memref_squeeze %dma_wait3A_123 : memref<1x8x80xi32, #tpu.memory_space<hbm>> -> memref<8x80xi32, #tpu.memory_space<hbm>>
      tpu.wait_dma2 semaphore(%run_scoped3A_92 : memref<!tpu.dma_semaphore, #tpu.memory_space<semaphore_mem>>) src(%dma_wait3A_124 : memref<8x80xi32, #tpu.memory_space<hbm>>) dst(%dma_wait3A_120 : memref<8x80xi32, #tpu.memory_space<vmem>>)
      tpu.yield
    }) : () -> ()
    %dma_start3A = arith.constant 1 : i32
    %dma_start3A_3 = arith.constant 0 : i32
    %dma_start3A_4 = arith.constant 0 : i32
    %dma_start3A_5 = tpu.memref_slice %arg8[%dma_start3A, %dma_start3A_3, %dma_start3A_4] : memref<2x8x80xi32, #tpu.memory_space<vmem>> -> memref<1x8x80xi32, #tpu.memory_space<vmem>>
    %dma_start3A_6 = tpu.memref_squeeze %dma_start3A_5 : memref<1x8x80xi32, #tpu.memory_space<vmem>> -> memref<8x80xi32, #tpu.memory_space<vmem>>
    %dma_start3A_7 = arith.constant 8 : i32
    %dma_start3A_8 = arith.constant 0 : i32
    %dma_start3A_9 = tpu.memref_slice %arg4[%add3A, %dma_start3A_7, %dma_start3A_8] : memref<32x128x80xi32, #tpu.memory_space<hbm>> -> memref<1x8x80xi32, #tpu.memory_space<hbm>>
    %dma_start3A_10 = tpu.memref_squeeze %dma_start3A_9 : memref<1x8x80xi32, #tpu.memory_space<hbm>> -> memref<8x80xi32, #tpu.memory_space<hbm>>
    %dma_start3A_11 = arith.constant 0 : i32
    %dma_start3A_12 = arith.constant 0 : i32
    %dma_start3A_13 = tpu.memref_slice %arg8[%dma_start3A, %dma_start3A_11, %dma_start3A_12] : memref<2x8x80xi32, #tpu.memory_space<vmem>> -> memref<1x8x80xi32, #tpu.memory_space<vmem>>
    %dma_start3A_14 = tpu.memref_squeeze %dma_start3A_13 : memref<1x8x80xi32, #tpu.memory_space<vmem>> -> memref<8x80xi32, #tpu.memory_space<vmem>>
    %dma_start3A_15 = arith.constant 8 : i32
    %dma_start3A_16 = arith.constant 0 : i32
    %dma_start3A_17 = tpu.memref_slice %arg4[%add3A, %dma_start3A_15, %dma_start3A_16] : memref<32x128x80xi32, #tpu.memory_space<hbm>> -> memref<1x8x80xi32, #tpu.memory_space<hbm>>
    %dma_start3A_18 = tpu.memref_squeeze %dma_start3A_17 : memref<1x8x80xi32, #tpu.memory_space<hbm>> -> memref<8x80xi32, #tpu.memory_space<hbm>>
    tpu.enqueue_dma source(%dma_start3A_18 : memref<8x80xi32, #tpu.memory_space<hbm>>) target(%dma_start3A_14 : memref<8x80xi32, #tpu.memory_space<vmem>>) target_semaphore(%arg18 : memref<!tpu.dma_semaphore, #tpu.memory_space<semaphore_mem>>)
    %run_scoped3A_19 = arith.constant 0 : i32
    "tpu.region"() ({
      %run_scoped3A_92 = tpu.sem_alloc : memref<!tpu.dma_semaphore, #tpu.memory_space<semaphore_mem>>
      %dma_start3A_93 = arith.constant 0 : i32
      %dma_start3A_94 = arith.constant 0 : i32
      %dma_start3A_95 = tpu.memref_slice %arg9[%run_scoped3A_19, %dma_start3A_93, %dma_start3A_94] : memref<3x80x128xf32, #tpu.memory_space<vmem>> -> memref<1x80x128xf32, #tpu.memory_space<vmem>>
      %dma_start3A_96 = tpu.memref_squeeze %dma_start3A_95 : memref<1x80x128xf32, #tpu.memory_space<vmem>> -> memref<80x128xf32, #tpu.memory_space<vmem>>
      %dma_start3A_97 = arith.constant 0 : i32
      %dma_start3A_98 = arith.constant 0 : i32
      %dma_start3A_99 = tpu.memref_slice %arg5[%dma_start3A_97, %dma_start3A_98] : memref<10240x128xf32, #tpu.memory_space<hbm>> -> memref<80x128xf32, #tpu.memory_space<hbm>>
      %dma_start3A_100 = arith.constant 0 : i32
      %dma_start3A_101 = arith.constant 0 : i32
      %dma_start3A_102 = tpu.memref_slice %arg9[%run_scoped3A_19, %dma_start3A_100, %dma_start3A_101] : memref<3x80x128xf32, #tpu.memory_space<vmem>> -> memref<1x80x128xf32, #tpu.memory_space<vmem>>
      %dma_start3A_103 = tpu.memref_squeeze %dma_start3A_102 : memref<1x80x128xf32, #tpu.memory_space<vmem>> -> memref<80x128xf32, #tpu.memory_space<vmem>>
      %dma_start3A_104 = arith.constant 0 : i32
      %dma_start3A_105 = arith.constant 0 : i32
      %dma_start3A_106 = tpu.memref_slice %arg5[%dma_start3A_104, %dma_start3A_105] : memref<10240x128xf32, #tpu.memory_space<hbm>> -> memref<80x128xf32, #tpu.memory_space<hbm>>
      tpu.enqueue_dma source(%dma_start3A_106 : memref<80x128xf32, #tpu.memory_space<hbm>>) target(%dma_start3A_103 : memref<80x128xf32, #tpu.memory_space<vmem>>) target_semaphore(%run_scoped3A_92 : memref<!tpu.dma_semaphore, #tpu.memory_space<semaphore_mem>>)
      %dma_wait3A_107 = arith.constant 0 : i32
      %dma_wait3A_108 = arith.constant 0 : i32
      %dma_wait3A_109 = tpu.memref_slice %arg9[%run_scoped3A_19, %dma_wait3A_107, %dma_wait3A_108] : memref<3x80x128xf32, #tpu.memory_space<vmem>> -> memref<1x80x128xf32, #tpu.memory_space<vmem>>
      %dma_wait3A_110 = tpu.memref_squeeze %dma_wait3A_109 : memref<1x80x128xf32, #tpu.memory_space<vmem>> -> memref<80x128xf32, #tpu.memory_space<vmem>>
      %dma_wait3A_111 = arith.constant 0 : i32
      %dma_wait3A_112 = arith.constant 0 : i32
      %dma_wait3A_113 = tpu.memref_slice %arg5[%dma_wait3A_111, %dma_wait3A_112] : memref<10240x128xf32, #tpu.memory_space<hbm>> -> memref<80x128xf32, #tpu.memory_space<hbm>>
      %dma_wait3A_114 = arith.constant 0 : i32
      %dma_wait3A_115 = arith.constant 0 : i32
      %dma_wait3A_116 = tpu.memref_slice %arg9[%run_scoped3A_19, %dma_wait3A_114, %dma_wait3A_115] : memref<3x80x128xf32, #tpu.memory_space<vmem>> -> memref<1x80x128xf32, #tpu.memory_space<vmem>>
      %dma_wait3A_117 = tpu.memref_squeeze %dma_wait3A_116 : memref<1x80x128xf32, #tpu.memory_space<vmem>> -> memref<80x128xf32, #tpu.memory_space<vmem>>
      %dma_wait3A_118 = arith.constant 0 : i32
      %dma_wait3A_119 = arith.constant 0 : i32
      %dma_wait3A_120 = tpu.memref_slice %arg5[%dma_wait3A_118, %dma_wait3A_119] : memref<10240x128xf32, #tpu.memory_space<hbm>> -> memref<80x128xf32, #tpu.memory_space<hbm>>
      tpu.wait_dma2 semaphore(%run_scoped3A_92 : memref<!tpu.dma_semaphore, #tpu.memory_space<semaphore_mem>>) src(%dma_wait3A_120 : memref<80x128xf32, #tpu.memory_space<hbm>>) dst(%dma_wait3A_117 : memref<80x128xf32, #tpu.memory_space<vmem>>)
      tpu.yield
    }) : () -> ()
    %scan3A = arith.constant 0 : i32
    %scan3A_20 = arith.constant 8 : i32
    %scan3A_21 = arith.addi %scan3A, %scan3A_20 : i32
    %scan3A_22 = arith.constant 1 : i32
    scf.for %scan3A_92 = %scan3A to %scan3A_21 step %scan3A_22  : i32 {
      %mul3A_93 = arith.constant 1 : i32
      %mul3A_94 = arith.muli %scan3A_92, %mul3A_93 : i32
      %add3A_95 = arith.constant 0 : i32
      %add3A_96 = arith.addi %add3A_95, %mul3A_94 : i32
      %mul3A_97 = arith.constant 640 : i32
      %mul3A_98 = arith.muli %arg1, %mul3A_97 : i32
      %mul3A_99 = arith.constant 80 : i32
      %mul3A_100 = arith.muli %add3A_96, %mul3A_99 : i32
      %add3A_101 = arith.addi %mul3A_98, %mul3A_100 : i32
      %run_scoped3A_102 = arith.constant 0 : i32
      "tpu.region"() ({
        %run_scoped3A_103 = tpu.sem_alloc : memref<!tpu.dma_semaphore, #tpu.memory_space<semaphore_mem>>
        %dma_start3A_104 = arith.constant 0 : i32
        %dma_start3A_105 = arith.constant 0 : i32
        %dma_start3A_106 = tpu.memref_slice %arg9[%run_scoped3A_102, %dma_start3A_104, %dma_start3A_105] : memref<3x80x128xf32, #tpu.memory_space<vmem>> -> memref<1x80x128xf32, #tpu.memory_space<vmem>>
        %dma_start3A_107 = tpu.memref_squeeze %dma_start3A_106 : memref<1x80x128xf32, #tpu.memory_space<vmem>> -> memref<80x128xf32, #tpu.memory_space<vmem>>
        %dma_start3A_108 = arith.constant 0 : i32
        %dma_start3A_109 = tpu.memref_slice %arg10[%add3A_101, %dma_start3A_108] : memref<10240x128xf32, #tpu.memory_space<vmem_shared>> -> memref<80x128xf32, #tpu.memory_space<vmem_shared>>
        %dma_start3A_110 = arith.constant 0 : i32
        %dma_start3A_111 = tpu.memref_slice %arg10[%add3A_101, %dma_start3A_110] : memref<10240x128xf32, #tpu.memory_space<vmem_shared>> -> memref<80x128xf32, #tpu.memory_space<vmem_shared>>
        %dma_start3A_112 = arith.constant 0 : i32
        %dma_start3A_113 = arith.constant 0 : i32
        %dma_start3A_114 = tpu.memref_slice %arg9[%run_scoped3A_102, %dma_start3A_112, %dma_start3A_113] : memref<3x80x128xf32, #tpu.memory_space<vmem>> -> memref<1x80x128xf32, #tpu.memory_space<vmem>>
        %dma_start3A_115 = tpu.memref_squeeze %dma_start3A_114 : memref<1x80x128xf32, #tpu.memory_space<vmem>> -> memref<80x128xf32, #tpu.memory_space<vmem>>
        tpu.enqueue_dma source(%dma_start3A_115 : memref<80x128xf32, #tpu.memory_space<vmem>>) target(%dma_start3A_111 : memref<80x128xf32, #tpu.memory_space<vmem_shared>>) target_semaphore(%run_scoped3A_103 : memref<!tpu.dma_semaphore, #tpu.memory_space<semaphore_mem>>)
        %dma_wait3A_116 = arith.constant 0 : i32
        %dma_wait3A_117 = arith.constant 0 : i32
        %dma_wait3A_118 = tpu.memref_slice %arg9[%run_scoped3A_102, %dma_wait3A_116, %dma_wait3A_117] : memref<3x80x128xf32, #tpu.memory_space<vmem>> -> memref<1x80x128xf32, #tpu.memory_space<vmem>>
        %dma_wait3A_119 = tpu.memref_squeeze %dma_wait3A_118 : memref<1x80x128xf32, #tpu.memory_space<vmem>> -> memref<80x128xf32, #tpu.memory_space<vmem>>
        %dma_wait3A_120 = arith.constant 0 : i32
        %dma_wait3A_121 = tpu.memref_slice %arg10[%add3A_101, %dma_wait3A_120] : memref<10240x128xf32, #tpu.memory_space<vmem_shared>> -> memref<80x128xf32, #tpu.memory_space<vmem_shared>>
        %dma_wait3A_122 = arith.constant 0 : i32
        %dma_wait3A_123 = tpu.memref_slice %arg10[%add3A_101, %dma_wait3A_122] : memref<10240x128xf32, #tpu.memory_space<vmem_shared>> -> memref<80x128xf32, #tpu.memory_space<vmem_shared>>
        %dma_wait3A_124 = arith.constant 0 : i32
        %dma_wait3A_125 = arith.constant 0 : i32
        %dma_wait3A_126 = tpu.memref_slice %arg9[%run_scoped3A_102, %dma_wait3A_124, %dma_wait3A_125] : memref<3x80x128xf32, #tpu.memory_space<vmem>> -> memref<1x80x128xf32, #tpu.memory_space<vmem>>
        %dma_wait3A_127 = tpu.memref_squeeze %dma_wait3A_126 : memref<1x80x128xf32, #tpu.memory_space<vmem>> -> memref<80x128xf32, #tpu.memory_space<vmem>>
        tpu.wait_dma2 semaphore(%run_scoped3A_103 : memref<!tpu.dma_semaphore, #tpu.memory_space<semaphore_mem>>) src(%dma_wait3A_127 : memref<80x128xf32, #tpu.memory_space<vmem>>) dst(%dma_wait3A_123 : memref<80x128xf32, #tpu.memory_space<vmem_shared>>)
        tpu.yield
      }) : () -> ()
    }
    %scan3A_23 = arith.constant 8 : i32
    %barrier3A = arith.constant 0 : index
    tpu.barrier barrier_id(%barrier3A)
    %dma_start3A_24 = arith.constant 0 : i32
    %dma_start3A_25 = arith.constant 0 : i32
    %dma_start3A_26 = arith.constant 0 : i32
    %dma_start3A_27 = tpu.memref_slice %arg9[%dma_start3A_24, %dma_start3A_25, %dma_start3A_26] : memref<3x80x128xf32, #tpu.memory_space<vmem>> -> memref<1x80x128xf32, #tpu.memory_space<vmem>>
    %dma_start3A_28 = tpu.memref_squeeze %dma_start3A_27 : memref<1x80x128xf32, #tpu.memory_space<vmem>> -> memref<80x128xf32, #tpu.memory_space<vmem>>
    %dma_start3A_29 = arith.constant 0 : i32
    %dma_start3A_30 = tpu.memref_slice %arg7[%dma_start3A_29] : memref<10000xi32, #tpu.memory_space<vmem>> -> memref<80xi32, #tpu.memory_space<vmem>>
    %dma_start3A_31 = arith.constant 0 : i32
    %dma_start3A_32 = arith.constant 0 : i32
    %dma_start3A_33 = tpu.memref_slice %arg2[%dma_start3A_31, %dma_start3A_32] : memref<10000x128xf32, #tpu.memory_space<hbm>> -> memref<10000x128xf32, #tpu.memory_space<hbm>>
    tpu.enqueue_indirect_dma source(%dma_start3A_33 : memref<10000x128xf32, #tpu.memory_space<hbm>>) target(%dma_start3A_28 : memref<80x128xf32, #tpu.memory_space<vmem>>) offsets(%dma_start3A_30 : memref<80xi32, #tpu.memory_space<vmem>>) semaphore(%arg11 : memref<!tpu.dma_semaphore, #tpu.memory_space<semaphore_mem>>)
    %dma_start3A_34 = arith.constant 1 : i32
    %dma_start3A_35 = arith.constant 0 : i32
    %dma_start3A_36 = arith.constant 0 : i32
    %dma_start3A_37 = tpu.memref_slice %arg9[%dma_start3A_34, %dma_start3A_35, %dma_start3A_36] : memref<3x80x128xf32, #tpu.memory_space<vmem>> -> memref<1x80x128xf32, #tpu.memory_space<vmem>>
    %dma_start3A_38 = tpu.memref_squeeze %dma_start3A_37 : memref<1x80x128xf32, #tpu.memory_space<vmem>> -> memref<80x128xf32, #tpu.memory_space<vmem>>
    %dma_start3A_39 = arith.constant 80 : i32
    %dma_start3A_40 = tpu.memref_slice %arg7[%dma_start3A_39] : memref<10000xi32, #tpu.memory_space<vmem>> -> memref<80xi32, #tpu.memory_space<vmem>>
    %dma_start3A_41 = arith.constant 0 : i32
    %dma_start3A_42 = arith.constant 0 : i32
    %dma_start3A_43 = tpu.memref_slice %arg2[%dma_start3A_41, %dma_start3A_42] : memref<10000x128xf32, #tpu.memory_space<hbm>> -> memref<10000x128xf32, #tpu.memory_space<hbm>>
    tpu.enqueue_indirect_dma source(%dma_start3A_43 : memref<10000x128xf32, #tpu.memory_space<hbm>>) target(%dma_start3A_38 : memref<80x128xf32, #tpu.memory_space<vmem>>) offsets(%dma_start3A_40 : memref<80xi32, #tpu.memory_space<vmem>>) semaphore(%arg12 : memref<!tpu.dma_semaphore, #tpu.memory_space<semaphore_mem>>)
    %scan3A_44 = arith.constant 0 : i32
    %scan3A_45 = arith.constant 42 : i32
    %scan3A_46 = arith.addi %scan3A_44, %scan3A_45 : i32
    %scan3A_47 = arith.constant 1 : i32
    scf.for %scan3A_92 = %scan3A_44 to %scan3A_46 step %scan3A_47  : i32 {
      %mul3A_93 = arith.constant 3 : i32
      %mul3A_94 = arith.muli %scan3A_92, %mul3A_93 : i32
      %add3A_95 = arith.constant 0 : i32
      %add3A_96 = arith.addi %add3A_95, %mul3A_94 : i32
      %add3A_97 = arith.constant 0 : i32
      %add3A_98 = arith.addi %add3A_96, %add3A_97 : i32
      %lt3A = arith.constant 125 : i32
      %lt3A_99 = arith.cmpi slt, %add3A_98, %lt3A : i32
      %convert_element_type3A = arith.extui %lt3A_99 : i1 to i32
      %cond3A = arith.constant 0 : i32
      %cond3A_100 = arith.cmpi ne, %convert_element_type3A, %cond3A : i32
      scf.if %cond3A_100 {
        %shift_right_logical3A = arith.constant 3 : i32
        %shift_right_logical3A_115 = arith.shrui %add3A_98, %shift_right_logical3A : i32
        %and3A = arith.constant 1 : i32
        %and3A_116 = arith.andi %shift_right_logical3A_115, %and3A : i32
        %and3A_117 = arith.constant 7 : i32
        %and3A_118 = arith.andi %add3A_98, %and3A_117 : i32
        %eq3A = arith.constant 0 : i32
        %eq3A_119 = arith.cmpi eq, %and3A_118, %eq3A : i32
        %ge3A = arith.constant 1 : i32
        %ge3A_120 = arith.cmpi sge, %shift_right_logical3A_115, %ge3A : i32
        %and3A_121 = arith.andi %eq3A_119, %ge3A_120 : i1
        %convert_element_type3A_122 = arith.extui %and3A_121 : i1 to i32
        %cond3A_123 = arith.constant 0 : i32
        %cond3A_124 = arith.cmpi ne, %convert_element_type3A_122, %cond3A_123 : i32
        scf.if %cond3A_124 {
          %eq3A_166 = arith.constant 0 : i32
          %eq3A_167 = arith.cmpi eq, %and3A_116, %eq3A_166 : i32
          %convert_element_type3A_168 = arith.extui %eq3A_167 : i1 to i32
          %cond3A_169 = arith.constant 0 : i32
          %cond3A_170 = arith.cmpi ne, %convert_element_type3A_168, %cond3A_169 : i32
          scf.if %cond3A_170 {
            %dma_wait3A_176 = arith.constant 0 : i32
            %dma_wait3A_177 = arith.constant 0 : i32
            %dma_wait3A_178 = arith.constant 0 : i32
            %dma_wait3A_179 = tpu.memref_slice %arg8[%dma_wait3A_176, %dma_wait3A_177, %dma_wait3A_178] : memref<2x8x80xi32, #tpu.memory_space<vmem>> -> memref<1x8x80xi32, #tpu.memory_space<vmem>>
            %dma_wait3A_180 = tpu.memref_squeeze %dma_wait3A_179 : memref<1x8x80xi32, #tpu.memory_space<vmem>> -> memref<8x80xi32, #tpu.memory_space<vmem>>
            %dma_wait3A_181 = arith.constant 0 : i32
            %dma_wait3A_182 = arith.constant 0 : i32
            %dma_wait3A_183 = tpu.memref_slice %arg4[%add3A, %dma_wait3A_181, %dma_wait3A_182] : memref<32x128x80xi32, #tpu.memory_space<hbm>> -> memref<1x8x80xi32, #tpu.memory_space<hbm>>
            %dma_wait3A_184 = tpu.memref_squeeze %dma_wait3A_183 : memref<1x8x80xi32, #tpu.memory_space<hbm>> -> memref<8x80xi32, #tpu.memory_space<hbm>>
            %dma_wait3A_185 = arith.constant 0 : i32
            %dma_wait3A_186 = arith.constant 0 : i32
            %dma_wait3A_187 = tpu.memref_slice %arg8[%dma_wait3A_176, %dma_wait3A_185, %dma_wait3A_186] : memref<2x8x80xi32, #tpu.memory_space<vmem>> -> memref<1x8x80xi32, #tpu.memory_space<vmem>>
            %dma_wait3A_188 = tpu.memref_squeeze %dma_wait3A_187 : memref<1x8x80xi32, #tpu.memory_space<vmem>> -> memref<8x80xi32, #tpu.memory_space<vmem>>
            %dma_wait3A_189 = arith.constant 0 : i32
            %dma_wait3A_190 = arith.constant 0 : i32
            %dma_wait3A_191 = tpu.memref_slice %arg4[%add3A, %dma_wait3A_189, %dma_wait3A_190] : memref<32x128x80xi32, #tpu.memory_space<hbm>> -> memref<1x8x80xi32, #tpu.memory_space<hbm>>
            %dma_wait3A_192 = tpu.memref_squeeze %dma_wait3A_191 : memref<1x8x80xi32, #tpu.memory_space<hbm>> -> memref<8x80xi32, #tpu.memory_space<hbm>>
            tpu.wait_dma2 semaphore(%arg17 : memref<!tpu.dma_semaphore, #tpu.memory_space<semaphore_mem>>) src(%dma_wait3A_192 : memref<8x80xi32, #tpu.memory_space<hbm>>) dst(%dma_wait3A_188 : memref<8x80xi32, #tpu.memory_space<vmem>>)
          } else {
          }
          %eq3A_171 = arith.constant 1 : i32
          %eq3A_172 = arith.cmpi eq, %and3A_116, %eq3A_171 : i32
          %convert_element_type3A_173 = arith.extui %eq3A_172 : i1 to i32
          %cond3A_174 = arith.constant 0 : i32
          %cond3A_175 = arith.cmpi ne, %convert_element_type3A_173, %cond3A_174 : i32
          scf.if %cond3A_175 {
            %dma_wait3A_176 = arith.constant 1 : i32
            %dma_wait3A_177 = arith.constant 0 : i32
            %dma_wait3A_178 = arith.constant 0 : i32
            %dma_wait3A_179 = tpu.memref_slice %arg8[%dma_wait3A_176, %dma_wait3A_177, %dma_wait3A_178] : memref<2x8x80xi32, #tpu.memory_space<vmem>> -> memref<1x8x80xi32, #tpu.memory_space<vmem>>
            %dma_wait3A_180 = tpu.memref_squeeze %dma_wait3A_179 : memref<1x8x80xi32, #tpu.memory_space<vmem>> -> memref<8x80xi32, #tpu.memory_space<vmem>>
            %dma_wait3A_181 = arith.constant 0 : i32
            %dma_wait3A_182 = arith.constant 0 : i32
            %dma_wait3A_183 = tpu.memref_slice %arg4[%add3A, %dma_wait3A_181, %dma_wait3A_182] : memref<32x128x80xi32, #tpu.memory_space<hbm>> -> memref<1x8x80xi32, #tpu.memory_space<hbm>>
            %dma_wait3A_184 = tpu.memref_squeeze %dma_wait3A_183 : memref<1x8x80xi32, #tpu.memory_space<hbm>> -> memref<8x80xi32, #tpu.memory_space<hbm>>
            %dma_wait3A_185 = arith.constant 0 : i32
            %dma_wait3A_186 = arith.constant 0 : i32
            %dma_wait3A_187 = tpu.memref_slice %arg8[%dma_wait3A_176, %dma_wait3A_185, %dma_wait3A_186] : memref<2x8x80xi32, #tpu.memory_space<vmem>> -> memref<1x8x80xi32, #tpu.memory_space<vmem>>
            %dma_wait3A_188 = tpu.memref_squeeze %dma_wait3A_187 : memref<1x8x80xi32, #tpu.memory_space<vmem>> -> memref<8x80xi32, #tpu.memory_space<vmem>>
            %dma_wait3A_189 = arith.constant 0 : i32
            %dma_wait3A_190 = arith.constant 0 : i32
            %dma_wait3A_191 = tpu.memref_slice %arg4[%add3A, %dma_wait3A_189, %dma_wait3A_190] : memref<32x128x80xi32, #tpu.memory_space<hbm>> -> memref<1x8x80xi32, #tpu.memory_space<hbm>>
            %dma_wait3A_192 = tpu.memref_squeeze %dma_wait3A_191 : memref<1x8x80xi32, #tpu.memory_space<hbm>> -> memref<8x80xi32, #tpu.memory_space<hbm>>
            tpu.wait_dma2 semaphore(%arg18 : memref<!tpu.dma_semaphore, #tpu.memory_space<semaphore_mem>>) src(%dma_wait3A_192 : memref<8x80xi32, #tpu.memory_space<hbm>>) dst(%dma_wait3A_188 : memref<8x80xi32, #tpu.memory_space<vmem>>)
          } else {
          }
        } else {
        }
        %mul3A_125 = arith.constant 80 : i32
        %mul3A_126 = arith.muli %add3A_98, %mul3A_125 : i32
        %dma_wait3A_127 = arith.constant 0 : i32
        %dma_wait3A_128 = arith.constant 0 : i32
        %dma_wait3A_129 = arith.constant 0 : i32
        %dma_wait3A_130 = tpu.memref_slice %arg9[%dma_wait3A_127, %dma_wait3A_128, %dma_wait3A_129] : memref<3x80x128xf32, #tpu.memory_space<vmem>> -> memref<1x80x128xf32, #tpu.memory_space<vmem>>
        %dma_wait3A_131 = tpu.memref_squeeze %dma_wait3A_130 : memref<1x80x128xf32, #tpu.memory_space<vmem>> -> memref<80x128xf32, #tpu.memory_space<vmem>>
        %dma_wait3A_132 = tpu.memref_slice %arg7[%mul3A_126] : memref<10000xi32, #tpu.memory_space<vmem>> -> memref<80xi32, #tpu.memory_space<vmem>>
        %dma_wait3A_133 = arith.constant 0 : i32
        %dma_wait3A_134 = arith.constant 0 : i32
        %dma_wait3A_135 = tpu.memref_slice %arg2[%dma_wait3A_133, %dma_wait3A_134] : memref<10000x128xf32, #tpu.memory_space<hbm>> -> memref<10000x128xf32, #tpu.memory_space<hbm>>
        tpu.wait_indirect_dma semaphore(%arg11 : memref<!tpu.dma_semaphore, #tpu.memory_space<semaphore_mem>>) src(%dma_wait3A_135 : memref<10000x128xf32, #tpu.memory_space<hbm>>) dst(%dma_wait3A_131 : memref<80x128xf32, #tpu.memory_space<vmem>>)
        %dma_start3A_136 = arith.constant 0 : i32
        %dma_start3A_137 = arith.constant 0 : i32
        %dma_start3A_138 = arith.constant 0 : i32
        %dma_start3A_139 = tpu.memref_slice %arg9[%dma_start3A_136, %dma_start3A_137, %dma_start3A_138] : memref<3x80x128xf32, #tpu.memory_space<vmem>> -> memref<1x80x128xf32, #tpu.memory_space<vmem>>
        %dma_start3A_140 = tpu.memref_squeeze %dma_start3A_139 : memref<1x80x128xf32, #tpu.memory_space<vmem>> -> memref<80x128xf32, #tpu.memory_space<vmem>>
        %dma_start3A_141 = arith.constant 0 : i32
        %dma_start3A_142 = tpu.memref_slice %arg8[%and3A_116, %and3A_118, %dma_start3A_141] : memref<2x8x80xi32, #tpu.memory_space<vmem>> -> memref<1x1x80xi32, #tpu.memory_space<vmem>>
        %dma_start3A_143 = tpu.memref_squeeze %dma_start3A_142 : memref<1x1x80xi32, #tpu.memory_space<vmem>> -> memref<80xi32, #tpu.memory_space<vmem>>
        %dma_start3A_144 = arith.constant 0 : i32
        %dma_start3A_145 = arith.constant 0 : i32
        %dma_start3A_146 = tpu.memref_slice %arg10[%dma_start3A_144, %dma_start3A_145] : memref<10240x128xf32, #tpu.memory_space<vmem_shared>> -> memref<10240x128xf32, #tpu.memory_space<vmem_shared>>
        tpu.enqueue_indirect_dma source(%dma_start3A_140 : memref<80x128xf32, #tpu.memory_space<vmem>>) target(%dma_start3A_146 : memref<10240x128xf32, #tpu.memory_space<vmem_shared>>) offsets(%dma_start3A_143 : memref<80xi32, #tpu.memory_space<vmem>>) semaphore(%arg14 : memref<!tpu.dma_semaphore, #tpu.memory_space<semaphore_mem>>) {add = true}
        %add3A_147 = arith.constant 3 : i32
        %add3A_148 = arith.addi %add3A_98, %add3A_147 : i32
        %sub3A = arith.constant 1 : i32
        %sub3A_149 = arith.subi %add3A_148, %sub3A : i32
        %lt3A_150 = arith.constant 125 : i32
        %lt3A_151 = arith.cmpi slt, %sub3A_149, %lt3A_150 : i32
        %convert_element_type3A_152 = arith.extui %lt3A_151 : i1 to i32
        %cond3A_153 = arith.constant 0 : i32
        %cond3A_154 = arith.cmpi ne, %convert_element_type3A_152, %cond3A_153 : i32
        scf.if %cond3A_154 {
          %ge3A_166 = arith.constant 1 : i32
          %ge3A_167 = arith.cmpi sge, %add3A_98, %ge3A_166 : i32
          %convert_element_type3A_168 = arith.extui %ge3A_167 : i1 to i32
          %cond3A_169 = arith.constant 0 : i32
          %cond3A_170 = arith.cmpi ne, %convert_element_type3A_168, %cond3A_169 : i32
          scf.if %cond3A_170 {
            %dma_wait3A_182 = arith.constant 2 : i32
            %dma_wait3A_183 = arith.constant 0 : i32
            %dma_wait3A_184 = arith.constant 0 : i32
            %dma_wait3A_185 = arith.constant 0 : i32
            %dma_wait3A_186 = arith.constant 0 : i32
            %dma_wait3A_187 = tpu.memref_slice %arg9[%dma_wait3A_182, %dma_wait3A_185, %dma_wait3A_186] : memref<3x80x128xf32, #tpu.memory_space<vmem>> -> memref<1x80x128xf32, #tpu.memory_space<vmem>>
            %dma_wait3A_188 = tpu.memref_squeeze %dma_wait3A_187 : memref<1x80x128xf32, #tpu.memory_space<vmem>> -> memref<80x128xf32, #tpu.memory_space<vmem>>
            %dma_wait3A_189 = arith.constant 0 : i32
            %dma_wait3A_190 = tpu.memref_slice %arg8[%dma_wait3A_183, %dma_wait3A_184, %dma_wait3A_189] : memref<2x8x80xi32, #tpu.memory_space<vmem>> -> memref<1x1x80xi32, #tpu.memory_space<vmem>>
            %dma_wait3A_191 = tpu.memref_squeeze %dma_wait3A_190 : memref<1x1x80xi32, #tpu.memory_space<vmem>> -> memref<80xi32, #tpu.memory_space<vmem>>
            %dma_wait3A_192 = arith.constant 0 : i32
            %dma_wait3A_193 = arith.constant 0 : i32
            %dma_wait3A_194 = tpu.memref_slice %arg10[%dma_wait3A_192, %dma_wait3A_193] : memref<10240x128xf32, #tpu.memory_space<vmem_shared>> -> memref<10240x128xf32, #tpu.memory_space<vmem_shared>>
            tpu.wait_indirect_dma semaphore(%arg16 : memref<!tpu.dma_semaphore, #tpu.memory_space<semaphore_mem>>) src(%dma_wait3A_188 : memref<80x128xf32, #tpu.memory_space<vmem>>) dst(%dma_wait3A_194 : memref<10240x128xf32, #tpu.memory_space<vmem_shared>>)
          } else {
          }
          %mul3A_171 = arith.constant 80 : i32
          %mul3A_172 = arith.muli %sub3A_149, %mul3A_171 : i32
          %dma_start3A_173 = arith.constant 2 : i32
          %dma_start3A_174 = arith.constant 0 : i32
          %dma_start3A_175 = arith.constant 0 : i32
          %dma_start3A_176 = tpu.memref_slice %arg9[%dma_start3A_173, %dma_start3A_174, %dma_start3A_175] : memref<3x80x128xf32, #tpu.memory_space<vmem>> -> memref<1x80x128xf32, #tpu.memory_space<vmem>>
          %dma_start3A_177 = tpu.memref_squeeze %dma_start3A_176 : memref<1x80x128xf32, #tpu.memory_space<vmem>> -> memref<80x128xf32, #tpu.memory_space<vmem>>
          %dma_start3A_178 = tpu.memref_slice %arg7[%mul3A_172] : memref<10000xi32, #tpu.memory_space<vmem>> -> memref<80xi32, #tpu.memory_space<vmem>>
          %dma_start3A_179 = arith.constant 0 : i32
          %dma_start3A_180 = arith.constant 0 : i32
          %dma_start3A_181 = tpu.memref_slice %arg2[%dma_start3A_179, %dma_start3A_180] : memref<10000x128xf32, #tpu.memory_space<hbm>> -> memref<10000x128xf32, #tpu.memory_space<hbm>>
          tpu.enqueue_indirect_dma source(%dma_start3A_181 : memref<10000x128xf32, #tpu.memory_space<hbm>>) target(%dma_start3A_177 : memref<80x128xf32, #tpu.memory_space<vmem>>) offsets(%dma_start3A_178 : memref<80xi32, #tpu.memory_space<vmem>>) semaphore(%arg13 : memref<!tpu.dma_semaphore, #tpu.memory_space<semaphore_mem>>)
        } else {
        }
        %eq3A_155 = arith.constant 0 : i32
        %eq3A_156 = arith.cmpi eq, %and3A_118, %eq3A_155 : i32
        %ge3A_157 = arith.constant 1 : i32
        %ge3A_158 = arith.cmpi sge, %shift_right_logical3A_115, %ge3A_157 : i32
        %and3A_159 = arith.andi %eq3A_156, %ge3A_158 : i1
        %lt3A_160 = arith.constant 15 : i32
        %lt3A_161 = arith.cmpi slt, %shift_right_logical3A_115, %lt3A_160 : i32
        %and3A_162 = arith.andi %and3A_159, %lt3A_161 : i1
        %convert_element_type3A_163 = arith.extui %and3A_162 : i1 to i32
        %cond3A_164 = arith.constant 0 : i32
        %cond3A_165 = arith.cmpi ne, %convert_element_type3A_163, %cond3A_164 : i32
        scf.if %cond3A_165 {
          %add3A_166 = arith.constant 1 : i32
          %add3A_167 = arith.addi %shift_right_logical3A_115, %add3A_166 : i32
          %mul3A_168 = arith.constant 8 : i32
          %mul3A_169 = arith.muli %add3A_167, %mul3A_168 : i32
          %multiple_of3A = tpu.assume_multiple %mul3A_169, 8 : i32
          %eq3A_170 = arith.constant 0 : i32
          %eq3A_171 = arith.cmpi eq, %and3A_116, %eq3A_170 : i32
          %convert_element_type3A_172 = arith.extui %eq3A_171 : i1 to i32
          %cond3A_173 = arith.constant 0 : i32
          %cond3A_174 = arith.cmpi ne, %convert_element_type3A_172, %cond3A_173 : i32
          scf.if %cond3A_174 {
            %dma_start3A_180 = arith.constant 1 : i32
            %dma_start3A_181 = arith.constant 0 : i32
            %dma_start3A_182 = arith.constant 0 : i32
            %dma_start3A_183 = tpu.memref_slice %arg8[%dma_start3A_180, %dma_start3A_181, %dma_start3A_182] : memref<2x8x80xi32, #tpu.memory_space<vmem>> -> memref<1x8x80xi32, #tpu.memory_space<vmem>>
            %dma_start3A_184 = tpu.memref_squeeze %dma_start3A_183 : memref<1x8x80xi32, #tpu.memory_space<vmem>> -> memref<8x80xi32, #tpu.memory_space<vmem>>
            %dma_start3A_185 = arith.constant 0 : i32
            %dma_start3A_186 = tpu.memref_slice %arg4[%add3A, %multiple_of3A, %dma_start3A_185] : memref<32x128x80xi32, #tpu.memory_space<hbm>> -> memref<1x8x80xi32, #tpu.memory_space<hbm>>
            %dma_start3A_187 = tpu.memref_squeeze %dma_start3A_186 : memref<1x8x80xi32, #tpu.memory_space<hbm>> -> memref<8x80xi32, #tpu.memory_space<hbm>>
            %dma_start3A_188 = arith.constant 0 : i32
            %dma_start3A_189 = arith.constant 0 : i32
            %dma_start3A_190 = tpu.memref_slice %arg8[%dma_start3A_180, %dma_start3A_188, %dma_start3A_189] : memref<2x8x80xi32, #tpu.memory_space<vmem>> -> memref<1x8x80xi32, #tpu.memory_space<vmem>>
            %dma_start3A_191 = tpu.memref_squeeze %dma_start3A_190 : memref<1x8x80xi32, #tpu.memory_space<vmem>> -> memref<8x80xi32, #tpu.memory_space<vmem>>
            %dma_start3A_192 = arith.constant 0 : i32
            %dma_start3A_193 = tpu.memref_slice %arg4[%add3A, %multiple_of3A, %dma_start3A_192] : memref<32x128x80xi32, #tpu.memory_space<hbm>> -> memref<1x8x80xi32, #tpu.memory_space<hbm>>
            %dma_start3A_194 = tpu.memref_squeeze %dma_start3A_193 : memref<1x8x80xi32, #tpu.memory_space<hbm>> -> memref<8x80xi32, #tpu.memory_space<hbm>>
            tpu.enqueue_dma source(%dma_start3A_194 : memref<8x80xi32, #tpu.memory_space<hbm>>) target(%dma_start3A_191 : memref<8x80xi32, #tpu.memory_space<vmem>>) target_semaphore(%arg18 : memref<!tpu.dma_semaphore, #tpu.memory_space<semaphore_mem>>)
          } else {
          }
          %eq3A_175 = arith.constant 1 : i32
          %eq3A_176 = arith.cmpi eq, %and3A_116, %eq3A_175 : i32
          %convert_element_type3A_177 = arith.extui %eq3A_176 : i1 to i32
          %cond3A_178 = arith.constant 0 : i32
          %cond3A_179 = arith.cmpi ne, %convert_element_type3A_177, %cond3A_178 : i32
          scf.if %cond3A_179 {
            %dma_start3A_180 = arith.constant 0 : i32
            %dma_start3A_181 = arith.constant 0 : i32
            %dma_start3A_182 = arith.constant 0 : i32
            %dma_start3A_183 = tpu.memref_slice %arg8[%dma_start3A_180, %dma_start3A_181, %dma_start3A_182] : memref<2x8x80xi32, #tpu.memory_space<vmem>> -> memref<1x8x80xi32, #tpu.memory_space<vmem>>
            %dma_start3A_184 = tpu.memref_squeeze %dma_start3A_183 : memref<1x8x80xi32, #tpu.memory_space<vmem>> -> memref<8x80xi32, #tpu.memory_space<vmem>>
            %dma_start3A_185 = arith.constant 0 : i32
            %dma_start3A_186 = tpu.memref_slice %arg4[%add3A, %multiple_of3A, %dma_start3A_185] : memref<32x128x80xi32, #tpu.memory_space<hbm>> -> memref<1x8x80xi32, #tpu.memory_space<hbm>>
            %dma_start3A_187 = tpu.memref_squeeze %dma_start3A_186 : memref<1x8x80xi32, #tpu.memory_space<hbm>> -> memref<8x80xi32, #tpu.memory_space<hbm>>
            %dma_start3A_188 = arith.constant 0 : i32
            %dma_start3A_189 = arith.constant 0 : i32
            %dma_start3A_190 = tpu.memref_slice %arg8[%dma_start3A_180, %dma_start3A_188, %dma_start3A_189] : memref<2x8x80xi32, #tpu.memory_space<vmem>> -> memref<1x8x80xi32, #tpu.memory_space<vmem>>
            %dma_start3A_191 = tpu.memref_squeeze %dma_start3A_190 : memref<1x8x80xi32, #tpu.memory_space<vmem>> -> memref<8x80xi32, #tpu.memory_space<vmem>>
            %dma_start3A_192 = arith.constant 0 : i32
            %dma_start3A_193 = tpu.memref_slice %arg4[%add3A, %multiple_of3A, %dma_start3A_192] : memref<32x128x80xi32, #tpu.memory_space<hbm>> -> memref<1x8x80xi32, #tpu.memory_space<hbm>>
            %dma_start3A_194 = tpu.memref_squeeze %dma_start3A_193 : memref<1x8x80xi32, #tpu.memory_space<hbm>> -> memref<8x80xi32, #tpu.memory_space<hbm>>
            tpu.enqueue_dma source(%dma_start3A_194 : memref<8x80xi32, #tpu.memory_space<hbm>>) target(%dma_start3A_191 : memref<8x80xi32, #tpu.memory_space<vmem>>) target_semaphore(%arg17 : memref<!tpu.dma_semaphore, #tpu.memory_space<semaphore_mem>>)
          } else {
          }
        } else {
        }
      } else {
      }
      %add3A_101 = arith.constant 1 : i32
      %add3A_102 = arith.addi %add3A_96, %add3A_101 : i32
      %lt3A_103 = arith.constant 125 : i32
      %lt3A_104 = arith.cmpi slt, %add3A_102, %lt3A_103 : i32
      %convert_element_type3A_105 = arith.extui %lt3A_104 : i1 to i32
      %cond3A_106 = arith.constant 0 : i32
      %cond3A_107 = arith.cmpi ne, %convert_element_type3A_105, %cond3A_106 : i32
      scf.if %cond3A_107 {
        %shift_right_logical3A = arith.constant 3 : i32
        %shift_right_logical3A_115 = arith.shrui %add3A_102, %shift_right_logical3A : i32
        %and3A = arith.constant 1 : i32
        %and3A_116 = arith.andi %shift_right_logical3A_115, %and3A : i32
        %and3A_117 = arith.constant 7 : i32
        %and3A_118 = arith.andi %add3A_102, %and3A_117 : i32
        %eq3A = arith.constant 0 : i32
        %eq3A_119 = arith.cmpi eq, %and3A_118, %eq3A : i32
        %ge3A = arith.constant 1 : i32
        %ge3A_120 = arith.cmpi sge, %shift_right_logical3A_115, %ge3A : i32
        %and3A_121 = arith.andi %eq3A_119, %ge3A_120 : i1
        %convert_element_type3A_122 = arith.extui %and3A_121 : i1 to i32
        %cond3A_123 = arith.constant 0 : i32
        %cond3A_124 = arith.cmpi ne, %convert_element_type3A_122, %cond3A_123 : i32
        scf.if %cond3A_124 {
          %eq3A_166 = arith.constant 0 : i32
          %eq3A_167 = arith.cmpi eq, %and3A_116, %eq3A_166 : i32
          %convert_element_type3A_168 = arith.extui %eq3A_167 : i1 to i32
          %cond3A_169 = arith.constant 0 : i32
          %cond3A_170 = arith.cmpi ne, %convert_element_type3A_168, %cond3A_169 : i32
          scf.if %cond3A_170 {
            %dma_wait3A_176 = arith.constant 0 : i32
            %dma_wait3A_177 = arith.constant 0 : i32
            %dma_wait3A_178 = arith.constant 0 : i32
            %dma_wait3A_179 = tpu.memref_slice %arg8[%dma_wait3A_176, %dma_wait3A_177, %dma_wait3A_178] : memref<2x8x80xi32, #tpu.memory_space<vmem>> -> memref<1x8x80xi32, #tpu.memory_space<vmem>>
            %dma_wait3A_180 = tpu.memref_squeeze %dma_wait3A_179 : memref<1x8x80xi32, #tpu.memory_space<vmem>> -> memref<8x80xi32, #tpu.memory_space<vmem>>
            %dma_wait3A_181 = arith.constant 0 : i32
            %dma_wait3A_182 = arith.constant 0 : i32
            %dma_wait3A_183 = tpu.memref_slice %arg4[%add3A, %dma_wait3A_181, %dma_wait3A_182] : memref<32x128x80xi32, #tpu.memory_space<hbm>> -> memref<1x8x80xi32, #tpu.memory_space<hbm>>
            %dma_wait3A_184 = tpu.memref_squeeze %dma_wait3A_183 : memref<1x8x80xi32, #tpu.memory_space<hbm>> -> memref<8x80xi32, #tpu.memory_space<hbm>>
            %dma_wait3A_185 = arith.constant 0 : i32
            %dma_wait3A_186 = arith.constant 0 : i32
            %dma_wait3A_187 = tpu.memref_slice %arg8[%dma_wait3A_176, %dma_wait3A_185, %dma_wait3A_186] : memref<2x8x80xi32, #tpu.memory_space<vmem>> -> memref<1x8x80xi32, #tpu.memory_space<vmem>>
            %dma_wait3A_188 = tpu.memref_squeeze %dma_wait3A_187 : memref<1x8x80xi32, #tpu.memory_space<vmem>> -> memref<8x80xi32, #tpu.memory_space<vmem>>
            %dma_wait3A_189 = arith.constant 0 : i32
            %dma_wait3A_190 = arith.constant 0 : i32
            %dma_wait3A_191 = tpu.memref_slice %arg4[%add3A, %dma_wait3A_189, %dma_wait3A_190] : memref<32x128x80xi32, #tpu.memory_space<hbm>> -> memref<1x8x80xi32, #tpu.memory_space<hbm>>
            %dma_wait3A_192 = tpu.memref_squeeze %dma_wait3A_191 : memref<1x8x80xi32, #tpu.memory_space<hbm>> -> memref<8x80xi32, #tpu.memory_space<hbm>>
            tpu.wait_dma2 semaphore(%arg17 : memref<!tpu.dma_semaphore, #tpu.memory_space<semaphore_mem>>) src(%dma_wait3A_192 : memref<8x80xi32, #tpu.memory_space<hbm>>) dst(%dma_wait3A_188 : memref<8x80xi32, #tpu.memory_space<vmem>>)
          } else {
          }
          %eq3A_171 = arith.constant 1 : i32
          %eq3A_172 = arith.cmpi eq, %and3A_116, %eq3A_171 : i32
          %convert_element_type3A_173 = arith.extui %eq3A_172 : i1 to i32
          %cond3A_174 = arith.constant 0 : i32
          %cond3A_175 = arith.cmpi ne, %convert_element_type3A_173, %cond3A_174 : i32
          scf.if %cond3A_175 {
            %dma_wait3A_176 = arith.constant 1 : i32
            %dma_wait3A_177 = arith.constant 0 : i32
            %dma_wait3A_178 = arith.constant 0 : i32
            %dma_wait3A_179 = tpu.memref_slice %arg8[%dma_wait3A_176, %dma_wait3A_177, %dma_wait3A_178] : memref<2x8x80xi32, #tpu.memory_space<vmem>> -> memref<1x8x80xi32, #tpu.memory_space<vmem>>
            %dma_wait3A_180 = tpu.memref_squeeze %dma_wait3A_179 : memref<1x8x80xi32, #tpu.memory_space<vmem>> -> memref<8x80xi32, #tpu.memory_space<vmem>>
            %dma_wait3A_181 = arith.constant 0 : i32
            %dma_wait3A_182 = arith.constant 0 : i32
            %dma_wait3A_183 = tpu.memref_slice %arg4[%add3A, %dma_wait3A_181, %dma_wait3A_182] : memref<32x128x80xi32, #tpu.memory_space<hbm>> -> memref<1x8x80xi32, #tpu.memory_space<hbm>>
            %dma_wait3A_184 = tpu.memref_squeeze %dma_wait3A_183 : memref<1x8x80xi32, #tpu.memory_space<hbm>> -> memref<8x80xi32, #tpu.memory_space<hbm>>
            %dma_wait3A_185 = arith.constant 0 : i32
            %dma_wait3A_186 = arith.constant 0 : i32
            %dma_wait3A_187 = tpu.memref_slice %arg8[%dma_wait3A_176, %dma_wait3A_185, %dma_wait3A_186] : memref<2x8x80xi32, #tpu.memory_space<vmem>> -> memref<1x8x80xi32, #tpu.memory_space<vmem>>
            %dma_wait3A_188 = tpu.memref_squeeze %dma_wait3A_187 : memref<1x8x80xi32, #tpu.memory_space<vmem>> -> memref<8x80xi32, #tpu.memory_space<vmem>>
            %dma_wait3A_189 = arith.constant 0 : i32
            %dma_wait3A_190 = arith.constant 0 : i32
            %dma_wait3A_191 = tpu.memref_slice %arg4[%add3A, %dma_wait3A_189, %dma_wait3A_190] : memref<32x128x80xi32, #tpu.memory_space<hbm>> -> memref<1x8x80xi32, #tpu.memory_space<hbm>>
            %dma_wait3A_192 = tpu.memref_squeeze %dma_wait3A_191 : memref<1x8x80xi32, #tpu.memory_space<hbm>> -> memref<8x80xi32, #tpu.memory_space<hbm>>
            tpu.wait_dma2 semaphore(%arg18 : memref<!tpu.dma_semaphore, #tpu.memory_space<semaphore_mem>>) src(%dma_wait3A_192 : memref<8x80xi32, #tpu.memory_space<hbm>>) dst(%dma_wait3A_188 : memref<8x80xi32, #tpu.memory_space<vmem>>)
          } else {
          }
        } else {
        }
        %mul3A_125 = arith.constant 80 : i32
        %mul3A_126 = arith.muli %add3A_102, %mul3A_125 : i32
        %dma_wait3A_127 = arith.constant 1 : i32
        %dma_wait3A_128 = arith.constant 0 : i32
        %dma_wait3A_129 = arith.constant 0 : i32
        %dma_wait3A_130 = tpu.memref_slice %arg9[%dma_wait3A_127, %dma_wait3A_128, %dma_wait3A_129] : memref<3x80x128xf32, #tpu.memory_space<vmem>> -> memref<1x80x128xf32, #tpu.memory_space<vmem>>
        %dma_wait3A_131 = tpu.memref_squeeze %dma_wait3A_130 : memref<1x80x128xf32, #tpu.memory_space<vmem>> -> memref<80x128xf32, #tpu.memory_space<vmem>>
        %dma_wait3A_132 = tpu.memref_slice %arg7[%mul3A_126] : memref<10000xi32, #tpu.memory_space<vmem>> -> memref<80xi32, #tpu.memory_space<vmem>>
        %dma_wait3A_133 = arith.constant 0 : i32
        %dma_wait3A_134 = arith.constant 0 : i32
        %dma_wait3A_135 = tpu.memref_slice %arg2[%dma_wait3A_133, %dma_wait3A_134] : memref<10000x128xf32, #tpu.memory_space<hbm>> -> memref<10000x128xf32, #tpu.memory_space<hbm>>
        tpu.wait_indirect_dma semaphore(%arg12 : memref<!tpu.dma_semaphore, #tpu.memory_space<semaphore_mem>>) src(%dma_wait3A_135 : memref<10000x128xf32, #tpu.memory_space<hbm>>) dst(%dma_wait3A_131 : memref<80x128xf32, #tpu.memory_space<vmem>>)
        %dma_start3A_136 = arith.constant 1 : i32
        %dma_start3A_137 = arith.constant 0 : i32
        %dma_start3A_138 = arith.constant 0 : i32
        %dma_start3A_139 = tpu.memref_slice %arg9[%dma_start3A_136, %dma_start3A_137, %dma_start3A_138] : memref<3x80x128xf32, #tpu.memory_space<vmem>> -> memref<1x80x128xf32, #tpu.memory_space<vmem>>
        %dma_start3A_140 = tpu.memref_squeeze %dma_start3A_139 : memref<1x80x128xf32, #tpu.memory_space<vmem>> -> memref<80x128xf32, #tpu.memory_space<vmem>>
        %dma_start3A_141 = arith.constant 0 : i32
        %dma_start3A_142 = tpu.memref_slice %arg8[%and3A_116, %and3A_118, %dma_start3A_141] : memref<2x8x80xi32, #tpu.memory_space<vmem>> -> memref<1x1x80xi32, #tpu.memory_space<vmem>>
        %dma_start3A_143 = tpu.memref_squeeze %dma_start3A_142 : memref<1x1x80xi32, #tpu.memory_space<vmem>> -> memref<80xi32, #tpu.memory_space<vmem>>
        %dma_start3A_144 = arith.constant 0 : i32
        %dma_start3A_145 = arith.constant 0 : i32
        %dma_start3A_146 = tpu.memref_slice %arg10[%dma_start3A_144, %dma_start3A_145] : memref<10240x128xf32, #tpu.memory_space<vmem_shared>> -> memref<10240x128xf32, #tpu.memory_space<vmem_shared>>
        tpu.enqueue_indirect_dma source(%dma_start3A_140 : memref<80x128xf32, #tpu.memory_space<vmem>>) target(%dma_start3A_146 : memref<10240x128xf32, #tpu.memory_space<vmem_shared>>) offsets(%dma_start3A_143 : memref<80xi32, #tpu.memory_space<vmem>>) semaphore(%arg15 : memref<!tpu.dma_semaphore, #tpu.memory_space<semaphore_mem>>) {add = true}
        %add3A_147 = arith.constant 3 : i32
        %add3A_148 = arith.addi %add3A_102, %add3A_147 : i32
        %sub3A = arith.constant 1 : i32
        %sub3A_149 = arith.subi %add3A_148, %sub3A : i32
        %lt3A_150 = arith.constant 125 : i32
        %lt3A_151 = arith.cmpi slt, %sub3A_149, %lt3A_150 : i32
        %convert_element_type3A_152 = arith.extui %lt3A_151 : i1 to i32
        %cond3A_153 = arith.constant 0 : i32
        %cond3A_154 = arith.cmpi ne, %convert_element_type3A_152, %cond3A_153 : i32
        scf.if %cond3A_154 {
          %ge3A_166 = arith.constant 1 : i32
          %ge3A_167 = arith.cmpi sge, %add3A_102, %ge3A_166 : i32
          %convert_element_type3A_168 = arith.extui %ge3A_167 : i1 to i32
          %cond3A_169 = arith.constant 0 : i32
          %cond3A_170 = arith.cmpi ne, %convert_element_type3A_168, %cond3A_169 : i32
          scf.if %cond3A_170 {
            %dma_wait3A_182 = arith.constant 0 : i32
            %dma_wait3A_183 = arith.constant 0 : i32
            %dma_wait3A_184 = arith.constant 0 : i32
            %dma_wait3A_185 = arith.constant 0 : i32
            %dma_wait3A_186 = arith.constant 0 : i32
            %dma_wait3A_187 = tpu.memref_slice %arg9[%dma_wait3A_182, %dma_wait3A_185, %dma_wait3A_186] : memref<3x80x128xf32, #tpu.memory_space<vmem>> -> memref<1x80x128xf32, #tpu.memory_space<vmem>>
            %dma_wait3A_188 = tpu.memref_squeeze %dma_wait3A_187 : memref<1x80x128xf32, #tpu.memory_space<vmem>> -> memref<80x128xf32, #tpu.memory_space<vmem>>
            %dma_wait3A_189 = arith.constant 0 : i32
            %dma_wait3A_190 = tpu.memref_slice %arg8[%dma_wait3A_183, %dma_wait3A_184, %dma_wait3A_189] : memref<2x8x80xi32, #tpu.memory_space<vmem>> -> memref<1x1x80xi32, #tpu.memory_space<vmem>>
            %dma_wait3A_191 = tpu.memref_squeeze %dma_wait3A_190 : memref<1x1x80xi32, #tpu.memory_space<vmem>> -> memref<80xi32, #tpu.memory_space<vmem>>
            %dma_wait3A_192 = arith.constant 0 : i32
            %dma_wait3A_193 = arith.constant 0 : i32
            %dma_wait3A_194 = tpu.memref_slice %arg10[%dma_wait3A_192, %dma_wait3A_193] : memref<10240x128xf32, #tpu.memory_space<vmem_shared>> -> memref<10240x128xf32, #tpu.memory_space<vmem_shared>>
            tpu.wait_indirect_dma semaphore(%arg14 : memref<!tpu.dma_semaphore, #tpu.memory_space<semaphore_mem>>) src(%dma_wait3A_188 : memref<80x128xf32, #tpu.memory_space<vmem>>) dst(%dma_wait3A_194 : memref<10240x128xf32, #tpu.memory_space<vmem_shared>>)
          } else {
          }
          %mul3A_171 = arith.constant 80 : i32
          %mul3A_172 = arith.muli %sub3A_149, %mul3A_171 : i32
          %dma_start3A_173 = arith.constant 0 : i32
          %dma_start3A_174 = arith.constant 0 : i32
          %dma_start3A_175 = arith.constant 0 : i32
          %dma_start3A_176 = tpu.memref_slice %arg9[%dma_start3A_173, %dma_start3A_174, %dma_start3A_175] : memref<3x80x128xf32, #tpu.memory_space<vmem>> -> memref<1x80x128xf32, #tpu.memory_space<vmem>>
          %dma_start3A_177 = tpu.memref_squeeze %dma_start3A_176 : memref<1x80x128xf32, #tpu.memory_space<vmem>> -> memref<80x128xf32, #tpu.memory_space<vmem>>
          %dma_start3A_178 = tpu.memref_slice %arg7[%mul3A_172] : memref<10000xi32, #tpu.memory_space<vmem>> -> memref<80xi32, #tpu.memory_space<vmem>>
          %dma_start3A_179 = arith.constant 0 : i32
          %dma_start3A_180 = arith.constant 0 : i32
          %dma_start3A_181 = tpu.memref_slice %arg2[%dma_start3A_179, %dma_start3A_180] : memref<10000x128xf32, #tpu.memory_space<hbm>> -> memref<10000x128xf32, #tpu.memory_space<hbm>>
          tpu.enqueue_indirect_dma source(%dma_start3A_181 : memref<10000x128xf32, #tpu.memory_space<hbm>>) target(%dma_start3A_177 : memref<80x128xf32, #tpu.memory_space<vmem>>) offsets(%dma_start3A_178 : memref<80xi32, #tpu.memory_space<vmem>>) semaphore(%arg11 : memref<!tpu.dma_semaphore, #tpu.memory_space<semaphore_mem>>)
        } else {
        }
        %eq3A_155 = arith.constant 0 : i32
        %eq3A_156 = arith.cmpi eq, %and3A_118, %eq3A_155 : i32
        %ge3A_157 = arith.constant 1 : i32
        %ge3A_158 = arith.cmpi sge, %shift_right_logical3A_115, %ge3A_157 : i32
        %and3A_159 = arith.andi %eq3A_156, %ge3A_158 : i1
        %lt3A_160 = arith.constant 15 : i32
        %lt3A_161 = arith.cmpi slt, %shift_right_logical3A_115, %lt3A_160 : i32
        %and3A_162 = arith.andi %and3A_159, %lt3A_161 : i1
        %convert_element_type3A_163 = arith.extui %and3A_162 : i1 to i32
        %cond3A_164 = arith.constant 0 : i32
        %cond3A_165 = arith.cmpi ne, %convert_element_type3A_163, %cond3A_164 : i32
        scf.if %cond3A_165 {
          %add3A_166 = arith.constant 1 : i32
          %add3A_167 = arith.addi %shift_right_logical3A_115, %add3A_166 : i32
          %mul3A_168 = arith.constant 8 : i32
          %mul3A_169 = arith.muli %add3A_167, %mul3A_168 : i32
          %multiple_of3A = tpu.assume_multiple %mul3A_169, 8 : i32
          %eq3A_170 = arith.constant 0 : i32
          %eq3A_171 = arith.cmpi eq, %and3A_116, %eq3A_170 : i32
          %convert_element_type3A_172 = arith.extui %eq3A_171 : i1 to i32
          %cond3A_173 = arith.constant 0 : i32
          %cond3A_174 = arith.cmpi ne, %convert_element_type3A_172, %cond3A_173 : i32
          scf.if %cond3A_174 {
            %dma_start3A_180 = arith.constant 1 : i32
            %dma_start3A_181 = arith.constant 0 : i32
            %dma_start3A_182 = arith.constant 0 : i32
            %dma_start3A_183 = tpu.memref_slice %arg8[%dma_start3A_180, %dma_start3A_181, %dma_start3A_182] : memref<2x8x80xi32, #tpu.memory_space<vmem>> -> memref<1x8x80xi32, #tpu.memory_space<vmem>>
            %dma_start3A_184 = tpu.memref_squeeze %dma_start3A_183 : memref<1x8x80xi32, #tpu.memory_space<vmem>> -> memref<8x80xi32, #tpu.memory_space<vmem>>
            %dma_start3A_185 = arith.constant 0 : i32
            %dma_start3A_186 = tpu.memref_slice %arg4[%add3A, %multiple_of3A, %dma_start3A_185] : memref<32x128x80xi32, #tpu.memory_space<hbm>> -> memref<1x8x80xi32, #tpu.memory_space<hbm>>
            %dma_start3A_187 = tpu.memref_squeeze %dma_start3A_186 : memref<1x8x80xi32, #tpu.memory_space<hbm>> -> memref<8x80xi32, #tpu.memory_space<hbm>>
            %dma_start3A_188 = arith.constant 0 : i32
            %dma_start3A_189 = arith.constant 0 : i32
            %dma_start3A_190 = tpu.memref_slice %arg8[%dma_start3A_180, %dma_start3A_188, %dma_start3A_189] : memref<2x8x80xi32, #tpu.memory_space<vmem>> -> memref<1x8x80xi32, #tpu.memory_space<vmem>>
            %dma_start3A_191 = tpu.memref_squeeze %dma_start3A_190 : memref<1x8x80xi32, #tpu.memory_space<vmem>> -> memref<8x80xi32, #tpu.memory_space<vmem>>
            %dma_start3A_192 = arith.constant 0 : i32
            %dma_start3A_193 = tpu.memref_slice %arg4[%add3A, %multiple_of3A, %dma_start3A_192] : memref<32x128x80xi32, #tpu.memory_space<hbm>> -> memref<1x8x80xi32, #tpu.memory_space<hbm>>
            %dma_start3A_194 = tpu.memref_squeeze %dma_start3A_193 : memref<1x8x80xi32, #tpu.memory_space<hbm>> -> memref<8x80xi32, #tpu.memory_space<hbm>>
            tpu.enqueue_dma source(%dma_start3A_194 : memref<8x80xi32, #tpu.memory_space<hbm>>) target(%dma_start3A_191 : memref<8x80xi32, #tpu.memory_space<vmem>>) target_semaphore(%arg18 : memref<!tpu.dma_semaphore, #tpu.memory_space<semaphore_mem>>)
          } else {
          }
          %eq3A_175 = arith.constant 1 : i32
          %eq3A_176 = arith.cmpi eq, %and3A_116, %eq3A_175 : i32
          %convert_element_type3A_177 = arith.extui %eq3A_176 : i1 to i32
          %cond3A_178 = arith.constant 0 : i32
          %cond3A_179 = arith.cmpi ne, %convert_element_type3A_177, %cond3A_178 : i32
          scf.if %cond3A_179 {
            %dma_start3A_180 = arith.constant 0 : i32
            %dma_start3A_181 = arith.constant 0 : i32
            %dma_start3A_182 = arith.constant 0 : i32
            %dma_start3A_183 = tpu.memref_slice %arg8[%dma_start3A_180, %dma_start3A_181, %dma_start3A_182] : memref<2x8x80xi32, #tpu.memory_space<vmem>> -> memref<1x8x80xi32, #tpu.memory_space<vmem>>
            %dma_start3A_184 = tpu.memref_squeeze %dma_start3A_183 : memref<1x8x80xi32, #tpu.memory_space<vmem>> -> memref<8x80xi32, #tpu.memory_space<vmem>>
            %dma_start3A_185 = arith.constant 0 : i32
            %dma_start3A_186 = tpu.memref_slice %arg4[%add3A, %multiple_of3A, %dma_start3A_185] : memref<32x128x80xi32, #tpu.memory_space<hbm>> -> memref<1x8x80xi32, #tpu.memory_space<hbm>>
            %dma_start3A_187 = tpu.memref_squeeze %dma_start3A_186 : memref<1x8x80xi32, #tpu.memory_space<hbm>> -> memref<8x80xi32, #tpu.memory_space<hbm>>
            %dma_start3A_188 = arith.constant 0 : i32
            %dma_start3A_189 = arith.constant 0 : i32
            %dma_start3A_190 = tpu.memref_slice %arg8[%dma_start3A_180, %dma_start3A_188, %dma_start3A_189] : memref<2x8x80xi32, #tpu.memory_space<vmem>> -> memref<1x8x80xi32, #tpu.memory_space<vmem>>
            %dma_start3A_191 = tpu.memref_squeeze %dma_start3A_190 : memref<1x8x80xi32, #tpu.memory_space<vmem>> -> memref<8x80xi32, #tpu.memory_space<vmem>>
            %dma_start3A_192 = arith.constant 0 : i32
            %dma_start3A_193 = tpu.memref_slice %arg4[%add3A, %multiple_of3A, %dma_start3A_192] : memref<32x128x80xi32, #tpu.memory_space<hbm>> -> memref<1x8x80xi32, #tpu.memory_space<hbm>>
            %dma_start3A_194 = tpu.memref_squeeze %dma_start3A_193 : memref<1x8x80xi32, #tpu.memory_space<hbm>> -> memref<8x80xi32, #tpu.memory_space<hbm>>
            tpu.enqueue_dma source(%dma_start3A_194 : memref<8x80xi32, #tpu.memory_space<hbm>>) target(%dma_start3A_191 : memref<8x80xi32, #tpu.memory_space<vmem>>) target_semaphore(%arg17 : memref<!tpu.dma_semaphore, #tpu.memory_space<semaphore_mem>>)
          } else {
          }
        } else {
        }
      } else {
      }
      %add3A_108 = arith.constant 2 : i32
      %add3A_109 = arith.addi %add3A_96, %add3A_108 : i32
      %lt3A_110 = arith.constant 125 : i32
      %lt3A_111 = arith.cmpi slt, %add3A_109, %lt3A_110 : i32
      %convert_element_type3A_112 = arith.extui %lt3A_111 : i1 to i32
      %cond3A_113 = arith.constant 0 : i32
      %cond3A_114 = arith.cmpi ne, %convert_element_type3A_112, %cond3A_113 : i32
      scf.if %cond3A_114 {
        %shift_right_logical3A = arith.constant 3 : i32
        %shift_right_logical3A_115 = arith.shrui %add3A_109, %shift_right_logical3A : i32
        %and3A = arith.constant 1 : i32
        %and3A_116 = arith.andi %shift_right_logical3A_115, %and3A : i32
        %and3A_117 = arith.constant 7 : i32
        %and3A_118 = arith.andi %add3A_109, %and3A_117 : i32
        %eq3A = arith.constant 0 : i32
        %eq3A_119 = arith.cmpi eq, %and3A_118, %eq3A : i32
        %ge3A = arith.constant 1 : i32
        %ge3A_120 = arith.cmpi sge, %shift_right_logical3A_115, %ge3A : i32
        %and3A_121 = arith.andi %eq3A_119, %ge3A_120 : i1
        %convert_element_type3A_122 = arith.extui %and3A_121 : i1 to i32
        %cond3A_123 = arith.constant 0 : i32
        %cond3A_124 = arith.cmpi ne, %convert_element_type3A_122, %cond3A_123 : i32
        scf.if %cond3A_124 {
          %eq3A_166 = arith.constant 0 : i32
          %eq3A_167 = arith.cmpi eq, %and3A_116, %eq3A_166 : i32
          %convert_element_type3A_168 = arith.extui %eq3A_167 : i1 to i32
          %cond3A_169 = arith.constant 0 : i32
          %cond3A_170 = arith.cmpi ne, %convert_element_type3A_168, %cond3A_169 : i32
          scf.if %cond3A_170 {
            %dma_wait3A_176 = arith.constant 0 : i32
            %dma_wait3A_177 = arith.constant 0 : i32
            %dma_wait3A_178 = arith.constant 0 : i32
            %dma_wait3A_179 = tpu.memref_slice %arg8[%dma_wait3A_176, %dma_wait3A_177, %dma_wait3A_178] : memref<2x8x80xi32, #tpu.memory_space<vmem>> -> memref<1x8x80xi32, #tpu.memory_space<vmem>>
            %dma_wait3A_180 = tpu.memref_squeeze %dma_wait3A_179 : memref<1x8x80xi32, #tpu.memory_space<vmem>> -> memref<8x80xi32, #tpu.memory_space<vmem>>
            %dma_wait3A_181 = arith.constant 0 : i32
            %dma_wait3A_182 = arith.constant 0 : i32
            %dma_wait3A_183 = tpu.memref_slice %arg4[%add3A, %dma_wait3A_181, %dma_wait3A_182] : memref<32x128x80xi32, #tpu.memory_space<hbm>> -> memref<1x8x80xi32, #tpu.memory_space<hbm>>
            %dma_wait3A_184 = tpu.memref_squeeze %dma_wait3A_183 : memref<1x8x80xi32, #tpu.memory_space<hbm>> -> memref<8x80xi32, #tpu.memory_space<hbm>>
            %dma_wait3A_185 = arith.constant 0 : i32
            %dma_wait3A_186 = arith.constant 0 : i32
            %dma_wait3A_187 = tpu.memref_slice %arg8[%dma_wait3A_176, %dma_wait3A_185, %dma_wait3A_186] : memref<2x8x80xi32, #tpu.memory_space<vmem>> -> memref<1x8x80xi32, #tpu.memory_space<vmem>>
            %dma_wait3A_188 = tpu.memref_squeeze %dma_wait3A_187 : memref<1x8x80xi32, #tpu.memory_space<vmem>> -> memref<8x80xi32, #tpu.memory_space<vmem>>
            %dma_wait3A_189 = arith.constant 0 : i32
            %dma_wait3A_190 = arith.constant 0 : i32
            %dma_wait3A_191 = tpu.memref_slice %arg4[%add3A, %dma_wait3A_189, %dma_wait3A_190] : memref<32x128x80xi32, #tpu.memory_space<hbm>> -> memref<1x8x80xi32, #tpu.memory_space<hbm>>
            %dma_wait3A_192 = tpu.memref_squeeze %dma_wait3A_191 : memref<1x8x80xi32, #tpu.memory_space<hbm>> -> memref<8x80xi32, #tpu.memory_space<hbm>>
            tpu.wait_dma2 semaphore(%arg17 : memref<!tpu.dma_semaphore, #tpu.memory_space<semaphore_mem>>) src(%dma_wait3A_192 : memref<8x80xi32, #tpu.memory_space<hbm>>) dst(%dma_wait3A_188 : memref<8x80xi32, #tpu.memory_space<vmem>>)
          } else {
          }
          %eq3A_171 = arith.constant 1 : i32
          %eq3A_172 = arith.cmpi eq, %and3A_116, %eq3A_171 : i32
          %convert_element_type3A_173 = arith.extui %eq3A_172 : i1 to i32
          %cond3A_174 = arith.constant 0 : i32
          %cond3A_175 = arith.cmpi ne, %convert_element_type3A_173, %cond3A_174 : i32
          scf.if %cond3A_175 {
            %dma_wait3A_176 = arith.constant 1 : i32
            %dma_wait3A_177 = arith.constant 0 : i32
            %dma_wait3A_178 = arith.constant 0 : i32
            %dma_wait3A_179 = tpu.memref_slice %arg8[%dma_wait3A_176, %dma_wait3A_177, %dma_wait3A_178] : memref<2x8x80xi32, #tpu.memory_space<vmem>> -> memref<1x8x80xi32, #tpu.memory_space<vmem>>
            %dma_wait3A_180 = tpu.memref_squeeze %dma_wait3A_179 : memref<1x8x80xi32, #tpu.memory_space<vmem>> -> memref<8x80xi32, #tpu.memory_space<vmem>>
            %dma_wait3A_181 = arith.constant 0 : i32
            %dma_wait3A_182 = arith.constant 0 : i32
            %dma_wait3A_183 = tpu.memref_slice %arg4[%add3A, %dma_wait3A_181, %dma_wait3A_182] : memref<32x128x80xi32, #tpu.memory_space<hbm>> -> memref<1x8x80xi32, #tpu.memory_space<hbm>>
            %dma_wait3A_184 = tpu.memref_squeeze %dma_wait3A_183 : memref<1x8x80xi32, #tpu.memory_space<hbm>> -> memref<8x80xi32, #tpu.memory_space<hbm>>
            %dma_wait3A_185 = arith.constant 0 : i32
            %dma_wait3A_186 = arith.constant 0 : i32
            %dma_wait3A_187 = tpu.memref_slice %arg8[%dma_wait3A_176, %dma_wait3A_185, %dma_wait3A_186] : memref<2x8x80xi32, #tpu.memory_space<vmem>> -> memref<1x8x80xi32, #tpu.memory_space<vmem>>
            %dma_wait3A_188 = tpu.memref_squeeze %dma_wait3A_187 : memref<1x8x80xi32, #tpu.memory_space<vmem>> -> memref<8x80xi32, #tpu.memory_space<vmem>>
            %dma_wait3A_189 = arith.constant 0 : i32
            %dma_wait3A_190 = arith.constant 0 : i32
            %dma_wait3A_191 = tpu.memref_slice %arg4[%add3A, %dma_wait3A_189, %dma_wait3A_190] : memref<32x128x80xi32, #tpu.memory_space<hbm>> -> memref<1x8x80xi32, #tpu.memory_space<hbm>>
            %dma_wait3A_192 = tpu.memref_squeeze %dma_wait3A_191 : memref<1x8x80xi32, #tpu.memory_space<hbm>> -> memref<8x80xi32, #tpu.memory_space<hbm>>
            tpu.wait_dma2 semaphore(%arg18 : memref<!tpu.dma_semaphore, #tpu.memory_space<semaphore_mem>>) src(%dma_wait3A_192 : memref<8x80xi32, #tpu.memory_space<hbm>>) dst(%dma_wait3A_188 : memref<8x80xi32, #tpu.memory_space<vmem>>)
          } else {
          }
        } else {
        }
        %mul3A_125 = arith.constant 80 : i32
        %mul3A_126 = arith.muli %add3A_109, %mul3A_125 : i32
        %dma_wait3A_127 = arith.constant 2 : i32
        %dma_wait3A_128 = arith.constant 0 : i32
        %dma_wait3A_129 = arith.constant 0 : i32
        %dma_wait3A_130 = tpu.memref_slice %arg9[%dma_wait3A_127, %dma_wait3A_128, %dma_wait3A_129] : memref<3x80x128xf32, #tpu.memory_space<vmem>> -> memref<1x80x128xf32, #tpu.memory_space<vmem>>
        %dma_wait3A_131 = tpu.memref_squeeze %dma_wait3A_130 : memref<1x80x128xf32, #tpu.memory_space<vmem>> -> memref<80x128xf32, #tpu.memory_space<vmem>>
        %dma_wait3A_132 = tpu.memref_slice %arg7[%mul3A_126] : memref<10000xi32, #tpu.memory_space<vmem>> -> memref<80xi32, #tpu.memory_space<vmem>>
        %dma_wait3A_133 = arith.constant 0 : i32
        %dma_wait3A_134 = arith.constant 0 : i32
        %dma_wait3A_135 = tpu.memref_slice %arg2[%dma_wait3A_133, %dma_wait3A_134] : memref<10000x128xf32, #tpu.memory_space<hbm>> -> memref<10000x128xf32, #tpu.memory_space<hbm>>
        tpu.wait_indirect_dma semaphore(%arg13 : memref<!tpu.dma_semaphore, #tpu.memory_space<semaphore_mem>>) src(%dma_wait3A_135 : memref<10000x128xf32, #tpu.memory_space<hbm>>) dst(%dma_wait3A_131 : memref<80x128xf32, #tpu.memory_space<vmem>>)
        %dma_start3A_136 = arith.constant 2 : i32
        %dma_start3A_137 = arith.constant 0 : i32
        %dma_start3A_138 = arith.constant 0 : i32
        %dma_start3A_139 = tpu.memref_slice %arg9[%dma_start3A_136, %dma_start3A_137, %dma_start3A_138] : memref<3x80x128xf32, #tpu.memory_space<vmem>> -> memref<1x80x128xf32, #tpu.memory_space<vmem>>
        %dma_start3A_140 = tpu.memref_squeeze %dma_start3A_139 : memref<1x80x128xf32, #tpu.memory_space<vmem>> -> memref<80x128xf32, #tpu.memory_space<vmem>>
        %dma_start3A_141 = arith.constant 0 : i32
        %dma_start3A_142 = tpu.memref_slice %arg8[%and3A_116, %and3A_118, %dma_start3A_141] : memref<2x8x80xi32, #tpu.memory_space<vmem>> -> memref<1x1x80xi32, #tpu.memory_space<vmem>>
        %dma_start3A_143 = tpu.memref_squeeze %dma_start3A_142 : memref<1x1x80xi32, #tpu.memory_space<vmem>> -> memref<80xi32, #tpu.memory_space<vmem>>
        %dma_start3A_144 = arith.constant 0 : i32
        %dma_start3A_145 = arith.constant 0 : i32
        %dma_start3A_146 = tpu.memref_slice %arg10[%dma_start3A_144, %dma_start3A_145] : memref<10240x128xf32, #tpu.memory_space<vmem_shared>> -> memref<10240x128xf32, #tpu.memory_space<vmem_shared>>
        tpu.enqueue_indirect_dma source(%dma_start3A_140 : memref<80x128xf32, #tpu.memory_space<vmem>>) target(%dma_start3A_146 : memref<10240x128xf32, #tpu.memory_space<vmem_shared>>) offsets(%dma_start3A_143 : memref<80xi32, #tpu.memory_space<vmem>>) semaphore(%arg16 : memref<!tpu.dma_semaphore, #tpu.memory_space<semaphore_mem>>) {add = true}
        %add3A_147 = arith.constant 3 : i32
        %add3A_148 = arith.addi %add3A_109, %add3A_147 : i32
        %sub3A = arith.constant 1 : i32
        %sub3A_149 = arith.subi %add3A_148, %sub3A : i32
        %lt3A_150 = arith.constant 125 : i32
        %lt3A_151 = arith.cmpi slt, %sub3A_149, %lt3A_150 : i32
        %convert_element_type3A_152 = arith.extui %lt3A_151 : i1 to i32
        %cond3A_153 = arith.constant 0 : i32
        %cond3A_154 = arith.cmpi ne, %convert_element_type3A_152, %cond3A_153 : i32
        scf.if %cond3A_154 {
          %ge3A_166 = arith.constant 1 : i32
          %ge3A_167 = arith.cmpi sge, %add3A_109, %ge3A_166 : i32
          %convert_element_type3A_168 = arith.extui %ge3A_167 : i1 to i32
          %cond3A_169 = arith.constant 0 : i32
          %cond3A_170 = arith.cmpi ne, %convert_element_type3A_168, %cond3A_169 : i32
          scf.if %cond3A_170 {
            %dma_wait3A_182 = arith.constant 1 : i32
            %dma_wait3A_183 = arith.constant 0 : i32
            %dma_wait3A_184 = arith.constant 0 : i32
            %dma_wait3A_185 = arith.constant 0 : i32
            %dma_wait3A_186 = arith.constant 0 : i32
            %dma_wait3A_187 = tpu.memref_slice %arg9[%dma_wait3A_182, %dma_wait3A_185, %dma_wait3A_186] : memref<3x80x128xf32, #tpu.memory_space<vmem>> -> memref<1x80x128xf32, #tpu.memory_space<vmem>>
            %dma_wait3A_188 = tpu.memref_squeeze %dma_wait3A_187 : memref<1x80x128xf32, #tpu.memory_space<vmem>> -> memref<80x128xf32, #tpu.memory_space<vmem>>
            %dma_wait3A_189 = arith.constant 0 : i32
            %dma_wait3A_190 = tpu.memref_slice %arg8[%dma_wait3A_183, %dma_wait3A_184, %dma_wait3A_189] : memref<2x8x80xi32, #tpu.memory_space<vmem>> -> memref<1x1x80xi32, #tpu.memory_space<vmem>>
            %dma_wait3A_191 = tpu.memref_squeeze %dma_wait3A_190 : memref<1x1x80xi32, #tpu.memory_space<vmem>> -> memref<80xi32, #tpu.memory_space<vmem>>
            %dma_wait3A_192 = arith.constant 0 : i32
            %dma_wait3A_193 = arith.constant 0 : i32
            %dma_wait3A_194 = tpu.memref_slice %arg10[%dma_wait3A_192, %dma_wait3A_193] : memref<10240x128xf32, #tpu.memory_space<vmem_shared>> -> memref<10240x128xf32, #tpu.memory_space<vmem_shared>>
            tpu.wait_indirect_dma semaphore(%arg15 : memref<!tpu.dma_semaphore, #tpu.memory_space<semaphore_mem>>) src(%dma_wait3A_188 : memref<80x128xf32, #tpu.memory_space<vmem>>) dst(%dma_wait3A_194 : memref<10240x128xf32, #tpu.memory_space<vmem_shared>>)
          } else {
          }
          %mul3A_171 = arith.constant 80 : i32
          %mul3A_172 = arith.muli %sub3A_149, %mul3A_171 : i32
          %dma_start3A_173 = arith.constant 1 : i32
          %dma_start3A_174 = arith.constant 0 : i32
          %dma_start3A_175 = arith.constant 0 : i32
          %dma_start3A_176 = tpu.memref_slice %arg9[%dma_start3A_173, %dma_start3A_174, %dma_start3A_175] : memref<3x80x128xf32, #tpu.memory_space<vmem>> -> memref<1x80x128xf32, #tpu.memory_space<vmem>>
          %dma_start3A_177 = tpu.memref_squeeze %dma_start3A_176 : memref<1x80x128xf32, #tpu.memory_space<vmem>> -> memref<80x128xf32, #tpu.memory_space<vmem>>
          %dma_start3A_178 = tpu.memref_slice %arg7[%mul3A_172] : memref<10000xi32, #tpu.memory_space<vmem>> -> memref<80xi32, #tpu.memory_space<vmem>>
          %dma_start3A_179 = arith.constant 0 : i32
          %dma_start3A_180 = arith.constant 0 : i32
          %dma_start3A_181 = tpu.memref_slice %arg2[%dma_start3A_179, %dma_start3A_180] : memref<10000x128xf32, #tpu.memory_space<hbm>> -> memref<10000x128xf32, #tpu.memory_space<hbm>>
          tpu.enqueue_indirect_dma source(%dma_start3A_181 : memref<10000x128xf32, #tpu.memory_space<hbm>>) target(%dma_start3A_177 : memref<80x128xf32, #tpu.memory_space<vmem>>) offsets(%dma_start3A_178 : memref<80xi32, #tpu.memory_space<vmem>>) semaphore(%arg12 : memref<!tpu.dma_semaphore, #tpu.memory_space<semaphore_mem>>)
        } else {
        }
        %eq3A_155 = arith.constant 0 : i32
        %eq3A_156 = arith.cmpi eq, %and3A_118, %eq3A_155 : i32
        %ge3A_157 = arith.constant 1 : i32
        %ge3A_158 = arith.cmpi sge, %shift_right_logical3A_115, %ge3A_157 : i32
        %and3A_159 = arith.andi %eq3A_156, %ge3A_158 : i1
        %lt3A_160 = arith.constant 15 : i32
        %lt3A_161 = arith.cmpi slt, %shift_right_logical3A_115, %lt3A_160 : i32
        %and3A_162 = arith.andi %and3A_159, %lt3A_161 : i1
        %convert_element_type3A_163 = arith.extui %and3A_162 : i1 to i32
        %cond3A_164 = arith.constant 0 : i32
        %cond3A_165 = arith.cmpi ne, %convert_element_type3A_163, %cond3A_164 : i32
        scf.if %cond3A_165 {
          %add3A_166 = arith.constant 1 : i32
          %add3A_167 = arith.addi %shift_right_logical3A_115, %add3A_166 : i32
          %mul3A_168 = arith.constant 8 : i32
          %mul3A_169 = arith.muli %add3A_167, %mul3A_168 : i32
          %multiple_of3A = tpu.assume_multiple %mul3A_169, 8 : i32
          %eq3A_170 = arith.constant 0 : i32
          %eq3A_171 = arith.cmpi eq, %and3A_116, %eq3A_170 : i32
          %convert_element_type3A_172 = arith.extui %eq3A_171 : i1 to i32
          %cond3A_173 = arith.constant 0 : i32
          %cond3A_174 = arith.cmpi ne, %convert_element_type3A_172, %cond3A_173 : i32
          scf.if %cond3A_174 {
            %dma_start3A_180 = arith.constant 1 : i32
            %dma_start3A_181 = arith.constant 0 : i32
            %dma_start3A_182 = arith.constant 0 : i32
            %dma_start3A_183 = tpu.memref_slice %arg8[%dma_start3A_180, %dma_start3A_181, %dma_start3A_182] : memref<2x8x80xi32, #tpu.memory_space<vmem>> -> memref<1x8x80xi32, #tpu.memory_space<vmem>>
            %dma_start3A_184 = tpu.memref_squeeze %dma_start3A_183 : memref<1x8x80xi32, #tpu.memory_space<vmem>> -> memref<8x80xi32, #tpu.memory_space<vmem>>
            %dma_start3A_185 = arith.constant 0 : i32
            %dma_start3A_186 = tpu.memref_slice %arg4[%add3A, %multiple_of3A, %dma_start3A_185] : memref<32x128x80xi32, #tpu.memory_space<hbm>> -> memref<1x8x80xi32, #tpu.memory_space<hbm>>
            %dma_start3A_187 = tpu.memref_squeeze %dma_start3A_186 : memref<1x8x80xi32, #tpu.memory_space<hbm>> -> memref<8x80xi32, #tpu.memory_space<hbm>>
            %dma_start3A_188 = arith.constant 0 : i32
            %dma_start3A_189 = arith.constant 0 : i32
            %dma_start3A_190 = tpu.memref_slice %arg8[%dma_start3A_180, %dma_start3A_188, %dma_start3A_189] : memref<2x8x80xi32, #tpu.memory_space<vmem>> -> memref<1x8x80xi32, #tpu.memory_space<vmem>>
            %dma_start3A_191 = tpu.memref_squeeze %dma_start3A_190 : memref<1x8x80xi32, #tpu.memory_space<vmem>> -> memref<8x80xi32, #tpu.memory_space<vmem>>
            %dma_start3A_192 = arith.constant 0 : i32
            %dma_start3A_193 = tpu.memref_slice %arg4[%add3A, %multiple_of3A, %dma_start3A_192] : memref<32x128x80xi32, #tpu.memory_space<hbm>> -> memref<1x8x80xi32, #tpu.memory_space<hbm>>
            %dma_start3A_194 = tpu.memref_squeeze %dma_start3A_193 : memref<1x8x80xi32, #tpu.memory_space<hbm>> -> memref<8x80xi32, #tpu.memory_space<hbm>>
            tpu.enqueue_dma source(%dma_start3A_194 : memref<8x80xi32, #tpu.memory_space<hbm>>) target(%dma_start3A_191 : memref<8x80xi32, #tpu.memory_space<vmem>>) target_semaphore(%arg18 : memref<!tpu.dma_semaphore, #tpu.memory_space<semaphore_mem>>)
          } else {
          }
          %eq3A_175 = arith.constant 1 : i32
          %eq3A_176 = arith.cmpi eq, %and3A_116, %eq3A_175 : i32
          %convert_element_type3A_177 = arith.extui %eq3A_176 : i1 to i32
          %cond3A_178 = arith.constant 0 : i32
          %cond3A_179 = arith.cmpi ne, %convert_element_type3A_177, %cond3A_178 : i32
          scf.if %cond3A_179 {
            %dma_start3A_180 = arith.constant 0 : i32
            %dma_start3A_181 = arith.constant 0 : i32
            %dma_start3A_182 = arith.constant 0 : i32
            %dma_start3A_183 = tpu.memref_slice %arg8[%dma_start3A_180, %dma_start3A_181, %dma_start3A_182] : memref<2x8x80xi32, #tpu.memory_space<vmem>> -> memref<1x8x80xi32, #tpu.memory_space<vmem>>
            %dma_start3A_184 = tpu.memref_squeeze %dma_start3A_183 : memref<1x8x80xi32, #tpu.memory_space<vmem>> -> memref<8x80xi32, #tpu.memory_space<vmem>>
            %dma_start3A_185 = arith.constant 0 : i32
            %dma_start3A_186 = tpu.memref_slice %arg4[%add3A, %multiple_of3A, %dma_start3A_185] : memref<32x128x80xi32, #tpu.memory_space<hbm>> -> memref<1x8x80xi32, #tpu.memory_space<hbm>>
            %dma_start3A_187 = tpu.memref_squeeze %dma_start3A_186 : memref<1x8x80xi32, #tpu.memory_space<hbm>> -> memref<8x80xi32, #tpu.memory_space<hbm>>
            %dma_start3A_188 = arith.constant 0 : i32
            %dma_start3A_189 = arith.constant 0 : i32
            %dma_start3A_190 = tpu.memref_slice %arg8[%dma_start3A_180, %dma_start3A_188, %dma_start3A_189] : memref<2x8x80xi32, #tpu.memory_space<vmem>> -> memref<1x8x80xi32, #tpu.memory_space<vmem>>
            %dma_start3A_191 = tpu.memref_squeeze %dma_start3A_190 : memref<1x8x80xi32, #tpu.memory_space<vmem>> -> memref<8x80xi32, #tpu.memory_space<vmem>>
            %dma_start3A_192 = arith.constant 0 : i32
            %dma_start3A_193 = tpu.memref_slice %arg4[%add3A, %multiple_of3A, %dma_start3A_192] : memref<32x128x80xi32, #tpu.memory_space<hbm>> -> memref<1x8x80xi32, #tpu.memory_space<hbm>>
            %dma_start3A_194 = tpu.memref_squeeze %dma_start3A_193 : memref<1x8x80xi32, #tpu.memory_space<hbm>> -> memref<8x80xi32, #tpu.memory_space<hbm>>
            tpu.enqueue_dma source(%dma_start3A_194 : memref<8x80xi32, #tpu.memory_space<hbm>>) target(%dma_start3A_191 : memref<8x80xi32, #tpu.memory_space<vmem>>) target_semaphore(%arg17 : memref<!tpu.dma_semaphore, #tpu.memory_space<semaphore_mem>>)
          } else {
          }
        } else {
        }
      } else {
      }
    }
    %scan3A_48 = arith.constant 42 : i32
    %dma_wait3A = arith.constant 0 : i32
    %dma_wait3A_49 = arith.constant 0 : i32
    %dma_wait3A_50 = arith.constant 0 : i32
    %dma_wait3A_51 = arith.constant 0 : i32
    %dma_wait3A_52 = arith.constant 0 : i32
    %dma_wait3A_53 = tpu.memref_slice %arg9[%dma_wait3A, %dma_wait3A_51, %dma_wait3A_52] : memref<3x80x128xf32, #tpu.memory_space<vmem>> -> memref<1x80x128xf32, #tpu.memory_space<vmem>>
    %dma_wait3A_54 = tpu.memref_squeeze %dma_wait3A_53 : memref<1x80x128xf32, #tpu.memory_space<vmem>> -> memref<80x128xf32, #tpu.memory_space<vmem>>
    %dma_wait3A_55 = arith.constant 0 : i32
    %dma_wait3A_56 = tpu.memref_slice %arg8[%dma_wait3A_49, %dma_wait3A_50, %dma_wait3A_55] : memref<2x8x80xi32, #tpu.memory_space<vmem>> -> memref<1x1x80xi32, #tpu.memory_space<vmem>>
    %dma_wait3A_57 = tpu.memref_squeeze %dma_wait3A_56 : memref<1x1x80xi32, #tpu.memory_space<vmem>> -> memref<80xi32, #tpu.memory_space<vmem>>
    %dma_wait3A_58 = arith.constant 0 : i32
    %dma_wait3A_59 = arith.constant 0 : i32
    %dma_wait3A_60 = tpu.memref_slice %arg10[%dma_wait3A_58, %dma_wait3A_59] : memref<10240x128xf32, #tpu.memory_space<vmem_shared>> -> memref<10240x128xf32, #tpu.memory_space<vmem_shared>>
    tpu.wait_indirect_dma semaphore(%arg14 : memref<!tpu.dma_semaphore, #tpu.memory_space<semaphore_mem>>) src(%dma_wait3A_54 : memref<80x128xf32, #tpu.memory_space<vmem>>) dst(%dma_wait3A_60 : memref<10240x128xf32, #tpu.memory_space<vmem_shared>>)
    %dma_wait3A_61 = arith.constant 1 : i32
    %dma_wait3A_62 = arith.constant 0 : i32
    %dma_wait3A_63 = arith.constant 0 : i32
    %dma_wait3A_64 = arith.constant 0 : i32
    %dma_wait3A_65 = arith.constant 0 : i32
    %dma_wait3A_66 = tpu.memref_slice %arg9[%dma_wait3A_61, %dma_wait3A_64, %dma_wait3A_65] : memref<3x80x128xf32, #tpu.memory_space<vmem>> -> memref<1x80x128xf32, #tpu.memory_space<vmem>>
    %dma_wait3A_67 = tpu.memref_squeeze %dma_wait3A_66 : memref<1x80x128xf32, #tpu.memory_space<vmem>> -> memref<80x128xf32, #tpu.memory_space<vmem>>
    %dma_wait3A_68 = arith.constant 0 : i32
    %dma_wait3A_69 = tpu.memref_slice %arg8[%dma_wait3A_62, %dma_wait3A_63, %dma_wait3A_68] : memref<2x8x80xi32, #tpu.memory_space<vmem>> -> memref<1x1x80xi32, #tpu.memory_space<vmem>>
    %dma_wait3A_70 = tpu.memref_squeeze %dma_wait3A_69 : memref<1x1x80xi32, #tpu.memory_space<vmem>> -> memref<80xi32, #tpu.memory_space<vmem>>
    %dma_wait3A_71 = arith.constant 0 : i32
    %dma_wait3A_72 = arith.constant 0 : i32
    %dma_wait3A_73 = tpu.memref_slice %arg10[%dma_wait3A_71, %dma_wait3A_72] : memref<10240x128xf32, #tpu.memory_space<vmem_shared>> -> memref<10240x128xf32, #tpu.memory_space<vmem_shared>>
    tpu.wait_indirect_dma semaphore(%arg15 : memref<!tpu.dma_semaphore, #tpu.memory_space<semaphore_mem>>) src(%dma_wait3A_67 : memref<80x128xf32, #tpu.memory_space<vmem>>) dst(%dma_wait3A_73 : memref<10240x128xf32, #tpu.memory_space<vmem_shared>>)
    %dma_wait3A_74 = arith.constant 2 : i32
    %dma_wait3A_75 = arith.constant 0 : i32
    %dma_wait3A_76 = arith.constant 0 : i32
    %dma_wait3A_77 = arith.constant 0 : i32
    %dma_wait3A_78 = arith.constant 0 : i32
    %dma_wait3A_79 = tpu.memref_slice %arg9[%dma_wait3A_74, %dma_wait3A_77, %dma_wait3A_78] : memref<3x80x128xf32, #tpu.memory_space<vmem>> -> memref<1x80x128xf32, #tpu.memory_space<vmem>>
    %dma_wait3A_80 = tpu.memref_squeeze %dma_wait3A_79 : memref<1x80x128xf32, #tpu.memory_space<vmem>> -> memref<80x128xf32, #tpu.memory_space<vmem>>
    %dma_wait3A_81 = arith.constant 0 : i32
    %dma_wait3A_82 = tpu.memref_slice %arg8[%dma_wait3A_75, %dma_wait3A_76, %dma_wait3A_81] : memref<2x8x80xi32, #tpu.memory_space<vmem>> -> memref<1x1x80xi32, #tpu.memory_space<vmem>>
    %dma_wait3A_83 = tpu.memref_squeeze %dma_wait3A_82 : memref<1x1x80xi32, #tpu.memory_space<vmem>> -> memref<80xi32, #tpu.memory_space<vmem>>
    %dma_wait3A_84 = arith.constant 0 : i32
    %dma_wait3A_85 = arith.constant 0 : i32
    %dma_wait3A_86 = tpu.memref_slice %arg10[%dma_wait3A_84, %dma_wait3A_85] : memref<10240x128xf32, #tpu.memory_space<vmem_shared>> -> memref<10240x128xf32, #tpu.memory_space<vmem_shared>>
    tpu.wait_indirect_dma semaphore(%arg16 : memref<!tpu.dma_semaphore, #tpu.memory_space<semaphore_mem>>) src(%dma_wait3A_80 : memref<80x128xf32, #tpu.memory_space<vmem>>) dst(%dma_wait3A_86 : memref<10240x128xf32, #tpu.memory_space<vmem_shared>>)
    %barrier3A_87 = arith.constant 0 : index
    tpu.barrier barrier_id(%barrier3A_87)
    %mul3A_88 = arith.constant 640 : i32
    %mul3A_89 = arith.muli %arg1, %mul3A_88 : i32
    %mul3A_90 = arith.constant 640 : i32
    %mul3A_91 = arith.muli %arg1, %mul3A_90 : i32
    "tpu.region"() ({
      %run_scoped3A_92 = tpu.sem_alloc : memref<!tpu.dma_semaphore, #tpu.memory_space<semaphore_mem>>
      %dma_start3A_93 = arith.constant 0 : i32
      %dma_start3A_94 = tpu.memref_slice %arg6[%arg0, %mul3A_91, %dma_start3A_93] : memref<2x10240x128xf32, #tpu.memory_space<hbm>> -> memref<1x640x128xf32, #tpu.memory_space<hbm>>
      %dma_start3A_95 = tpu.memref_squeeze %dma_start3A_94 : memref<1x640x128xf32, #tpu.memory_space<hbm>> -> memref<640x128xf32, #tpu.memory_space<hbm>>
      %dma_start3A_96 = arith.constant 0 : i32
      %dma_start3A_97 = tpu.memref_slice %arg10[%mul3A_89, %dma_start3A_96] : memref<10240x128xf32, #tpu.memory_space<vmem_shared>> -> memref<640x128xf32, #tpu.memory_space<vmem_shared>>
      tpu.enqueue_dma source(%dma_start3A_97 : memref<640x128xf32, #tpu.memory_space<vmem_shared>>) target(%dma_start3A_95 : memref<640x128xf32, #tpu.memory_space<hbm>>) target_semaphore(%run_scoped3A_92 : memref<!tpu.dma_semaphore, #tpu.memory_space<semaphore_mem>>)
      %dma_wait3A_98 = arith.constant 0 : i32
      %dma_wait3A_99 = tpu.memref_slice %arg6[%arg0, %mul3A_91, %dma_wait3A_98] : memref<2x10240x128xf32, #tpu.memory_space<hbm>> -> memref<1x640x128xf32, #tpu.memory_space<hbm>>
      %dma_wait3A_100 = tpu.memref_squeeze %dma_wait3A_99 : memref<1x640x128xf32, #tpu.memory_space<hbm>> -> memref<640x128xf32, #tpu.memory_space<hbm>>
      %dma_wait3A_101 = arith.constant 0 : i32
      %dma_wait3A_102 = tpu.memref_slice %arg10[%mul3A_89, %dma_wait3A_101] : memref<10240x128xf32, #tpu.memory_space<vmem_shared>> -> memref<640x128xf32, #tpu.memory_space<vmem_shared>>
      tpu.wait_dma2 semaphore(%run_scoped3A_92 : memref<!tpu.dma_semaphore, #tpu.memory_space<semaphore_mem>>) src(%dma_wait3A_102 : memref<640x128xf32, #tpu.memory_space<vmem_shared>>) dst(%dma_wait3A_100 : memref<640x128xf32, #tpu.memory_space<hbm>>)
      tpu.yield
    }) : () -> ()
    return
  }
}

module attributes {stable_mosaic.version = 14 : i64} {
  func.func @_tc1a_body(%arg0: memref<10000x128xf32, #tpu.memory_space<vmem>>, %arg1: memref<128x128xf32, #tpu.memory_space<vmem>>, %arg2: memref<10000x128xf32, #tpu.memory_space<vmem>>) attributes {dimension_semantics = [], scalar_prefetch = 0 : i64, scratch_operands = 0 : i64, tpu.core_type = #tpu.core_type<tc>} {
    %get3A = arith.constant 0 : index
    %get3A_0 = arith.constant 0 : index
    %get3A_1 = vector.load %arg0[%get3A, %get3A_0] : memref<10000x128xf32, #tpu.memory_space<vmem>>, vector<10000x128xf32>
    %get3A_2 = arith.constant 0 : index
    %get3A_3 = arith.constant 0 : index
    %get3A_4 = vector.load %arg1[%get3A_2, %get3A_3] : memref<128x128xf32, #tpu.memory_space<vmem>>, vector<128x128xf32>
    %dot_general3A = arith.constant dense<0.000000e+00> : vector<10000x128xf32>
    %dot_general3A_5 = tpu.matmul %get3A_1, %get3A_4, %dot_general3A {dimension_numbers = #tpu.dot_dimension_numbers<[1], [0], [0], [1], [0, 0, 1, 1], [], []>, transpose_lhs_hint = false} : vector<10000x128xf32>, vector<128x128xf32>, vector<10000x128xf32> -> vector<10000x128xf32>
    %swap3A = arith.constant 0 : index
    %swap3A_6 = arith.constant 0 : index
    %swap3A_7 = vector.load %arg2[%swap3A, %swap3A_6] : memref<10000x128xf32, #tpu.memory_space<vmem>>, vector<10000x128xf32>
    tpu.vector_store %arg2[%swap3A, %swap3A_6], %dot_general3A_5 {strides = array<i32>} : memref<10000x128xf32, #tpu.memory_space<vmem>>, vector<10000x128xf32>,
    return
  }
}

module attributes {stable_mosaic.version = 14 : i64} {
  func.func @_tc1b_body(%arg0: memref<10000x128xf32, #tpu.memory_space<vmem>>, %arg1: memref<2x10000x1xf32, #tpu.memory_space<vmem>>, %arg2: memref<10000x128xf32, #tpu.memory_space<vmem>>) attributes {dimension_semantics = [], scalar_prefetch = 0 : i64, scratch_operands = 0 : i64, tpu.core_type = #tpu.core_type<tc>} {
    %get3A = arith.constant 0 : index
    %get3A_0 = arith.constant 0 : index
    %get3A_1 = vector.load %arg0[%get3A, %get3A_0] : memref<10000x128xf32, #tpu.memory_space<vmem>>, vector<10000x128xf32>
    %get3A_2 = arith.constant 0 : index
    %get3A_3 = arith.constant 0 : index
    %get3A_4 = arith.constant 0 : index
    %get3A_5 = vector.load %arg1[%get3A_2, %get3A_3, %get3A_4] : memref<2x10000x1xf32, #tpu.memory_space<vmem>>, vector<2x10000x1xf32>
    %slice3A = vector.extract_strided_slice %get3A_5 {offsets = [0, 0, 0], sizes = [1, 10000, 1], strides = [1, 1, 1]} : vector<2x10000x1xf32> to vector<1x10000x1xf32>
    %squeeze3A = vector.shape_cast %slice3A : vector<1x10000x1xf32> to vector<10000x1xf32>
    %add3A = arith.constant 1.000000e+00 : f32
    %add3A_6 = vector.broadcast %add3A : f32 to vector<10000x1xf32>
    %add3A_7 = arith.addf %add3A_6, %squeeze3A : vector<10000x1xf32>
    %slice3A_8 = vector.extract_strided_slice %get3A_5 {offsets = [1, 0, 0], sizes = [1, 10000, 1], strides = [1, 1, 1]} : vector<2x10000x1xf32> to vector<1x10000x1xf32>
    %squeeze3A_9 = vector.shape_cast %slice3A_8 : vector<1x10000x1xf32> to vector<10000x1xf32>
    %add3A_10 = arith.addf %add3A_7, %squeeze3A_9 : vector<10000x1xf32>
    %rsqrt3A = math.rsqrt %add3A_10 : vector<10000x1xf32>
    %mul3A = vector.broadcast %rsqrt3A : vector<10000x1xf32> to vector<10000x128xf32>
    %mul3A_11 = arith.mulf %get3A_1, %mul3A : vector<10000x128xf32>
    %swap3A = arith.constant 0 : index
    %swap3A_12 = arith.constant 0 : index
    %swap3A_13 = vector.load %arg2[%swap3A, %swap3A_12] : memref<10000x128xf32, #tpu.memory_space<vmem>>, vector<10000x128xf32>
    tpu.vector_store %arg2[%swap3A, %swap3A_12], %mul3A_11 {strides = array<i32>} : memref<10000x128xf32, #tpu.memory_space<vmem>>, vector<10000x128xf32>,
    return
  }
}

module attributes {stable_mosaic.version = 14 : i64} {
  func.func @_tc2_body(%arg0: memref<2x10240x128xf32, #tpu.memory_space<vmem>>, %arg1: memref<10000x128xf32, #tpu.memory_space<vmem>>, %arg2: memref<2x10000x1xf32, #tpu.memory_space<vmem>>, %arg3: memref<1x128xf32, #tpu.memory_space<vmem>>, %arg4: memref<1x128xf32, #tpu.memory_space<vmem>>, %arg5: memref<1x128xf32, #tpu.memory_space<vmem>>, %arg6: memref<128x128xf32, #tpu.memory_space<vmem>>, %arg7: memref<10000x128xf32, #tpu.memory_space<vmem>>) attributes {dimension_semantics = [], scalar_prefetch = 0 : i64, scratch_operands = 0 : i64, tpu.core_type = #tpu.core_type<tc>} {
    %get3A = arith.constant 0 : index
    %get3A_0 = arith.constant 0 : index
    %get3A_1 = arith.constant 0 : index
    %get3A_2 = vector.load %arg2[%get3A, %get3A_0, %get3A_1] : memref<2x10000x1xf32, #tpu.memory_space<vmem>>, vector<2x10000x1xf32>
    %slice3A = vector.extract_strided_slice %get3A_2 {offsets = [0, 0, 0], sizes = [1, 10000, 1], strides = [1, 1, 1]} : vector<2x10000x1xf32> to vector<1x10000x1xf32>
    %squeeze3A = vector.shape_cast %slice3A : vector<1x10000x1xf32> to vector<10000x1xf32>
    %add3A = arith.constant 1.000000e+00 : f32
    %add3A_3 = vector.broadcast %add3A : f32 to vector<10000x1xf32>
    %add3A_4 = arith.addf %add3A_3, %squeeze3A : vector<10000x1xf32>
    %slice3A_5 = vector.extract_strided_slice %get3A_2 {offsets = [1, 0, 0], sizes = [1, 10000, 1], strides = [1, 1, 1]} : vector<2x10000x1xf32> to vector<1x10000x1xf32>
    %squeeze3A_6 = vector.shape_cast %slice3A_5 : vector<1x10000x1xf32> to vector<10000x1xf32>
    %add3A_7 = arith.addf %add3A_4, %squeeze3A_6 : vector<10000x1xf32>
    %rsqrt3A = math.rsqrt %add3A_7 : vector<10000x1xf32>
    %get3A_8 = arith.constant 0 : index
    %get3A_9 = arith.constant 0 : index
    %get3A_10 = arith.constant 0 : index
    %get3A_11 = vector.load %arg0[%get3A_8, %get3A_9, %get3A_10] : memref<2x10240x128xf32, #tpu.memory_space<vmem>>, vector<2x10240x128xf32>
    %slice3A_12 = vector.extract_strided_slice %get3A_11 {offsets = [0, 0, 0], sizes = [1, 10000, 128], strides = [1, 1, 1]} : vector<2x10240x128xf32> to vector<1x10000x128xf32>
    %squeeze3A_13 = vector.shape_cast %slice3A_12 : vector<1x10000x128xf32> to vector<10000x128xf32>
    %slice3A_14 = vector.extract_strided_slice %get3A_11 {offsets = [1, 0, 0], sizes = [1, 10000, 128], strides = [1, 1, 1]} : vector<2x10240x128xf32> to vector<1x10000x128xf32>
    %squeeze3A_15 = vector.shape_cast %slice3A_14 : vector<1x10000x128xf32> to vector<10000x128xf32>
    %add3A_16 = arith.addf %squeeze3A_13, %squeeze3A_15 : vector<10000x128xf32>
    %get3A_17 = arith.constant 0 : index
    %get3A_18 = arith.constant 0 : index
    %get3A_19 = vector.load %arg1[%get3A_17, %get3A_18] : memref<10000x128xf32, #tpu.memory_space<vmem>>, vector<10000x128xf32>
    %add3A_20 = arith.addf %add3A_16, %get3A_19 : vector<10000x128xf32>
    %mul3A = vector.broadcast %rsqrt3A : vector<10000x1xf32> to vector<10000x128xf32>
    %mul3A_21 = arith.mulf %add3A_20, %mul3A : vector<10000x128xf32>
    %get3A_22 = arith.constant 0 : index
    %get3A_23 = arith.constant 0 : index
    %get3A_24 = vector.load %arg3[%get3A_22, %get3A_23] : memref<1x128xf32, #tpu.memory_space<vmem>>, vector<1x128xf32>
    %add3A_25 = vector.broadcast %get3A_24 : vector<1x128xf32> to vector<10000x128xf32>
    %add3A_26 = arith.addf %mul3A_21, %add3A_25 : vector<10000x128xf32>
    %get3A_27 = arith.constant 0 : index
    %get3A_28 = arith.constant 0 : index
    %get3A_29 = vector.load %arg4[%get3A_27, %get3A_28] : memref<1x128xf32, #tpu.memory_space<vmem>>, vector<1x128xf32>
    %get3A_30 = arith.constant 0 : index
    %get3A_31 = arith.constant 0 : index
    %get3A_32 = vector.load %arg5[%get3A_30, %get3A_31] : memref<1x128xf32, #tpu.memory_space<vmem>>, vector<1x128xf32>
    %reduce_sum3A = arith.constant dense<0.000000e+00> : vector<128xf32>
    %reduce_sum3A_33 = vector.multi_reduction <add>, %add3A_26, %reduce_sum3A [0] : vector<10000x128xf32> to vector<128xf32>
    %broadcast_in_dim3A = vector.shape_cast %reduce_sum3A_33 : vector<128xf32> to vector<1x128xf32>
    %div3A = arith.constant 1.000000e+04 : f32
    %div3A_34 = vector.broadcast %div3A : f32 to vector<1x128xf32>
    %div3A_35 = arith.divf %broadcast_in_dim3A, %div3A_34 : vector<1x128xf32>
    %sub3A = vector.broadcast %div3A_35 : vector<1x128xf32> to vector<10000x128xf32>
    %sub3A_36 = arith.subf %add3A_26, %sub3A : vector<10000x128xf32>
    %mul3A_37 = arith.mulf %sub3A_36, %sub3A_36 : vector<10000x128xf32>
    %reduce_sum3A_38 = arith.constant dense<0.000000e+00> : vector<128xf32>
    %reduce_sum3A_39 = vector.multi_reduction <add>, %mul3A_37, %reduce_sum3A_38 [0] : vector<10000x128xf32> to vector<128xf32>
    %broadcast_in_dim3A_40 = vector.shape_cast %reduce_sum3A_39 : vector<128xf32> to vector<1x128xf32>
    %div3A_41 = arith.constant 1.000000e+04 : f32
    %div3A_42 = vector.broadcast %div3A_41 : f32 to vector<1x128xf32>
    %div3A_43 = arith.divf %broadcast_in_dim3A_40, %div3A_42 : vector<1x128xf32>
    %add3A_44 = arith.constant 9.99999974E-6 : f32
    %add3A_45 = vector.broadcast %add3A_44 : f32 to vector<1x128xf32>
    %add3A_46 = arith.addf %div3A_43, %add3A_45 : vector<1x128xf32>
    %rsqrt3A_47 = math.rsqrt %add3A_46 : vector<1x128xf32>
    %mul3A_48 = vector.broadcast %rsqrt3A_47 : vector<1x128xf32> to vector<10000x128xf32>
    %mul3A_49 = arith.mulf %sub3A_36, %mul3A_48 : vector<10000x128xf32>
    %mul3A_50 = vector.broadcast %get3A_29 : vector<1x128xf32> to vector<10000x128xf32>
    %mul3A_51 = arith.mulf %mul3A_49, %mul3A_50 : vector<10000x128xf32>
    %add3A_52 = vector.broadcast %get3A_32 : vector<1x128xf32> to vector<10000x128xf32>
    %add3A_53 = arith.addf %mul3A_51, %add3A_52 : vector<10000x128xf32>
    %max3A = arith.constant 0.000000e+00 : f32
    %max3A_54 = vector.broadcast %max3A : f32 to vector<10000x128xf32>
    %max3A_55 = arith.maximumf %add3A_53, %max3A_54 : vector<10000x128xf32>
    %get3A_56 = arith.constant 0 : index
    %get3A_57 = arith.constant 0 : index
    %get3A_58 = vector.load %arg6[%get3A_56, %get3A_57] : memref<128x128xf32, #tpu.memory_space<vmem>>, vector<128x128xf32>
    %dot_general3A = arith.constant dense<0.000000e+00> : vector<10000x128xf32>
    %dot_general3A_59 = tpu.matmul %max3A_55, %get3A_58, %dot_general3A {dimension_numbers = #tpu.dot_dimension_numbers<[1], [0], [0], [1], [0, 0, 1, 1], [], []>, transpose_lhs_hint = false} : vector<10000x128xf32>, vector<128x128xf32>, vector<10000x128xf32> -> vector<10000x128xf32>
    %mul3A_60 = vector.broadcast %rsqrt3A : vector<10000x1xf32> to vector<10000x128xf32>
    %mul3A_61 = arith.mulf %dot_general3A_59, %mul3A_60 : vector<10000x128xf32>
    %swap3A = arith.constant 0 : index
    %swap3A_62 = arith.constant 0 : index
    %swap3A_63 = vector.load %arg7[%swap3A, %swap3A_62] : memref<10000x128xf32, #tpu.memory_space<vmem>>, vector<10000x128xf32>
    tpu.vector_store %arg7[%swap3A, %swap3A_62], %mul3A_61 {strides = array<i32>} : memref<10000x128xf32, #tpu.memory_space<vmem>>, vector<10000x128xf32>,
    return
  }
}

module attributes {stable_mosaic.version = 14 : i64} {
  func.func @_tc3_body(%arg0: memref<2x10240x128xf32, #tpu.memory_space<vmem>>, %arg1: memref<10000x128xf32, #tpu.memory_space<vmem>>, %arg2: memref<2x10000x1xf32, #tpu.memory_space<vmem>>, %arg3: memref<1x128xf32, #tpu.memory_space<vmem>>, %arg4: memref<1x128xf32, #tpu.memory_space<vmem>>, %arg5: memref<1x128xf32, #tpu.memory_space<vmem>>, %arg6: memref<128x40xf32, #tpu.memory_space<vmem>>, %arg7: memref<1x40xf32, #tpu.memory_space<vmem>>, %arg8: memref<10000x40xf32, #tpu.memory_space<vmem>>) attributes {dimension_semantics = [], scalar_prefetch = 0 : i64, scratch_operands = 0 : i64, tpu.core_type = #tpu.core_type<tc>} {
    %get3A = arith.constant 0 : index
    %get3A_0 = arith.constant 0 : index
    %get3A_1 = arith.constant 0 : index
    %get3A_2 = vector.load %arg2[%get3A, %get3A_0, %get3A_1] : memref<2x10000x1xf32, #tpu.memory_space<vmem>>, vector<2x10000x1xf32>
    %slice3A = vector.extract_strided_slice %get3A_2 {offsets = [0, 0, 0], sizes = [1, 10000, 1], strides = [1, 1, 1]} : vector<2x10000x1xf32> to vector<1x10000x1xf32>
    %squeeze3A = vector.shape_cast %slice3A : vector<1x10000x1xf32> to vector<10000x1xf32>
    %add3A = arith.constant 1.000000e+00 : f32
    %add3A_3 = vector.broadcast %add3A : f32 to vector<10000x1xf32>
    %add3A_4 = arith.addf %add3A_3, %squeeze3A : vector<10000x1xf32>
    %slice3A_5 = vector.extract_strided_slice %get3A_2 {offsets = [1, 0, 0], sizes = [1, 10000, 1], strides = [1, 1, 1]} : vector<2x10000x1xf32> to vector<1x10000x1xf32>
    %squeeze3A_6 = vector.shape_cast %slice3A_5 : vector<1x10000x1xf32> to vector<10000x1xf32>
    %add3A_7 = arith.addf %add3A_4, %squeeze3A_6 : vector<10000x1xf32>
    %rsqrt3A = math.rsqrt %add3A_7 : vector<10000x1xf32>
    %get3A_8 = arith.constant 0 : index
    %get3A_9 = arith.constant 0 : index
    %get3A_10 = arith.constant 0 : index
    %get3A_11 = vector.load %arg0[%get3A_8, %get3A_9, %get3A_10] : memref<2x10240x128xf32, #tpu.memory_space<vmem>>, vector<2x10240x128xf32>
    %slice3A_12 = vector.extract_strided_slice %get3A_11 {offsets = [0, 0, 0], sizes = [1, 10000, 128], strides = [1, 1, 1]} : vector<2x10240x128xf32> to vector<1x10000x128xf32>
    %squeeze3A_13 = vector.shape_cast %slice3A_12 : vector<1x10000x128xf32> to vector<10000x128xf32>
    %slice3A_14 = vector.extract_strided_slice %get3A_11 {offsets = [1, 0, 0], sizes = [1, 10000, 128], strides = [1, 1, 1]} : vector<2x10240x128xf32> to vector<1x10000x128xf32>
    %squeeze3A_15 = vector.shape_cast %slice3A_14 : vector<1x10000x128xf32> to vector<10000x128xf32>
    %add3A_16 = arith.addf %squeeze3A_13, %squeeze3A_15 : vector<10000x128xf32>
    %get3A_17 = arith.constant 0 : index
    %get3A_18 = arith.constant 0 : index
    %get3A_19 = vector.load %arg1[%get3A_17, %get3A_18] : memref<10000x128xf32, #tpu.memory_space<vmem>>, vector<10000x128xf32>
    %add3A_20 = arith.addf %add3A_16, %get3A_19 : vector<10000x128xf32>
    %mul3A = vector.broadcast %rsqrt3A : vector<10000x1xf32> to vector<10000x128xf32>
    %mul3A_21 = arith.mulf %add3A_20, %mul3A : vector<10000x128xf32>
    %get3A_22 = arith.constant 0 : index
    %get3A_23 = arith.constant 0 : index
    %get3A_24 = vector.load %arg3[%get3A_22, %get3A_23] : memref<1x128xf32, #tpu.memory_space<vmem>>, vector<1x128xf32>
    %add3A_25 = vector.broadcast %get3A_24 : vector<1x128xf32> to vector<10000x128xf32>
    %add3A_26 = arith.addf %mul3A_21, %add3A_25 : vector<10000x128xf32>
    %get3A_27 = arith.constant 0 : index
    %get3A_28 = arith.constant 0 : index
    %get3A_29 = vector.load %arg4[%get3A_27, %get3A_28] : memref<1x128xf32, #tpu.memory_space<vmem>>, vector<1x128xf32>
    %get3A_30 = arith.constant 0 : index
    %get3A_31 = arith.constant 0 : index
    %get3A_32 = vector.load %arg5[%get3A_30, %get3A_31] : memref<1x128xf32, #tpu.memory_space<vmem>>, vector<1x128xf32>
    %reduce_sum3A = arith.constant dense<0.000000e+00> : vector<128xf32>
    %reduce_sum3A_33 = vector.multi_reduction <add>, %add3A_26, %reduce_sum3A [0] : vector<10000x128xf32> to vector<128xf32>
    %broadcast_in_dim3A = vector.shape_cast %reduce_sum3A_33 : vector<128xf32> to vector<1x128xf32>
    %div3A = arith.constant 1.000000e+04 : f32
    %div3A_34 = vector.broadcast %div3A : f32 to vector<1x128xf32>
    %div3A_35 = arith.divf %broadcast_in_dim3A, %div3A_34 : vector<1x128xf32>
    %sub3A = vector.broadcast %div3A_35 : vector<1x128xf32> to vector<10000x128xf32>
    %sub3A_36 = arith.subf %add3A_26, %sub3A : vector<10000x128xf32>
    %mul3A_37 = arith.mulf %sub3A_36, %sub3A_36 : vector<10000x128xf32>
    %reduce_sum3A_38 = arith.constant dense<0.000000e+00> : vector<128xf32>
    %reduce_sum3A_39 = vector.multi_reduction <add>, %mul3A_37, %reduce_sum3A_38 [0] : vector<10000x128xf32> to vector<128xf32>
    %broadcast_in_dim3A_40 = vector.shape_cast %reduce_sum3A_39 : vector<128xf32> to vector<1x128xf32>
    %div3A_41 = arith.constant 1.000000e+04 : f32
    %div3A_42 = vector.broadcast %div3A_41 : f32 to vector<1x128xf32>
    %div3A_43 = arith.divf %broadcast_in_dim3A_40, %div3A_42 : vector<1x128xf32>
    %add3A_44 = arith.constant 9.99999974E-6 : f32
    %add3A_45 = vector.broadcast %add3A_44 : f32 to vector<1x128xf32>
    %add3A_46 = arith.addf %div3A_43, %add3A_45 : vector<1x128xf32>
    %rsqrt3A_47 = math.rsqrt %add3A_46 : vector<1x128xf32>
    %mul3A_48 = vector.broadcast %rsqrt3A_47 : vector<1x128xf32> to vector<10000x128xf32>
    %mul3A_49 = arith.mulf %sub3A_36, %mul3A_48 : vector<10000x128xf32>
    %mul3A_50 = vector.broadcast %get3A_29 : vector<1x128xf32> to vector<10000x128xf32>
    %mul3A_51 = arith.mulf %mul3A_49, %mul3A_50 : vector<10000x128xf32>
    %add3A_52 = vector.broadcast %get3A_32 : vector<1x128xf32> to vector<10000x128xf32>
    %add3A_53 = arith.addf %mul3A_51, %add3A_52 : vector<10000x128xf32>
    %max3A = arith.constant 0.000000e+00 : f32
    %max3A_54 = vector.broadcast %max3A : f32 to vector<10000x128xf32>
    %max3A_55 = arith.maximumf %add3A_53, %max3A_54 : vector<10000x128xf32>
    %get3A_56 = arith.constant 0 : index
    %get3A_57 = arith.constant 0 : index
    %get3A_58 = vector.load %arg6[%get3A_56, %get3A_57] : memref<128x40xf32, #tpu.memory_space<vmem>>, vector<128x40xf32>
    %dot_general3A = arith.constant dense<0.000000e+00> : vector<10000x40xf32>
    %dot_general3A_59 = tpu.matmul %max3A_55, %get3A_58, %dot_general3A {dimension_numbers = #tpu.dot_dimension_numbers<[1], [0], [0], [1], [0, 0, 1, 1], [], []>, transpose_lhs_hint = false} : vector<10000x128xf32>, vector<128x40xf32>, vector<10000x40xf32> -> vector<10000x40xf32>
    %get3A_60 = arith.constant 0 : index
    %get3A_61 = arith.constant 0 : index
    %get3A_62 = vector.load %arg7[%get3A_60, %get3A_61] : memref<1x40xf32, #tpu.memory_space<vmem>>, vector<1x40xf32>
    %add3A_63 = vector.broadcast %get3A_62 : vector<1x40xf32> to vector<10000x40xf32>
    %add3A_64 = arith.addf %dot_general3A_59, %add3A_63 : vector<10000x40xf32>
    %reduce_max3A = arith.constant dense<0xFF800000> : vector<10000xf32>
    %reduce_max3A_65 = vector.multi_reduction <maximumf>, %add3A_64, %reduce_max3A [1] : vector<10000x40xf32> to vector<10000xf32>
    %broadcast_in_dim3A_66 = vector.shape_cast %reduce_max3A_65 : vector<10000xf32> to vector<10000x1xf32>
    %sub3A_67 = vector.broadcast %broadcast_in_dim3A_66 : vector<10000x1xf32> to vector<10000x40xf32>
    %sub3A_68 = arith.subf %add3A_64, %sub3A_67 : vector<10000x40xf32>
    %exp3A = math.exp %sub3A_68 : vector<10000x40xf32>
    %reduce_sum3A_69 = arith.constant dense<0.000000e+00> : vector<10000xf32>
    %reduce_sum3A_70 = vector.multi_reduction <add>, %exp3A, %reduce_sum3A_69 [1] : vector<10000x40xf32> to vector<10000xf32>
    %broadcast_in_dim3A_71 = vector.shape_cast %reduce_sum3A_70 : vector<10000xf32> to vector<10000x1xf32>
    %log3A = math.log %broadcast_in_dim3A_71 : vector<10000x1xf32>
    %sub3A_72 = vector.broadcast %log3A : vector<10000x1xf32> to vector<10000x40xf32>
    %sub3A_73 = arith.subf %sub3A_68, %sub3A_72 : vector<10000x40xf32>
    %swap3A = arith.constant 0 : index
    %swap3A_74 = arith.constant 0 : index
    %swap3A_75 = vector.load %arg8[%swap3A, %swap3A_74] : memref<10000x40xf32, #tpu.memory_space<vmem>>, vector<10000x40xf32>
    tpu.vector_store %arg8[%swap3A, %swap3A_74], %sub3A_73 {strides = array<i32>} : memref<10000x40xf32, #tpu.memory_space<vmem>>, vector<10000x40xf32>,
    return
  }
}

</mosaic_0001>

<sc_bundles>
// kernel: kernel.12.cloned.1.call-start
scs
__scs_entry_jumppad:
0x0: {  	(pc) =	sbr.rel $0x88, $3  }
0x1: {  	(tag) =	ssettag $0x0;
	lr =	simm.s32 $0x1  }
0x2: {  	[smem:$0x3F95] =	sst lr;
	_ =	strace $0xD0000000  }
0x3: {  	_ = 	snop  }
0x4: {  	_ = 	snop  }
0x5: {  	_ = 	snop  }
0x6: {  	_ = 	snop  }
0x7: {  	_ = 	snop  }
__scs_overlays_trampoline_lowered:
0x8: {  	[smem:$0x3FA4] =	sst s0  }
0x9: {  	[smem:$0x3FA5] =	sst s1  }
0xa: {  	[smem:$0x3FA6] =	sst s2  }
0xb: {  	[smem:$0x3FA7] =	sst s3  }
0xc: {  	[smem:$0x3FA8] =	sst s4  }
0xd: {  	[smem:$0x3FA9] =	sst s5  }
0xe: {  	[smem:$0x3FAA] =	sst s6  }
0xf: {  	[smem:$0x3FAB] =	sst s7  }
0x10: {  	[smem:$0x3FAC] =	sst s8  }
0x11: {  	[smem:$0x3FAD] =	sst s9;
	s0 =	simm.s32 @!p0 $0x0  }
0x12: {  	s1 =	sld [smem:$0x3F93];
	s0 =	simm.s32 @p0 $0x1  }
0x13: {  	[smem:$0x3FAE] =	sst s0;
	s0 =	simm.s32 @!p1 $0x0  }
0x14: {  	s2 =	sld [smem:$0x3F92];
	s0 =	simm.s32 @p1 $0x1  }
0x15: {  	[smem:$0x3FAF] =	sst s0;
	s0 =	simm.s32 @!p2 $0x0  }
0x16: {  	s3 =	sld [smem:$0x3FDB];
	s0 =	simm.s32 @p2 $0x1  }
0x17: {  	s4 =	simm.s32 $0x1BF5;
	[smem:$0x3FB1] =	sst s0  }
0x18: {  	s0 =	sld [smem:$0x3F94];
	_ =	swait.ge [sflag:s4], $0x0  }
0x19: {  	s7 =	sld [smem:$0x3F95]  }
0x1a: {  	s8 =	sadd.s32 $0xFFFFE003, lr  }
0x1b: {  	s9 =	sadd.s32 $0xFFFFFEF7, lr;
	s5 =	simm.s32 $0xFFFFFFFF;
	p2 =	slt.u32 s8, $0xFFFFF086  }
0x1c: {  	p1 =	slt.u32 s9, $0xF7A;
	s5 =	simm.s32 @!p2 $0x0  }
0x1d: {  	s5 =	simm.s32 @p1 $0x1;
	p0 =	seq.s32 s7, s2  }
0x1e: {  	s7 =	smul.u32 @!p0 $0xF7A, s2;
	p2 =	seq.s32 @!p0 s5, $0x0  }
0x1f: {  	s9 =	smul.u32 $0xF7A, s1;
	s8 =	simm.s32 @!p0 $0x1BF5;
	p2 =	por !p2, p0  }
0x20: {  	[sflag:s8] =	ssyncset.s32 @!p0 $0xFFFFF086;
	s6 =	sadd.s32 @!p0 s3, s7;
	s7 =	simm.s32 @!p0 $0x108  }
0x21: {  	s3 =	sadd.s32 s3, s9;
	s6 =	sadd.s32 @!p0 $0x88, s6;
	s7 =	simm.s32 @p2 $0x1082  }
0x22: {  	[simem:s7], [sflag:s8] =	dma.local @!p0 [hbm:s6], $0xF7A  }
0x23: {  	s9 =	sor.u32 $0xD0000000, s2;
	s6 =	simm.s32 $0x108;
	_ =	swait.ge @!p0 [sflag:s8], $0x0  }
0x24: {  	s3 =	sadd.s32 $0x88, s3;
	s6 =	simm.s32 @!p1 $0x1082;
	[sflag:s4] =	ssyncset.s32 $0xFFFFF086  }
0x25: {  	[simem:s6], [sflag:s4] =	dma.local [hbm:s3], $0xF7A  }
0x26: {  	[smem:$0x3F95] =	sst s1;
	(tag) =	ssettag s2;
	_ =	strace s9  }
0x27: {  	s1 =	sld [smem:$0x3FA5]  }
0x28: {  	s2 =	sld [smem:$0x3FA6]  }
0x29: {  	s4 =	sld [smem:$0x3FA8]  }
0x2a: {  	p0 =	seq.s32 s5, $0x0;
	s5 =	sld [smem:$0x3FA9]  }
0x2b: {  	s6 =	sld [smem:$0x3FAA]  }
0x2c: {  	s7 =	sld [smem:$0x3FAB]  }
0x2d: {  	s3 =	simm.s32 $0x108;
	s8 =	sld [smem:$0x3FAC]  }
0x2e: {  	s3 =	simm.s32 @!p0 $0x1082;
	s9 =	sld [smem:$0x3FAD]  }
0x2f: {  	lr =	sadd.s32 s0, s3;
	s0 =	sld [smem:$0x3FA4]  }
0x30: {  	s3 =	sld [smem:$0x3FA7]  }
0x31: {  	[smem:$0x3FB0] =	sst s10  }
0x32: {  	s10 =	sld [smem:$0x3FAE];
	_ =	sdelay $0x3  }
0x33: {  	p0 =	seq.s32 s10, $0x1;
	s10 =	sld [smem:$0x3FB0];
	_ =	sdelay $0x3  }
0x34: {  	[smem:$0x3FB0] =	sst s10  }
0x35: {  	s10 =	sld [smem:$0x3FAF];
	_ =	sdelay $0x3  }
0x36: {  	p1 =	seq.s32 s10, $0x1;
	s10 =	sld [smem:$0x3FB0];
	_ =	sdelay $0x3  }
0x37: {  	[smem:$0x3FB0] =	sst s10  }
0x38: {  	s10 =	sld [smem:$0x3FB1]  }
0x39: {  	_ = 	snop;
	(pc) =	sbr.ind lr, $3  }
0x3a: {  	_ = 	snop  }
0x3b: {  	_ = 	snop  }
0x3c: {  	p2 =	seq.s32 s10, $0x1;
	s10 =	sld [smem:$0x3FB0]  }
0x3d: {  	_ =	shalt  }
0x3e: {  	_ =	shalt  }
0x3f: {  	_ =	shalt  }
0x40: {  	_ =	shalt  }
0x41: {  	_ =	shalt  }
0x42: {  	_ =	shalt  }
0x43: {  	_ =	shalt  }
0x44: {  	_ =	shalt  }
0x45: {  	_ =	shalt  }
0x46: {  	_ =	shalt  }
0x47: {  	_ =	shalt  }
0x48: {  	_ =	shalt  }
0x49: {  	_ =	shalt  }
0x4a: {  	_ =	shalt  }
0x4b: {  	_ =	shalt  }
0x4c: {  	_ =	shalt  }
0x4d: {  	_ =	shalt  }
0x4e: {  	_ =	shalt  }
0x4f: {  	_ =	shalt  }
0x50: {  	_ =	shalt  }
0x51: {  	_ =	shalt  }
0x52: {  	_ =	shalt  }
0x53: {  	_ =	shalt  }
0x54: {  	_ =	shalt  }
0x55: {  	_ =	shalt  }
0x56: {  	_ =	shalt  }
0x57: {  	_ =	shalt  }
0x58: {  	_ =	shalt  }
0x59: {  	_ =	shalt  }
0x5a: {  	_ =	shalt  }
0x5b: {  	_ =	shalt  }
0x5c: {  	_ =	shalt  }
0x5d: {  	_ =	shalt  }
0x5e: {  	_ =	shalt  }
0x5f: {  	_ =	shalt  }
0x60: {  	_ =	shalt  }
0x61: {  	_ =	shalt  }
0x62: {  	_ =	shalt  }
0x63: {  	_ =	shalt  }
0x64: {  	_ =	shalt  }
0x65: {  	_ =	shalt  }
0x66: {  	_ =	shalt  }
0x67: {  	_ =	shalt  }
0x68: {  	_ =	shalt  }
0x69: {  	_ =	shalt  }
0x6a: {  	_ =	shalt  }
0x6b: {  	_ =	shalt  }
0x6c: {  	_ =	shalt  }
0x6d: {  	_ =	shalt  }
0x6e: {  	_ =	shalt  }
0x6f: {  	_ =	shalt  }
0x70: {  	_ =	shalt  }
0x71: {  	_ =	shalt  }
0x72: {  	_ =	shalt  }
0x73: {  	_ =	shalt  }
0x74: {  	_ =	shalt  }
0x75: {  	_ =	shalt  }
0x76: {  	_ =	shalt  }
0x77: {  	_ =	shalt  }
0x78: {  	_ =	shalt  }
0x79: {  	_ =	shalt  }
0x7a: {  	_ =	shalt  }
0x7b: {  	_ =	shalt  }
0x7c: {  	_ =	shalt  }
0x7d: {  	_ =	shalt  }
0x7e: {  	_ =	shalt  }
0x7f: {  	_ =	shalt  }
0x80: {  	_ =	shalt  }
0x81: {  	_ =	shalt  }
0x82: {  	_ =	shalt  }
0x83: {  	_ =	shalt  }
0x84: {  	_ =	shalt  }
0x85: {  	_ =	shalt  }
0x86: {  	_ =	shalt  }
0x87: {  	_ =	shalt  }
.Lfunc_end0:
.L_simem_size_0:
called_computation.1_lowered:
.L_overlay_start_0:
0x88: {  	s2 =	sld [smem:$0x3FD9]  }
0x89: {  	s3 =	sld [smem:$0x3FFE];
	_ =	sdelay $0x1  }
0x8a: {  	s1 =	srdreg.scid  }
0x8b: {  	s0 =	sand.u32 $0x1, s1  }
0x8c: {  	s17 =	sshll.u32 s0, $0xA;
	s2 =	sadd.s32 s3, s2  }
0x8d: {  	s2 =	sadd.s32 s2, s17  }
0x8e: {  	[smem:$0x3FBC] =	sst s2  }
0x8f: {  	_ = 	snop  }
0x90: {  	s2 =	sld [smem:$0x3FD0];
	(tm) =	ssettm $0x1  }
0x91: {  	s18 =	sld [smem:$0x3FFB];
	_ =	sdelay $0x3  }
0x92: {  	_ =	strace s18  }
0x93: {  	s3 =	sld [smem:$0x3FFC];
	_ =	sdelay $0x3  }
0x94: {  	_ =	strace s3  }
0x95: {  	s3 =	sld [smem:$0x3FFD];
	_ =	sdelay $0x3  }
0x96: {  	_ =	strace s3  }
0x97: {  	_ =	strace $0x8FFFFFFF  }
0x98: {  	s19 =	sld [smem:$0x3FDB];
	_ =	sdelay $0x1  }
0x99: {  	s4 =	simm.s32 $_scs_section_size  }
0x9a: {  	s5 =	simm.s32 $_size__tile_overlayer_lowered;
	s6 =	simm.s32 $_tile_overlayer_lowered  }
0x9b: {  	s22 =	simm.s32 $0x1BFF;
	s21 =	sshll.u32 s6, $0x1;
	s3 =	sadd.s32 s4, s19  }
0x9c: {  	s7 =	simm.s32 $0x0;
	s20 =	sshll.u32 s5, $0x1;
	s5 =	sadd.s32 s21, s3  }
0x9d: {  	[timem:s7], [sflag:s22] =	dma.local [hbm:s5], s20  }
0x9e: {  	_ =	swait.ge [sflag:s22], s20  }
0x9f: {  	s4 =	ssub.s32 $0x0, s20;
	[sflag:s22] =	ssyncset.done $0x0  }
0xa0: {  	[sflag:s22] =	ssyncadd.s32 s4;
	_ =	sdelay $0x1  }
0xa1: {  	s23 =	simm.s32 $0x1B8B  }
0xa2: {  	_ =	swait.ge [sflag:s23], $0x1  }
0xa3: {  	[sflag:s23] =	ssyncset.done $0x0  }
0xa4: {  	s25 =	simm.s32 $0x1B8E;
	s24 =	sld [smem:$0x3FFE];
	[sflag:s23] =	ssyncadd.s32 $0xFFFFFFFF  }
0xa5: {  	s26 =	simm.s32 $execute0_lowered;
	[smem:$0x3FD2] =	sst s25  }
0xa6: {  	s5 =	sshll.u32 s26, $0x1;
	_ =	strace $0x80000049;
	[dreg:$0x1] =	wrdreg $0xFFFFFFFF  }
0xa7: {  	s28 =	simm.s32 $_size_execute0_lowered;
	s3 =	sadd.s32 s3, s5;
	[dreg:$0x0] =	wrdreg $0x0  }
0xa8: {  	s5 =	sshll.u32 s28, $0x1;
	[dreg:$0x2] =	wrdreg s3  }
0xa9: {  	[dreg:$0x3] =	wrdreg s5  }
0xaa: {  	[dreg:$0x4] =	wrdreg $0xC0  }
0xab: {  	_ =	task [dreg:s7], $0x5FFFF  }
0xac: {  	[dreg:$0x1] =	wrdreg $0xFFFFFFFF  }
0xad: {  	[dreg:$0x0] =	wrdreg $0x60  }
0xae: {  	[dreg:$0x2] =	wrdreg s24  }
0xaf: {  	[dreg:$0x3] =	wrdreg s2  }
0xb0: {  	[dreg:$0x4] =	wrdreg $0xA7800  }
0xb1: {  	[dreg:$0x5] =	wrdreg $0x9  }
0xb2: {  	_ =	task.clear_ibuf [dreg:s7], $0x6FFFF;
	_ =	strace $0x90000049  }
0xb3: {  	s29 =	simm.s32 $0x9;
	_ =	strace $0x8000004B  }
0xb4: {  	_ =	swait.ge [sflag:s29], $0x1  }
0xb5: {  	[sflag:s29] =	ssyncadd.s32 $0xFFFFFFFF  }
0xb6: {  	_ =	strace $0x9000004B  }
0xb7: {  	_ =	sfence  }
0xb8: {  	s30 =	sld [smem:$0x0];
	_ =	sdelay $0x2  }
0xb9: {  	s31 =	sshll.u32 s1, $0xD;
	s1 =	sshrl.u32 s1, $0x2  }
0xba: {  	s3 =	sand.u32 $0x4000, s31;
	s1 =	sadd.s32 s1, s30  }
0xbb: {  	s0 =	sor.u32 s3, s0;
	s1 =	sshll.u32 s1, $0x11  }
0xbc: {  	s0 =	sor.u32 s1, s0  }
0xbd: {  	s0 =	sadd.s32 $0x8F2B, s0  }
0xbe: {  	[sflag:s0] =	ssyncadd.remote.s32 $0x1  }
0xbf: {  	_ =	sfence.sel $0xFFFF  }
0xc0: {  	[dreg:$0x0] =	wrdreg $0xFFFFFFFF;
	(pc) =	sbr.abs _section_cstart, $3  }
0xc1: {  	[dreg:$0x1] =	wrdreg $0xFFFFFFFF  }
0xc2: {  	_ =	task.clear_ibuf [dreg:s7], $0x2FFFF;
	_ =	strace $0x9FFFFFFF  }
0xc3: {  	(tm) =	ssettm $0x7FFFFFFF  }
tec
execute0_lowered:
.L_overlay_start_1:
0x0: {  	(tag) =	ssettag $0x1  }
0x1: {  	s0 =	rddreg [dreg:$0x0]  }
0x2: {  	s2 =	rddreg [dreg:$0x1]  }
0x3: {  	s1 =	rddreg [dreg:$0x2]  }
0x4: {  	s3 =	srdreg.scid;
	s13 =	stileid.u32  }
0x5: {  	s28 =	simm.s32 $0x5780;
	s29 =	simm.s32 $0x1;
	s30 =	simm.s32 $0x7F80  }
0x6: {  	s31 =	simm.s32 $0x2;
	s6 =	sand.u32 $0x1, s3;
	s3 =	simm.s32 $0x0  }
0x7: {  	s8 =	smul.u32 $0x14000, s13;
	s4 =	sadd.s32 $0x12200, s0;
	s5 =	sadd.s32 $0x2200, s0  }
0x8: {  	s14 =	sshll.u32 s13, $0x1;
	s9 =	sadd.s32 $0x39400, s0;
	s12 =	smul.u32 $0x50000, s13  }
0x9: {  	s21 =	sshll.u32 s13, $0xF;
	s7 =	smul.u32 $0x140000, s6;
	[smem:$0x7FF] =	sst s3  }
0xa: {  	s15 =	ssub.s32 $0x2, s6;
	s22 =	sshll.u32 s6, $0xE;
	_ =	strace $0x8000004A  }
0xb: {  	[dreg:$0x4] =	wrdreg s9;
	s10 =	sshrl.u32 s15, $0x1;
	s18 =	sshrl.u32 s12, $0x2  }
0xc: {  	s7 =	sadd.s32 s8, s7;
	s8 =	sor.u32 s6, s14;
	s12 =	sadd.s32 s18, s1  }
0xd: {  	s6 =	simm.s32 $0x6;
	s7 =	sshrl.u32 s7, $0x3;
	s20 =	sadd.s32 $0x2800, s12  }
0xe: {  	s16 =	smul.u32 $0x4E2, s8;
	s23 =	sadd.s32 $0x5000, s12;
	[dreg:$0xa] =	wrdreg s20  }
0xf: {  	s11 =	sshll.u32 s8, $0xB;
	s24 =	sadd.s32 $0x7800, s12;
	[dreg:$0xb] =	wrdreg s23  }
0x10: {  	s9 =	sshll.u32 s8, $0xE;
	s25 =	sadd.s32 $0xA000, s12;
	[dreg:$0xc] =	wrdreg s24  }
0x11: {  	s26 =	sadd.s32 $0xC800, s12;
	s0 =	sadd.s32 s7, s0;
	[dreg:$0xd] =	wrdreg s25  }
0x12: {  	s7 =	ssub.s32 s15, s10;
	s17 =	sadd.s32 s5, s11;
	[dreg:$0xe] =	wrdreg s26  }
0x13: {  	s20 =	sadd.s32 $0x11800, s12;
	s23 =	simm.s32 $0x2780;
	s25 =	simm.s32 $0x2F80  }
0x14: {  	s26 =	simm.s32 $0x50;
	s24 =	simm.s32 $0x4;
	s2 =	sadd.s32 s2, s16  }
0x15: {  	[dreg:$0x6] =	wrdreg s17;
	s0 =	sadd.s32 $0x61400, s0;
	s19 =	smax.u32 s7, $0x1  }
.Ltmp0:
0x16: {  	s7 =	simm.s32 $0x0;
	[dreg:$0x5] =	wrdreg s2;
	(pc) =	sbr.rel .LBB2_1-.Ltmp0, $4  }
0x17: {  	s2 =	sadd.s32 $0x80, s17;
	[dreg:$0x8] =	wrdreg s0;
	s0 =	sor.u32 s22, s21  }
0x18: {  	[dreg:$0x9] =	wrdreg s19;
	s19 =	sadd.s32 $0xF000, s12;
	s0 =	sor.u32 $0x400, s0  }
0x19: {  	s22 =	simm.s32 $0x9;
	[dreg:$0x7] =	wrdreg s2;
	s0 =	sshrl.u32 s0, $0x3  }
0x1a: {  	s2 =	simm.s32 $0x5;
	s14 =	sadd.s32 s0, s5;
	s0 =	simm.s32 $0x3  }
.LBB2_13:
0x1b: {  	_ =	swait.ge [sflag:s24], $0x2800  }
0x1c: {  	[sflag:s24] =	ssyncset.done $0x0  }
0x1d: {  	[sflag:s24] =	ssyncadd.s32 $0xFFFFD800  }
0x1e: {  	_ =	swait.ge [sflag:s2], $0x2800  }
0x1f: {  	[sflag:s2] =	ssyncset.done $0x0  }
0x20: {  	[sflag:s2] =	ssyncadd.s32 $0xFFFFD800  }
0x21: {  	_ =	swait.ge [sflag:s6], $0x2800  }
0x22: {  	[sflag:s6] =	ssyncset.done $0x0  }
0x23: {  	s8 =	stileid.u32;
	[sflag:s6] =	ssyncadd.s32 $0xFFFFD800  }
0x24: {  	s8 =	sshll.u32 s8, $0x6;
	[bflag:$0x0] =	sbarrier.arrive $0xFFFF  }
0x25: {  	s10 =	sshrl.u32 s12, $0x3;
	s8 =	sor.u32 $0x1C09, s8;
	s11 =	rddreg [dreg:$0x8]  }
0x26: {  	[hbm:s11], [sflag:s8] =	dma.local [spmem:s10], $0x2800  }
0x27: {  	_ =	swait.ge [sflag:s22], $0x2800  }
0x28: {  	s7 =	sadd.s32 $0x1, s7;
	s21 =	rddreg [dreg:$0x9]  }
0x29: {  	p0 =	sne.s32 s7, s21  }
.Ltmp1:
0x2a: {  	_ = 	snop;
	(pc) =	sbr.rel @!p0 .LBB2_14-.Ltmp1, $3  }
0x2b: {  	_ =	sdelay $0x1  }
0x2c: {  	[sflag:s22] =	ssyncset.done $0x0  }
0x2d: {  	[sflag:s22] =	ssyncadd.s32 $0xFFFFD800  }
.LBB2_1:
0x2e: {  	s8 =	rddreg [dreg:$0x5]  }
0x2f: {  	[tilespmem:s3], [sflag:$0x9] =	stream.linear.gather [hbm4b:s8+s3], $0x2710, $0x38;
	[tilespmem:$0x1E780] =	vst v63  }
0x30: {  	_ =	swait.ge [sflag:s22], $0x2710  }
0x31: {  	[sflag:s22] =	ssyncset.done $0x0  }
0x32: {  	s10 =	rddreg [dreg:$0x6];
	[sflag:s22] =	ssyncadd.s32 $0xFFFFD8F0  }
0x33: {  	[tilespmem:s23], [sflag:$0x9] =	stream.linear.gather [hbm4b:s10+s3], $0x400, $0x38;
	[tilespmem:$0x1E780] =	vst v63  }
0x34: {  	_ =	swait.ge [sflag:s22], $0x400  }
0x35: {  	[sflag:s22] =	ssyncset.done $0x0  }
0x36: {  	s10 =	simm.s32 $0x2B80;
	s11 =	rddreg [dreg:$0x7];
	[sflag:s22] =	ssyncadd.s32 $0xFFFFFC00  }
0x37: {  	[tilespmem:s10], [sflag:$0x8] =	stream.linear.gather [hbm4b:s11+s3], $0x400, $0x38;
	[tilespmem:$0x1E780] =	vst v63  }
0x38: {  	s13 =	rddreg [dreg:$0x4]  }
0x39: {  	[tilespmem:s25], [sflag:$0x9] =	stream.linear.gather [hbm4b:s13+s3], $0x2800, $0x38;
	[tilespmem:$0x1E780] =	vst v63  }
0x3a: {  	_ =	swait.ge [sflag:s22], $0x2800  }
0x3b: {  	[sflag:s22] =	ssyncset.done $0x0  }
0x3c: {  	[sflag:s22] =	ssyncadd.s32 $0xFFFFD800  }
0x3d: {  	[spmem:s12] =	stream.linear.scatter [tilespmem:s25], [sflag:$0x9], $0x2800, $0x38;
	[tilespmem:$0x1E780] =	vst v63  }
0x3e: {  	_ =	swait.ge [sflag:s22], $0x2800  }
0x3f: {  	[sflag:s22] =	ssyncset.done $0x0  }
0x40: {  	s15 =	rddreg [dreg:$0xa];
	[sflag:s22] =	ssyncadd.s32 $0xFFFFD800  }
0x41: {  	[spmem:s15] =	stream.linear.scatter [tilespmem:s25], [sflag:$0x9], $0x2800, $0x38;
	[tilespmem:$0x1E780] =	vst v63  }
0x42: {  	_ =	swait.ge [sflag:s22], $0x2800  }
0x43: {  	[sflag:s22] =	ssyncset.done $0x0  }
0x44: {  	s16 =	rddreg [dreg:$0xb];
	[sflag:s22] =	ssyncadd.s32 $0xFFFFD800  }
0x45: {  	[spmem:s16] =	stream.linear.scatter [tilespmem:s25], [sflag:$0x9], $0x2800, $0x38;
	[tilespmem:$0x1E780] =	vst v63  }
0x46: {  	_ =	swait.ge [sflag:s22], $0x2800  }
0x47: {  	[sflag:s22] =	ssyncset.done $0x0  }
0x48: {  	s17 =	rddreg [dreg:$0xc];
	[sflag:s22] =	ssyncadd.s32 $0xFFFFD800  }
0x49: {  	[spmem:s17] =	stream.linear.scatter [tilespmem:s25], [sflag:$0x9], $0x2800, $0x38;
	[tilespmem:$0x1E780] =	vst v63  }
0x4a: {  	_ =	swait.ge [sflag:s22], $0x2800  }
0x4b: {  	[sflag:s22] =	ssyncset.done $0x0  }
0x4c: {  	s18 =	rddreg [dreg:$0xd];
	[sflag:s22] =	ssyncadd.s32 $0xFFFFD800  }
0x4d: {  	[spmem:s18] =	stream.linear.scatter [tilespmem:s25], [sflag:$0x9], $0x2800, $0x38;
	[tilespmem:$0x1E780] =	vst v63  }
0x4e: {  	_ =	swait.ge [sflag:s22], $0x2800  }
0x4f: {  	[sflag:s22] =	ssyncset.done $0x0  }
0x50: {  	s21 =	rddreg [dreg:$0xe];
	[sflag:s22] =	ssyncadd.s32 $0xFFFFD800  }
0x51: {  	[spmem:s21] =	stream.linear.scatter [tilespmem:s25], [sflag:$0x9], $0x2800, $0x38;
	[tilespmem:$0x1E780] =	vst v63  }
0x52: {  	_ =	swait.ge [sflag:s22], $0x2800  }
0x53: {  	[sflag:s22] =	ssyncset.done $0x0  }
0x54: {  	[sflag:s22] =	ssyncadd.s32 $0xFFFFD800  }
0x55: {  	[spmem:s19] =	stream.linear.scatter [tilespmem:s25], [sflag:$0x9], $0x2800, $0x38;
	[tilespmem:$0x1E780] =	vst v63  }
0x56: {  	_ =	swait.ge [sflag:s22], $0x2800  }
0x57: {  	[sflag:s22] =	ssyncset.done $0x0  }
0x58: {  	[sflag:s22] =	ssyncadd.s32 $0xFFFFD800  }
0x59: {  	[spmem:s20] =	stream.linear.scatter [tilespmem:s25], [sflag:$0x9], $0x2800, $0x38;
	[tilespmem:$0x1E780] =	vst v63  }
0x5a: {  	_ =	swait.ge [sflag:s22], $0x2800  }
0x5b: {  	[sflag:s22] =	ssyncset.done $0x0  }
.Ltmp2:
0x5c: {  	[sflag:s22] =	ssyncadd.s32 $0xFFFFD800;
	(pc) =	sbr.rel .LBB2_2-.Ltmp2, $4  }
0x5d: {  	s8 =	simm.s32 $0x0;
	s10 =	simm.s32 $0x500;
	[bflag:$0x0] =	sbarrier.arrive $0xFFFF  }
0x5e: {  	[tilespmem:s25], [sflag:$0x1] =	stream.indirect.gather [hbm4b:s4+s26], $0x80, s3, s26, $0xb8;
	[tilespmem:$0x1E780] =	vst v63  }
0x5f: {  	s11 =	simm.s32 $0x140;
	s13 =	simm.s32 $0x0;
	s21 =	smov.u32 s14  }
0x60: {  	[tilespmem:s28], [sflag:$0x2] =	stream.indirect.gather [hbm4b:s4+s26], $0x80, s26, s26, $0xb8;
	[tilespmem:$0x1E780] =	vst v63  }
.LBB2_9:
.Ltmp3:
0x61: {  	(pc) =	sbr.rel @!p1 .LBB2_13-.Ltmp3, $1  }
0x62: {  	_ =	sdelay $0x3  }
.LBB2_11:
0x63: {  	s16 =	sadd.s32 $0xFFFFFF80, s10  }
0x64: {  	s16 =	sand.u32 $0xFC00, s16  }
0x65: {  	p1 =	seq.s32 s15, $0x1;
	s16 =	sadd.s32 s9, s16  }
0x66: {  	s17 =	simm.s32 @!p1 $0x0;
	s16 =	sshrl.u32 s16, $0x3  }
0x67: {  	s18 =	simm.s32 @!p1 $0x2B80;
	p2 =	seq.s32 @!p1 s15, $0x0;
	s16 =	sadd.s32 s5, s16  }
0x68: {  	[tilespmem:s18], [sflag:$0x8] =	stream.linear.gather @!p1 [hbm4b:s16+s17], $0x400, $0x38;
	[tilespmem:$0x1E780] =	vst v63  }
0x69: {  	p1 =	por p1, !p2  }
0x6a: {  	[tilespmem:s23], [sflag:$0x7] =	stream.linear.gather @p1 [hbm4b:s16+s3], $0x400, $0x38;
	[tilespmem:$0x1E780] =	vst v63  }
.LBB2_12:
0x6b: {  	s15 =	sadd.s32 $0x2, s13  }
0x6c: {  	s16 =	sshrl.u32 s15, $0x3;
	s15 =	sand.u32 $0x7, s15  }
0x6d: {  	p1 =	seq.s32 s15, $0x0;
	p2 =	sne.s32 s16, $0x0  }
0x6e: {  	p1 =	por !p1, !p2  }
0x6f: {  	p1 =	por !p1, !p1  }
0x70: {  	s17 =	sand.u32 @p1 $0x1, s16  }
0x71: {  	p2 =	seq.s32 @p1 s17, $0x1  }
0x72: {  	s17 =	simm.s32 @p1 $0x8;
	p2 =	por !p2, !p1  }
0x73: {  	s17 =	simm.s32 @p2 $0x7  }
0x74: {  	_ =	swait.ge @p1 [sflag:s17], $0x400  }
0x75: {  	[sflag:s17] =	ssyncset.done @p1 $0x0  }
0x76: {  	s18 =	sand.u32 $0x1, s16;
	[sflag:s17] =	ssyncadd.s32 @p1 $0xFFFFFC00  }
0x77: {  	s15 =	sshll.u32 s15, $0x7;
	s17 =	sshll.u32 s18, $0xA;
	_ =	swait.ge [sflag:s0], $0x2800  }
0x78: {  	p0 =	por !p1, !p0;
	s15 =	sor.u32 s15, s17;
	[sflag:s0] =	ssyncset.done $0x0  }
0x79: {  	p0 =	por !p0, !p0;
	s15 =	sadd.s32 $0x2780, s15;
	[sflag:s0] =	ssyncadd.s32 $0xFFFFD800  }
0x7a: {  	[spmem:s1] =	stream.indirect.scatter.add.f32 [tilespmem:s30], [sflag:$0x6], $0x80, s15, s26, $0xb8;
	[tilespmem:$0x1E780] =	vst v63  }
0x7b: {  	s15 =	sand.u32 @p0 $0x1, s16;
	s16 =	sand.u32 @p0 $0xFC00, s10;
	_ =	swait.ge [sflag:s2], $0x2800  }
0x7c: {  	p1 =	seq.s32 @p0 s15, $0x1;
	s15 =	sadd.s32 @p0 s9, s16;
	[sflag:s2] =	ssyncset.done $0x0  }
0x7d: {  	s15 =	sshrl.u32 @p0 s15, $0x3;
	p2 =	por p1, !p0;
	[sflag:s2] =	ssyncadd.s32 $0xFFFFD800  }
0x7e: {  	[tilespmem:s28], [sflag:$0x2] =	stream.indirect.gather [hbm4b:s4+s26], $0x80, s11, s26, $0xb8;
	[tilespmem:$0x1E780] =	vst v63  }
0x7f: {  	s15 =	sadd.s32 @p0 s5, s15;
	s16 =	simm.s32 @!p2 $0x0;
	s17 =	simm.s32 @!p2 $0x2B80  }
0x80: {  	[tilespmem:s17], [sflag:$0x8] =	stream.linear.gather @!p2 [hbm4b:s15+s16], $0x400, $0x38;
	[tilespmem:$0x1E780] =	vst v63  }
0x81: {  	p2 =	seq.s32 @!p2 s18, $0x0  }
0x82: {  	p1 =	por @p0 p1, !p2  }
0x83: {  	s13 =	sadd.s32 $0x3, s13;
	p0 =	por !p0, !p1  }
0x84: {  	[tilespmem:s23], [sflag:$0x7] =	stream.linear.gather @!p0 [hbm4b:s15+s3], $0x400, $0x38;
	[tilespmem:$0x1E780] =	vst v63  }
0x85: {  	p0 =	sne.s32 s13, $0x7E  }
.Ltmp4:
0x86: {  	_ = 	snop;
	(pc) =	sbr.rel @!p0 .LBB2_13-.Ltmp4, $3  }
0x87: {  	_ =	sdelay $0x1  }
0x88: {  	s8 =	sadd.s32 $0x1, s8  }
0x89: {  	s21 =	sadd.s32 $0x30, s21;
	s10 =	sadd.s32 $0x180, s10;
	s11 =	sadd.s32 $0xF0, s11  }
.LBB2_2:
0x8a: {  	s15 =	sshrl.u32 s13, $0x3;
	s17 =	sand.u32 $0x7, s13  }
0x8b: {  	p0 =	seq.s32 s17, $0x0;
	p1 =	sne.s32 s15, $0x0  }
0x8c: {  	p0 =	por !p0, !p1  }
0x8d: {  	p1 =	por !p0, !p0  }
0x8e: {  	s16 =	sand.u32 @p1 $0x1, s15  }
0x8f: {  	p0 =	seq.s32 @p1 s16, $0x1  }
0x90: {  	s18 =	simm.s32 @p1 $0x8;
	p0 =	por !p0, !p1  }
0x91: {  	s18 =	simm.s32 @p0 $0x7  }
0x92: {  	_ =	swait.ge @p1 [sflag:s18], $0x400  }
0x93: {  	p0 =	seq.s32 s8, $0x0;
	[sflag:s18] =	ssyncset.done @p1 $0x0  }
.Ltmp5:
0x94: {  	s16 =	sand.u32 $0x1, s15;
	[sflag:s18] =	ssyncadd.s32 @p1 $0xFFFFFC00;
	(pc) =	sbr.rel @p0 .LBB2_5-.Ltmp5, $4  }
0x95: {  	s17 =	sshll.u32 s17, $0x7;
	s18 =	sshll.u32 s16, $0xA;
	_ =	swait.ge [sflag:s29], $0x2800  }
0x96: {  	s17 =	sor.u32 s17, s18;
	[sflag:s29] =	ssyncset.done $0x0  }
0x97: {  	s17 =	sadd.s32 $0x2780, s17;
	[sflag:s29] =	ssyncadd.s32 $0xFFFFD800  }
0x98: {  	[spmem:s1] =	stream.indirect.scatter.add.f32 [tilespmem:s25], [sflag:$0x4], $0x80, s17, s26, $0xb8;
	[tilespmem:$0x1E780] =	vst v63  }
0x99: {  	p2 =	seq.s32 s8, $0x29  }
.Ltmp6:
0x9a: {  	_ = 	snop;
	(pc) =	sbr.rel @p2 .LBB2_8-.Ltmp6, $2  }
0x9b: {  	_ =	sdelay $0x2  }
0x9c: {  	p0 =	por $0x0, $0x0  }
0x9d: {  	_ =	swait.ge [sflag:s6], $0x2800  }
0x9e: {  	[sflag:s6] =	ssyncset.done $0x0  }
0x9f: {  	[sflag:s6] =	ssyncadd.s32 $0xFFFFD800  }
.LBB2_5:
0xa0: {  	p2 =	slt.u32 s8, $0x28  }
0xa1: {  	p0 =	por !p2, !p1  }
0xa2: {  	p1 =	por !p0, !p0  }
0xa3: {  	s15 =	sand.u32 @p1 $0x1, s15  }
0xa4: {  	p3 =	seq.s32 @p1 s15, $0x1  }
0xa5: {  	p0 =	por p3, !p1  }
0xa6: {  	p4 =	seq.s32 @!p0 s16, $0x0  }
0xa7: {  	p3 =	por @p1 p3, !p4  }
0xa8: {  	p3 =	por !p1, !p3  }
.Ltmp7:
0xa9: {  	_ = 	snop;
	(pc) =	sbr.rel @!p3 .LBB2_7-.Ltmp7, $4  }
0xaa: {  	s17 =	sadd.s32 $0xFFFFFF60, s11  }
0xab: {  	[tilespmem:s30], [sflag:$0x3] =	stream.indirect.gather [hbm4b:s4+s26], $0x80, s17, s26, $0xb8;
	[tilespmem:$0x1E780] =	vst v63  }
0xac: {  	s15 =	simm.s32 @!p0 $0x0;
	s17 =	simm.s32 @!p0 $0x2B80  }
0xad: {  	[tilespmem:s17], [sflag:$0x8] =	stream.linear.gather @!p0 [hbm4b:s21+s15], $0x400, $0x38;
	[tilespmem:$0x1E780] =	vst v63  }
.Ltmp8:
0xae: {  	(pc) =	sbr.rel .LBB2_8-.Ltmp8, $3  }
0xaf: {  	_ =	sdelay $0x1  }
0xb0: {  	p0 =	por @!p0 $0x1, $0x1  }
0xb1: {  	p0 =	por @!p1 p2, p2  }
.LBB2_7:
0xb2: {  	[tilespmem:s23], [sflag:$0x7] =	stream.linear.gather [hbm4b:s21+s3], $0x400, $0x38;
	[tilespmem:$0x1E780] =	vst v63  }
0xb3: {  	p0 =	por $0x1, $0x1  }
.LBB2_8:
0xb4: {  	s15 =	sadd.s32 $0x1, s13  }
0xb5: {  	s16 =	sshrl.u32 s15, $0x3;
	s17 =	sand.u32 $0x7, s15  }
0xb6: {  	p1 =	seq.s32 s17, $0x0;
	p2 =	sne.s32 s16, $0x0  }
0xb7: {  	p1 =	por !p1, !p2  }
0xb8: {  	p1 =	por !p1, !p1  }
0xb9: {  	s15 =	sand.u32 @p1 $0x1, s16  }
0xba: {  	p2 =	seq.s32 @p1 s15, $0x1  }
0xbb: {  	s18 =	simm.s32 @p1 $0x8;
	p2 =	por !p2, !p1  }
0xbc: {  	s18 =	simm.s32 @p2 $0x7  }
0xbd: {  	_ =	swait.ge @p1 [sflag:s18], $0x400  }
0xbe: {  	p2 =	sne.s32 s13, $0x7B;
	[sflag:s18] =	ssyncset.done @p1 $0x0  }
.Ltmp9:
0xbf: {  	s15 =	sand.u32 $0x1, s16;
	[sflag:s18] =	ssyncadd.s32 @p1 $0xFFFFFC00;
	(pc) =	sbr.rel @!p2 .LBB2_9-.Ltmp9, $4  }
0xc0: {  	s17 =	sshll.u32 s17, $0x7;
	s16 =	sshll.u32 s15, $0xA;
	_ =	swait.ge [sflag:s31], $0x2800  }
0xc1: {  	s16 =	sor.u32 s17, s16;
	p1 =	por !p1, !p0;
	[sflag:s31] =	ssyncset.done $0x0  }
0xc2: {  	s16 =	sadd.s32 $0x2780, s16;
	p1 =	por !p1, !p1;
	[sflag:s31] =	ssyncadd.s32 $0xFFFFD800  }
0xc3: {  	[spmem:s1] =	stream.indirect.scatter.add.f32 [tilespmem:s28], [sflag:$0x5], $0x80, s16, s26, $0xb8;
	[tilespmem:$0x1E780] =	vst v63  }
.Ltmp10:
0xc4: {  	(pc) =	sbr.rel @!p1 .LBB2_12-.Ltmp10, $4  }
.Ltmp11:
0xc5: {  	_ =	swait.ge [sflag:s24], $0x2800;
	(pc) =	sbr.rel @p1 .LBB2_11-.Ltmp11, $4  }
0xc6: {  	[sflag:s24] =	ssyncset.done $0x0  }
0xc7: {  	s16 =	sadd.s32 $0xFFFFFFB0, s11;
	[sflag:s24] =	ssyncadd.s32 $0xFFFFD800  }
0xc8: {  	[tilespmem:s25], [sflag:$0x1] =	stream.indirect.gather [hbm4b:s4+s26], $0x80, s16, s26, $0xb8;
	[tilespmem:$0x1E780] =	vst v63  }
0xc9: {  	_ = 	snop  }
.LBB2_14:
0xca: {  	_ =	sfence.sel $0x180000  }
0xcb: {  	[bflag:$0x0] =	sbarrier.arrive $0xFFFF  }
0xcc: {  	_ =	strace $0x9000004A  }
0xcd: {  	s0 =	stileid.u32;
	[bflag:$0x2] =	sbarrier.arrive $0xFFFF  }
0xce: {  	p0 =	sne.s32 s0, $0x0;
	s0 =	rddreg [dreg:$0x3]  }
0xcf: {  	s0 =	sadd.s32 @!p0 $0x100000, s0  }
0xd0: {  	[sflag:s0] =	ssyncadd.tile.s32 @!p0 $0x1;
	_ =	shalt  }
.Lfunc_end2:
_tile_overlayer_lowered:
.L_overlay_start_2:
0xd1: {  	(tag) =	ssettag $0x2  }
0xd2: {  	s0 =	rddreg [dreg:$0x0];
	s2 =	stileid.u32  }
0xd3: {  	s1 =	rddreg [dreg:$0x1];
	p0 =	sne.s32 s2, $0x0  }
0xd4: {  	s3 =	rddreg [dreg:$0x2];
	[bflag:$0x3] =	sbarrier.arrive $0xFFFF;
	s2 =	simm.s32 @!p0 $0x1C09  }
0xd5: {  	[timem:s3], [sflag:s2] =	dma.local @!p0 [hbm:s0], s1  }
0xd6: {  	s0 =	simm.s32 @!p0 $0x9  }
0xd7: {  	_ =	swait.ge @!p0 [sflag:s0], s1  }
0xd8: {  	s1 =	ssub.s32 @!p0 $0x0, s1;
	[sflag:s0] =	ssyncset.done @!p0 $0x0  }
0xd9: {  	[sflag:s0] =	ssyncadd.s32 @!p0 s1  }
0xda: {  	[bflag:$0x3] =	sbarrier.arrive $0xFFFF  }
0xdb: {  	_ =	shalt  }

// kernel: kernel.15.cloned.1.call-start
scs
__scs_entry_jumppad:
0x0: {  	(pc) =	sbr.rel $0x88, $3  }
0x1: {  	(tag) =	ssettag $0x0;
	lr =	simm.s32 $0x1  }
0x2: {  	[smem:$0x3F95] =	sst lr;
	_ =	strace $0xD0000000  }
0x3: {  	_ = 	snop  }
0x4: {  	_ = 	snop  }
0x5: {  	_ = 	snop  }
0x6: {  	_ = 	snop  }
0x7: {  	_ = 	snop  }
__scs_overlays_trampoline_lowered:
0x8: {  	[smem:$0x3FA4] =	sst s0  }
0x9: {  	[smem:$0x3FA5] =	sst s1  }
0xa: {  	[smem:$0x3FA6] =	sst s2  }
0xb: {  	[smem:$0x3FA7] =	sst s3  }
0xc: {  	[smem:$0x3FA8] =	sst s4  }
0xd: {  	[smem:$0x3FA9] =	sst s5  }
0xe: {  	[smem:$0x3FAA] =	sst s6  }
0xf: {  	[smem:$0x3FAB] =	sst s7  }
0x10: {  	[smem:$0x3FAC] =	sst s8  }
0x11: {  	[smem:$0x3FAD] =	sst s9;
	s0 =	simm.s32 @!p0 $0x0  }
0x12: {  	s1 =	sld [smem:$0x3F93];
	s0 =	simm.s32 @p0 $0x1  }
0x13: {  	[smem:$0x3FAE] =	sst s0;
	s0 =	simm.s32 @!p1 $0x0  }
0x14: {  	s2 =	sld [smem:$0x3F92];
	s0 =	simm.s32 @p1 $0x1  }
0x15: {  	[smem:$0x3FAF] =	sst s0;
	s0 =	simm.s32 @!p2 $0x0  }
0x16: {  	s3 =	sld [smem:$0x3FDB];
	s0 =	simm.s32 @p2 $0x1  }
0x17: {  	s4 =	simm.s32 $0x1BF5;
	[smem:$0x3FB1] =	sst s0  }
0x18: {  	s0 =	sld [smem:$0x3F94];
	_ =	swait.ge [sflag:s4], $0x0  }
0x19: {  	s7 =	sld [smem:$0x3F95]  }
0x1a: {  	s8 =	sadd.s32 $0xFFFFE003, lr  }
0x1b: {  	s9 =	sadd.s32 $0xFFFFFEF7, lr;
	s5 =	simm.s32 $0xFFFFFFFF;
	p2 =	slt.u32 s8, $0xFFFFF086  }
0x1c: {  	p1 =	slt.u32 s9, $0xF7A;
	s5 =	simm.s32 @!p2 $0x0  }
0x1d: {  	s5 =	simm.s32 @p1 $0x1;
	p0 =	seq.s32 s7, s2  }
0x1e: {  	s7 =	smul.u32 @!p0 $0xF7A, s2;
	p2 =	seq.s32 @!p0 s5, $0x0  }
0x1f: {  	s9 =	smul.u32 $0xF7A, s1;
	s8 =	simm.s32 @!p0 $0x1BF5;
	p2 =	por !p2, p0  }
0x20: {  	[sflag:s8] =	ssyncset.s32 @!p0 $0xFFFFF086;
	s6 =	sadd.s32 @!p0 s3, s7;
	s7 =	simm.s32 @!p0 $0x108  }
0x21: {  	s3 =	sadd.s32 s3, s9;
	s6 =	sadd.s32 @!p0 $0x88, s6;
	s7 =	simm.s32 @p2 $0x1082  }
0x22: {  	[simem:s7], [sflag:s8] =	dma.local @!p0 [hbm:s6], $0xF7A  }
0x23: {  	s9 =	sor.u32 $0xD0000000, s2;
	s6 =	simm.s32 $0x108;
	_ =	swait.ge @!p0 [sflag:s8], $0x0  }
0x24: {  	s3 =	sadd.s32 $0x88, s3;
	s6 =	simm.s32 @!p1 $0x1082;
	[sflag:s4] =	ssyncset.s32 $0xFFFFF086  }
0x25: {  	[simem:s6], [sflag:s4] =	dma.local [hbm:s3], $0xF7A  }
0x26: {  	[smem:$0x3F95] =	sst s1;
	(tag) =	ssettag s2;
	_ =	strace s9  }
0x27: {  	s1 =	sld [smem:$0x3FA5]  }
0x28: {  	s2 =	sld [smem:$0x3FA6]  }
0x29: {  	s4 =	sld [smem:$0x3FA8]  }
0x2a: {  	p0 =	seq.s32 s5, $0x0;
	s5 =	sld [smem:$0x3FA9]  }
0x2b: {  	s6 =	sld [smem:$0x3FAA]  }
0x2c: {  	s7 =	sld [smem:$0x3FAB]  }
0x2d: {  	s3 =	simm.s32 $0x108;
	s8 =	sld [smem:$0x3FAC]  }
0x2e: {  	s3 =	simm.s32 @!p0 $0x1082;
	s9 =	sld [smem:$0x3FAD]  }
0x2f: {  	lr =	sadd.s32 s0, s3;
	s0 =	sld [smem:$0x3FA4]  }
0x30: {  	s3 =	sld [smem:$0x3FA7]  }
0x31: {  	[smem:$0x3FB0] =	sst s10  }
0x32: {  	s10 =	sld [smem:$0x3FAE];
	_ =	sdelay $0x3  }
0x33: {  	p0 =	seq.s32 s10, $0x1;
	s10 =	sld [smem:$0x3FB0];
	_ =	sdelay $0x3  }
0x34: {  	[smem:$0x3FB0] =	sst s10  }
0x35: {  	s10 =	sld [smem:$0x3FAF];
	_ =	sdelay $0x3  }
0x36: {  	p1 =	seq.s32 s10, $0x1;
	s10 =	sld [smem:$0x3FB0];
	_ =	sdelay $0x3  }
0x37: {  	[smem:$0x3FB0] =	sst s10  }
0x38: {  	s10 =	sld [smem:$0x3FB1]  }
0x39: {  	_ = 	snop;
	(pc) =	sbr.ind lr, $3  }
0x3a: {  	_ = 	snop  }
0x3b: {  	_ = 	snop  }
0x3c: {  	p2 =	seq.s32 s10, $0x1;
	s10 =	sld [smem:$0x3FB0]  }
0x3d: {  	_ =	shalt  }
0x3e: {  	_ =	shalt  }
0x3f: {  	_ =	shalt  }
0x40: {  	_ =	shalt  }
0x41: {  	_ =	shalt  }
0x42: {  	_ =	shalt  }
0x43: {  	_ =	shalt  }
0x44: {  	_ =	shalt  }
0x45: {  	_ =	shalt  }
0x46: {  	_ =	shalt  }
0x47: {  	_ =	shalt  }
0x48: {  	_ =	shalt  }
0x49: {  	_ =	shalt  }
0x4a: {  	_ =	shalt  }
0x4b: {  	_ =	shalt  }
0x4c: {  	_ =	shalt  }
0x4d: {  	_ =	shalt  }
0x4e: {  	_ =	shalt  }
0x4f: {  	_ =	shalt  }
0x50: {  	_ =	shalt  }
0x51: {  	_ =	shalt  }
0x52: {  	_ =	shalt  }
0x53: {  	_ =	shalt  }
0x54: {  	_ =	shalt  }
0x55: {  	_ =	shalt  }
0x56: {  	_ =	shalt  }
0x57: {  	_ =	shalt  }
0x58: {  	_ =	shalt  }
0x59: {  	_ =	shalt  }
0x5a: {  	_ =	shalt  }
0x5b: {  	_ =	shalt  }
0x5c: {  	_ =	shalt  }
0x5d: {  	_ =	shalt  }
0x5e: {  	_ =	shalt  }
0x5f: {  	_ =	shalt  }
0x60: {  	_ =	shalt  }
0x61: {  	_ =	shalt  }
0x62: {  	_ =	shalt  }
0x63: {  	_ =	shalt  }
0x64: {  	_ =	shalt  }
0x65: {  	_ =	shalt  }
0x66: {  	_ =	shalt  }
0x67: {  	_ =	shalt  }
0x68: {  	_ =	shalt  }
0x69: {  	_ =	shalt  }
0x6a: {  	_ =	shalt  }
0x6b: {  	_ =	shalt  }
0x6c: {  	_ =	shalt  }
0x6d: {  	_ =	shalt  }
0x6e: {  	_ =	shalt  }
0x6f: {  	_ =	shalt  }
0x70: {  	_ =	shalt  }
0x71: {  	_ =	shalt  }
0x72: {  	_ =	shalt  }
0x73: {  	_ =	shalt  }
0x74: {  	_ =	shalt  }
0x75: {  	_ =	shalt  }
0x76: {  	_ =	shalt  }
0x77: {  	_ =	shalt  }
0x78: {  	_ =	shalt  }
0x79: {  	_ =	shalt  }
0x7a: {  	_ =	shalt  }
0x7b: {  	_ =	shalt  }
0x7c: {  	_ =	shalt  }
0x7d: {  	_ =	shalt  }
0x7e: {  	_ =	shalt  }
0x7f: {  	_ =	shalt  }
0x80: {  	_ =	shalt  }
0x81: {  	_ =	shalt  }
0x82: {  	_ =	shalt  }
0x83: {  	_ =	shalt  }
0x84: {  	_ =	shalt  }
0x85: {  	_ =	shalt  }
0x86: {  	_ =	shalt  }
0x87: {  	_ =	shalt  }
.Lfunc_end0:
.L_simem_size_0:
called_computation.2_lowered:
.L_overlay_start_0:
0x88: {  	s2 =	sld [smem:$0x3FD9]  }
0x89: {  	s3 =	sld [smem:$0x3FFE];
	_ =	sdelay $0x1  }
0x8a: {  	s1 =	srdreg.scid  }
0x8b: {  	s0 =	sand.u32 $0x1, s1  }
0x8c: {  	s17 =	sshll.u32 s0, $0xA;
	s2 =	sadd.s32 s3, s2  }
0x8d: {  	s2 =	sadd.s32 s2, s17  }
0x8e: {  	[smem:$0x3FBC] =	sst s2  }
0x8f: {  	_ = 	snop  }
0x90: {  	s2 =	sld [smem:$0x3FD0];
	(tm) =	ssettm $0x1  }
0x91: {  	s18 =	sld [smem:$0x3FFB];
	_ =	sdelay $0x3  }
0x92: {  	_ =	strace s18  }
0x93: {  	s3 =	sld [smem:$0x3FFC];
	_ =	sdelay $0x3  }
0x94: {  	_ =	strace s3  }
0x95: {  	s3 =	sld [smem:$0x3FFD];
	_ =	sdelay $0x3  }
0x96: {  	_ =	strace s3  }
0x97: {  	_ =	strace $0x8FFFFFFF  }
0x98: {  	s19 =	sld [smem:$0x3FDB];
	_ =	sdelay $0x1  }
0x99: {  	s4 =	simm.s32 $_scs_section_size  }
0x9a: {  	s5 =	simm.s32 $_size__tile_overlayer_lowered;
	s6 =	simm.s32 $_tile_overlayer_lowered  }
0x9b: {  	s22 =	simm.s32 $0x1BFF;
	s21 =	sshll.u32 s6, $0x1;
	s3 =	sadd.s32 s4, s19  }
0x9c: {  	s7 =	simm.s32 $0x0;
	s20 =	sshll.u32 s5, $0x1;
	s5 =	sadd.s32 s21, s3  }
0x9d: {  	[timem:s7], [sflag:s22] =	dma.local [hbm:s5], s20  }
0x9e: {  	_ =	swait.ge [sflag:s22], s20  }
0x9f: {  	s4 =	ssub.s32 $0x0, s20;
	[sflag:s22] =	ssyncset.done $0x0  }
0xa0: {  	[sflag:s22] =	ssyncadd.s32 s4;
	_ =	sdelay $0x1  }
0xa1: {  	s23 =	simm.s32 $0x1B8B  }
0xa2: {  	_ =	swait.ge [sflag:s23], $0x1  }
0xa3: {  	[sflag:s23] =	ssyncset.done $0x0  }
0xa4: {  	s25 =	simm.s32 $0x1B8E;
	s24 =	sld [smem:$0x3FFE];
	[sflag:s23] =	ssyncadd.s32 $0xFFFFFFFF  }
0xa5: {  	s26 =	simm.s32 $execute0_lowered;
	[smem:$0x3FD2] =	sst s25  }
0xa6: {  	s5 =	sshll.u32 s26, $0x1;
	_ =	strace $0x8000004C;
	[dreg:$0x1] =	wrdreg $0xFFFFFFFF  }
0xa7: {  	s28 =	simm.s32 $_size_execute0_lowered;
	s3 =	sadd.s32 s3, s5;
	[dreg:$0x0] =	wrdreg $0x0  }
0xa8: {  	s5 =	sshll.u32 s28, $0x1;
	[dreg:$0x2] =	wrdreg s3  }
0xa9: {  	[dreg:$0x3] =	wrdreg s5  }
0xaa: {  	[dreg:$0x4] =	wrdreg $0xC0  }
0xab: {  	_ =	task [dreg:s7], $0x5FFFF  }
0xac: {  	[dreg:$0x1] =	wrdreg $0xFFFFFFFF  }
0xad: {  	[dreg:$0x0] =	wrdreg $0x60  }
0xae: {  	[dreg:$0x2] =	wrdreg s24  }
0xaf: {  	[dreg:$0x3] =	wrdreg s2  }
0xb0: {  	[dreg:$0x4] =	wrdreg $0xA7800  }
0xb1: {  	[dreg:$0x5] =	wrdreg $0x9  }
0xb2: {  	_ =	task.clear_ibuf [dreg:s7], $0x6FFFF;
	_ =	strace $0x9000004C  }
0xb3: {  	s29 =	simm.s32 $0x9;
	_ =	strace $0x8000004E  }
0xb4: {  	_ =	swait.ge [sflag:s29], $0x1  }
0xb5: {  	[sflag:s29] =	ssyncadd.s32 $0xFFFFFFFF  }
0xb6: {  	_ =	strace $0x9000004E  }
0xb7: {  	_ =	sfence  }
0xb8: {  	s30 =	sld [smem:$0x0];
	_ =	sdelay $0x2  }
0xb9: {  	s31 =	sshll.u32 s1, $0xD;
	s1 =	sshrl.u32 s1, $0x2  }
0xba: {  	s3 =	sand.u32 $0x4000, s31;
	s1 =	sadd.s32 s1, s30  }
0xbb: {  	s0 =	sor.u32 s3, s0;
	s1 =	sshll.u32 s1, $0x11  }
0xbc: {  	s0 =	sor.u32 s1, s0  }
0xbd: {  	s0 =	sadd.s32 $0x8F2B, s0  }
0xbe: {  	[sflag:s0] =	ssyncadd.remote.s32 $0x1  }
0xbf: {  	_ =	sfence.sel $0xFFFF  }
0xc0: {  	[dreg:$0x0] =	wrdreg $0xFFFFFFFF;
	(pc) =	sbr.abs _section_cstart, $3  }
0xc1: {  	[dreg:$0x1] =	wrdreg $0xFFFFFFFF  }
0xc2: {  	_ =	task.clear_ibuf [dreg:s7], $0x2FFFF;
	_ =	strace $0x9FFFFFFF  }
0xc3: {  	(tm) =	ssettm $0x7FFFFFFF  }
tec
execute0_lowered:
.L_overlay_start_1:
0x0: {  	(tag) =	ssettag $0x1  }
0x1: {  	s0 =	rddreg [dreg:$0x0]  }
0x2: {  	s2 =	rddreg [dreg:$0x1]  }
0x3: {  	s1 =	rddreg [dreg:$0x2]  }
0x4: {  	s3 =	srdreg.scid;
	s13 =	stileid.u32  }
0x5: {  	s28 =	simm.s32 $0x5780;
	s29 =	simm.s32 $0x1;
	s30 =	simm.s32 $0x7F80  }
0x6: {  	s31 =	simm.s32 $0x2;
	s6 =	sand.u32 $0x1, s3;
	s3 =	simm.s32 $0x0  }
0x7: {  	s8 =	smul.u32 $0x14000, s13;
	s4 =	sadd.s32 $0x12200, s0;
	s5 =	sadd.s32 $0x2200, s0  }
0x8: {  	s14 =	sshll.u32 s13, $0x1;
	s9 =	sadd.s32 $0x39400, s0;
	s12 =	smul.u32 $0x50000, s13  }
0x9: {  	s21 =	sshll.u32 s13, $0xF;
	s7 =	smul.u32 $0x140000, s6;
	[smem:$0x7FF] =	sst s3  }
0xa: {  	s15 =	ssub.s32 $0x2, s6;
	s22 =	sshll.u32 s6, $0xE;
	_ =	strace $0x8000004D  }
0xb: {  	[dreg:$0x4] =	wrdreg s9;
	s10 =	sshrl.u32 s15, $0x1;
	s18 =	sshrl.u32 s12, $0x2  }
0xc: {  	s7 =	sadd.s32 s8, s7;
	s8 =	sor.u32 s6, s14;
	s12 =	sadd.s32 s18, s1  }
0xd: {  	s6 =	simm.s32 $0x6;
	s7 =	sshrl.u32 s7, $0x3;
	s20 =	sadd.s32 $0x2800, s12  }
0xe: {  	s16 =	smul.u32 $0x4E2, s8;
	s23 =	sadd.s32 $0x5000, s12;
	[dreg:$0xa] =	wrdreg s20  }
0xf: {  	s11 =	sshll.u32 s8, $0xB;
	s24 =	sadd.s32 $0x7800, s12;
	[dreg:$0xb] =	wrdreg s23  }
0x10: {  	s9 =	sshll.u32 s8, $0xE;
	s25 =	sadd.s32 $0xA000, s12;
	[dreg:$0xc] =	wrdreg s24  }
0x11: {  	s26 =	sadd.s32 $0xC800, s12;
	s0 =	sadd.s32 s7, s0;
	[dreg:$0xd] =	wrdreg s25  }
0x12: {  	s7 =	ssub.s32 s15, s10;
	s17 =	sadd.s32 s5, s11;
	[dreg:$0xe] =	wrdreg s26  }
0x13: {  	s20 =	sadd.s32 $0x11800, s12;
	s23 =	simm.s32 $0x2780;
	s25 =	simm.s32 $0x2F80  }
0x14: {  	s26 =	simm.s32 $0x50;
	s24 =	simm.s32 $0x4;
	s2 =	sadd.s32 s2, s16  }
0x15: {  	[dreg:$0x6] =	wrdreg s17;
	s0 =	sadd.s32 $0x61400, s0;
	s19 =	smax.u32 s7, $0x1  }
.Ltmp0:
0x16: {  	s7 =	simm.s32 $0x0;
	[dreg:$0x5] =	wrdreg s2;
	(pc) =	sbr.rel .LBB2_1-.Ltmp0, $4  }
0x17: {  	s2 =	sadd.s32 $0x80, s17;
	[dreg:$0x8] =	wrdreg s0;
	s0 =	sor.u32 s22, s21  }
0x18: {  	[dreg:$0x9] =	wrdreg s19;
	s19 =	sadd.s32 $0xF000, s12;
	s0 =	sor.u32 $0x400, s0  }
0x19: {  	s22 =	simm.s32 $0x9;
	[dreg:$0x7] =	wrdreg s2;
	s0 =	sshrl.u32 s0, $0x3  }
0x1a: {  	s2 =	simm.s32 $0x5;
	s14 =	sadd.s32 s0, s5;
	s0 =	simm.s32 $0x3  }
.LBB2_13:
0x1b: {  	_ =	swait.ge [sflag:s24], $0x2800  }
0x1c: {  	[sflag:s24] =	ssyncset.done $0x0  }
0x1d: {  	[sflag:s24] =	ssyncadd.s32 $0xFFFFD800  }
0x1e: {  	_ =	swait.ge [sflag:s2], $0x2800  }
0x1f: {  	[sflag:s2] =	ssyncset.done $0x0  }
0x20: {  	[sflag:s2] =	ssyncadd.s32 $0xFFFFD800  }
0x21: {  	_ =	swait.ge [sflag:s6], $0x2800  }
0x22: {  	[sflag:s6] =	ssyncset.done $0x0  }
0x23: {  	s8 =	stileid.u32;
	[sflag:s6] =	ssyncadd.s32 $0xFFFFD800  }
0x24: {  	s8 =	sshll.u32 s8, $0x6;
	[bflag:$0x0] =	sbarrier.arrive $0xFFFF  }
0x25: {  	s10 =	sshrl.u32 s12, $0x3;
	s8 =	sor.u32 $0x1C09, s8;
	s11 =	rddreg [dreg:$0x8]  }
0x26: {  	[hbm:s11], [sflag:s8] =	dma.local [spmem:s10], $0x2800  }
0x27: {  	_ =	swait.ge [sflag:s22], $0x2800  }
0x28: {  	s7 =	sadd.s32 $0x1, s7;
	s21 =	rddreg [dreg:$0x9]  }
0x29: {  	p0 =	sne.s32 s7, s21  }
.Ltmp1:
0x2a: {  	_ = 	snop;
	(pc) =	sbr.rel @!p0 .LBB2_14-.Ltmp1, $3  }
0x2b: {  	_ =	sdelay $0x1  }
0x2c: {  	[sflag:s22] =	ssyncset.done $0x0  }
0x2d: {  	[sflag:s22] =	ssyncadd.s32 $0xFFFFD800  }
.LBB2_1:
0x2e: {  	s8 =	rddreg [dreg:$0x5]  }
0x2f: {  	[tilespmem:s3], [sflag:$0x9] =	stream.linear.gather [hbm4b:s8+s3], $0x2710, $0x38;
	[tilespmem:$0x1E780] =	vst v63  }
0x30: {  	_ =	swait.ge [sflag:s22], $0x2710  }
0x31: {  	[sflag:s22] =	ssyncset.done $0x0  }
0x32: {  	s10 =	rddreg [dreg:$0x6];
	[sflag:s22] =	ssyncadd.s32 $0xFFFFD8F0  }
0x33: {  	[tilespmem:s23], [sflag:$0x9] =	stream.linear.gather [hbm4b:s10+s3], $0x400, $0x38;
	[tilespmem:$0x1E780] =	vst v63  }
0x34: {  	_ =	swait.ge [sflag:s22], $0x400  }
0x35: {  	[sflag:s22] =	ssyncset.done $0x0  }
0x36: {  	s10 =	simm.s32 $0x2B80;
	s11 =	rddreg [dreg:$0x7];
	[sflag:s22] =	ssyncadd.s32 $0xFFFFFC00  }
0x37: {  	[tilespmem:s10], [sflag:$0x8] =	stream.linear.gather [hbm4b:s11+s3], $0x400, $0x38;
	[tilespmem:$0x1E780] =	vst v63  }
0x38: {  	s13 =	rddreg [dreg:$0x4]  }
0x39: {  	[tilespmem:s25], [sflag:$0x9] =	stream.linear.gather [hbm4b:s13+s3], $0x2800, $0x38;
	[tilespmem:$0x1E780] =	vst v63  }
0x3a: {  	_ =	swait.ge [sflag:s22], $0x2800  }
0x3b: {  	[sflag:s22] =	ssyncset.done $0x0  }
0x3c: {  	[sflag:s22] =	ssyncadd.s32 $0xFFFFD800  }
0x3d: {  	[spmem:s12] =	stream.linear.scatter [tilespmem:s25], [sflag:$0x9], $0x2800, $0x38;
	[tilespmem:$0x1E780] =	vst v63  }
0x3e: {  	_ =	swait.ge [sflag:s22], $0x2800  }
0x3f: {  	[sflag:s22] =	ssyncset.done $0x0  }
0x40: {  	s15 =	rddreg [dreg:$0xa];
	[sflag:s22] =	ssyncadd.s32 $0xFFFFD800  }
0x41: {  	[spmem:s15] =	stream.linear.scatter [tilespmem:s25], [sflag:$0x9], $0x2800, $0x38;
	[tilespmem:$0x1E780] =	vst v63  }
0x42: {  	_ =	swait.ge [sflag:s22], $0x2800  }
0x43: {  	[sflag:s22] =	ssyncset.done $0x0  }
0x44: {  	s16 =	rddreg [dreg:$0xb];
	[sflag:s22] =	ssyncadd.s32 $0xFFFFD800  }
0x45: {  	[spmem:s16] =	stream.linear.scatter [tilespmem:s25], [sflag:$0x9], $0x2800, $0x38;
	[tilespmem:$0x1E780] =	vst v63  }
0x46: {  	_ =	swait.ge [sflag:s22], $0x2800  }
0x47: {  	[sflag:s22] =	ssyncset.done $0x0  }
0x48: {  	s17 =	rddreg [dreg:$0xc];
	[sflag:s22] =	ssyncadd.s32 $0xFFFFD800  }
0x49: {  	[spmem:s17] =	stream.linear.scatter [tilespmem:s25], [sflag:$0x9], $0x2800, $0x38;
	[tilespmem:$0x1E780] =	vst v63  }
0x4a: {  	_ =	swait.ge [sflag:s22], $0x2800  }
0x4b: {  	[sflag:s22] =	ssyncset.done $0x0  }
0x4c: {  	s18 =	rddreg [dreg:$0xd];
	[sflag:s22] =	ssyncadd.s32 $0xFFFFD800  }
0x4d: {  	[spmem:s18] =	stream.linear.scatter [tilespmem:s25], [sflag:$0x9], $0x2800, $0x38;
	[tilespmem:$0x1E780] =	vst v63  }
0x4e: {  	_ =	swait.ge [sflag:s22], $0x2800  }
0x4f: {  	[sflag:s22] =	ssyncset.done $0x0  }
0x50: {  	s21 =	rddreg [dreg:$0xe];
	[sflag:s22] =	ssyncadd.s32 $0xFFFFD800  }
0x51: {  	[spmem:s21] =	stream.linear.scatter [tilespmem:s25], [sflag:$0x9], $0x2800, $0x38;
	[tilespmem:$0x1E780] =	vst v63  }
0x52: {  	_ =	swait.ge [sflag:s22], $0x2800  }
0x53: {  	[sflag:s22] =	ssyncset.done $0x0  }
0x54: {  	[sflag:s22] =	ssyncadd.s32 $0xFFFFD800  }
0x55: {  	[spmem:s19] =	stream.linear.scatter [tilespmem:s25], [sflag:$0x9], $0x2800, $0x38;
	[tilespmem:$0x1E780] =	vst v63  }
0x56: {  	_ =	swait.ge [sflag:s22], $0x2800  }
0x57: {  	[sflag:s22] =	ssyncset.done $0x0  }
0x58: {  	[sflag:s22] =	ssyncadd.s32 $0xFFFFD800  }
0x59: {  	[spmem:s20] =	stream.linear.scatter [tilespmem:s25], [sflag:$0x9], $0x2800, $0x38;
	[tilespmem:$0x1E780] =	vst v63  }
0x5a: {  	_ =	swait.ge [sflag:s22], $0x2800  }
0x5b: {  	[sflag:s22] =	ssyncset.done $0x0  }
.Ltmp2:
0x5c: {  	[sflag:s22] =	ssyncadd.s32 $0xFFFFD800;
	(pc) =	sbr.rel .LBB2_2-.Ltmp2, $4  }
0x5d: {  	s8 =	simm.s32 $0x0;
	s10 =	simm.s32 $0x500;
	[bflag:$0x0] =	sbarrier.arrive $0xFFFF  }
0x5e: {  	[tilespmem:s25], [sflag:$0x1] =	stream.indirect.gather [hbm4b:s4+s26], $0x80, s3, s26, $0xb8;
	[tilespmem:$0x1E780] =	vst v63  }
0x5f: {  	s11 =	simm.s32 $0x140;
	s13 =	simm.s32 $0x0;
	s21 =	smov.u32 s14  }
0x60: {  	[tilespmem:s28], [sflag:$0x2] =	stream.indirect.gather [hbm4b:s4+s26], $0x80, s26, s26, $0xb8;
	[tilespmem:$0x1E780] =	vst v63  }
.LBB2_9:
.Ltmp3:
0x61: {  	(pc) =	sbr.rel @!p1 .LBB2_13-.Ltmp3, $1  }
0x62: {  	_ =	sdelay $0x3  }
.LBB2_11:
0x63: {  	s16 =	sadd.s32 $0xFFFFFF80, s10  }
0x64: {  	s16 =	sand.u32 $0xFC00, s16  }
0x65: {  	p1 =	seq.s32 s15, $0x1;
	s16 =	sadd.s32 s9, s16  }
0x66: {  	s17 =	simm.s32 @!p1 $0x0;
	s16 =	sshrl.u32 s16, $0x3  }
0x67: {  	s18 =	simm.s32 @!p1 $0x2B80;
	p2 =	seq.s32 @!p1 s15, $0x0;
	s16 =	sadd.s32 s5, s16  }
0x68: {  	[tilespmem:s18], [sflag:$0x8] =	stream.linear.gather @!p1 [hbm4b:s16+s17], $0x400, $0x38;
	[tilespmem:$0x1E780] =	vst v63  }
0x69: {  	p1 =	por p1, !p2  }
0x6a: {  	[tilespmem:s23], [sflag:$0x7] =	stream.linear.gather @p1 [hbm4b:s16+s3], $0x400, $0x38;
	[tilespmem:$0x1E780] =	vst v63  }
.LBB2_12:
0x6b: {  	s15 =	sadd.s32 $0x2, s13  }
0x6c: {  	s16 =	sshrl.u32 s15, $0x3;
	s15 =	sand.u32 $0x7, s15  }
0x6d: {  	p1 =	seq.s32 s15, $0x0;
	p2 =	sne.s32 s16, $0x0  }
0x6e: {  	p1 =	por !p1, !p2  }
0x6f: {  	p1 =	por !p1, !p1  }
0x70: {  	s17 =	sand.u32 @p1 $0x1, s16  }
0x71: {  	p2 =	seq.s32 @p1 s17, $0x1  }
0x72: {  	s17 =	simm.s32 @p1 $0x8;
	p2 =	por !p2, !p1  }
0x73: {  	s17 =	simm.s32 @p2 $0x7  }
0x74: {  	_ =	swait.ge @p1 [sflag:s17], $0x400  }
0x75: {  	[sflag:s17] =	ssyncset.done @p1 $0x0  }
0x76: {  	s18 =	sand.u32 $0x1, s16;
	[sflag:s17] =	ssyncadd.s32 @p1 $0xFFFFFC00  }
0x77: {  	s15 =	sshll.u32 s15, $0x7;
	s17 =	sshll.u32 s18, $0xA;
	_ =	swait.ge [sflag:s0], $0x2800  }
0x78: {  	p0 =	por !p1, !p0;
	s15 =	sor.u32 s15, s17;
	[sflag:s0] =	ssyncset.done $0x0  }
0x79: {  	p0 =	por !p0, !p0;
	s15 =	sadd.s32 $0x2780, s15;
	[sflag:s0] =	ssyncadd.s32 $0xFFFFD800  }
0x7a: {  	[spmem:s1] =	stream.indirect.scatter.add.f32 [tilespmem:s30], [sflag:$0x6], $0x80, s15, s26, $0xb8;
	[tilespmem:$0x1E780] =	vst v63  }
0x7b: {  	s15 =	sand.u32 @p0 $0x1, s16;
	s16 =	sand.u32 @p0 $0xFC00, s10;
	_ =	swait.ge [sflag:s2], $0x2800  }
0x7c: {  	p1 =	seq.s32 @p0 s15, $0x1;
	s15 =	sadd.s32 @p0 s9, s16;
	[sflag:s2] =	ssyncset.done $0x0  }
0x7d: {  	s15 =	sshrl.u32 @p0 s15, $0x3;
	p2 =	por p1, !p0;
	[sflag:s2] =	ssyncadd.s32 $0xFFFFD800  }
0x7e: {  	[tilespmem:s28], [sflag:$0x2] =	stream.indirect.gather [hbm4b:s4+s26], $0x80, s11, s26, $0xb8;
	[tilespmem:$0x1E780] =	vst v63  }
0x7f: {  	s15 =	sadd.s32 @p0 s5, s15;
	s16 =	simm.s32 @!p2 $0x0;
	s17 =	simm.s32 @!p2 $0x2B80  }
0x80: {  	[tilespmem:s17], [sflag:$0x8] =	stream.linear.gather @!p2 [hbm4b:s15+s16], $0x400, $0x38;
	[tilespmem:$0x1E780] =	vst v63  }
0x81: {  	p2 =	seq.s32 @!p2 s18, $0x0  }
0x82: {  	p1 =	por @p0 p1, !p2  }
0x83: {  	s13 =	sadd.s32 $0x3, s13;
	p0 =	por !p0, !p1  }
0x84: {  	[tilespmem:s23], [sflag:$0x7] =	stream.linear.gather @!p0 [hbm4b:s15+s3], $0x400, $0x38;
	[tilespmem:$0x1E780] =	vst v63  }
0x85: {  	p0 =	sne.s32 s13, $0x7E  }
.Ltmp4:
0x86: {  	_ = 	snop;
	(pc) =	sbr.rel @!p0 .LBB2_13-.Ltmp4, $3  }
0x87: {  	_ =	sdelay $0x1  }
0x88: {  	s8 =	sadd.s32 $0x1, s8  }
0x89: {  	s21 =	sadd.s32 $0x30, s21;
	s10 =	sadd.s32 $0x180, s10;
	s11 =	sadd.s32 $0xF0, s11  }
.LBB2_2:
0x8a: {  	s15 =	sshrl.u32 s13, $0x3;
	s17 =	sand.u32 $0x7, s13  }
0x8b: {  	p0 =	seq.s32 s17, $0x0;
	p1 =	sne.s32 s15, $0x0  }
0x8c: {  	p0 =	por !p0, !p1  }
0x8d: {  	p1 =	por !p0, !p0  }
0x8e: {  	s16 =	sand.u32 @p1 $0x1, s15  }
0x8f: {  	p0 =	seq.s32 @p1 s16, $0x1  }
0x90: {  	s18 =	simm.s32 @p1 $0x8;
	p0 =	por !p0, !p1  }
0x91: {  	s18 =	simm.s32 @p0 $0x7  }
0x92: {  	_ =	swait.ge @p1 [sflag:s18], $0x400  }
0x93: {  	p0 =	seq.s32 s8, $0x0;
	[sflag:s18] =	ssyncset.done @p1 $0x0  }
.Ltmp5:
0x94: {  	s16 =	sand.u32 $0x1, s15;
	[sflag:s18] =	ssyncadd.s32 @p1 $0xFFFFFC00;
	(pc) =	sbr.rel @p0 .LBB2_5-.Ltmp5, $4  }
0x95: {  	s17 =	sshll.u32 s17, $0x7;
	s18 =	sshll.u32 s16, $0xA;
	_ =	swait.ge [sflag:s29], $0x2800  }
0x96: {  	s17 =	sor.u32 s17, s18;
	[sflag:s29] =	ssyncset.done $0x0  }
0x97: {  	s17 =	sadd.s32 $0x2780, s17;
	[sflag:s29] =	ssyncadd.s32 $0xFFFFD800  }
0x98: {  	[spmem:s1] =	stream.indirect.scatter.add.f32 [tilespmem:s25], [sflag:$0x4], $0x80, s17, s26, $0xb8;
	[tilespmem:$0x1E780] =	vst v63  }
0x99: {  	p2 =	seq.s32 s8, $0x29  }
.Ltmp6:
0x9a: {  	_ = 	snop;
	(pc) =	sbr.rel @p2 .LBB2_8-.Ltmp6, $2  }
0x9b: {  	_ =	sdelay $0x2  }
0x9c: {  	p0 =	por $0x0, $0x0  }
0x9d: {  	_ =	swait.ge [sflag:s6], $0x2800  }
0x9e: {  	[sflag:s6] =	ssyncset.done $0x0  }
0x9f: {  	[sflag:s6] =	ssyncadd.s32 $0xFFFFD800  }
.LBB2_5:
0xa0: {  	p2 =	slt.u32 s8, $0x28  }
0xa1: {  	p0 =	por !p2, !p1  }
0xa2: {  	p1 =	por !p0, !p0  }
0xa3: {  	s15 =	sand.u32 @p1 $0x1, s15  }
0xa4: {  	p3 =	seq.s32 @p1 s15, $0x1  }
0xa5: {  	p0 =	por p3, !p1  }
0xa6: {  	p4 =	seq.s32 @!p0 s16, $0x0  }
0xa7: {  	p3 =	por @p1 p3, !p4  }
0xa8: {  	p3 =	por !p1, !p3  }
.Ltmp7:
0xa9: {  	_ = 	snop;
	(pc) =	sbr.rel @!p3 .LBB2_7-.Ltmp7, $4  }
0xaa: {  	s17 =	sadd.s32 $0xFFFFFF60, s11  }
0xab: {  	[tilespmem:s30], [sflag:$0x3] =	stream.indirect.gather [hbm4b:s4+s26], $0x80, s17, s26, $0xb8;
	[tilespmem:$0x1E780] =	vst v63  }
0xac: {  	s15 =	simm.s32 @!p0 $0x0;
	s17 =	simm.s32 @!p0 $0x2B80  }
0xad: {  	[tilespmem:s17], [sflag:$0x8] =	stream.linear.gather @!p0 [hbm4b:s21+s15], $0x400, $0x38;
	[tilespmem:$0x1E780] =	vst v63  }
.Ltmp8:
0xae: {  	(pc) =	sbr.rel .LBB2_8-.Ltmp8, $3  }
0xaf: {  	_ =	sdelay $0x1  }
0xb0: {  	p0 =	por @!p0 $0x1, $0x1  }
0xb1: {  	p0 =	por @!p1 p2, p2  }
.LBB2_7:
0xb2: {  	[tilespmem:s23], [sflag:$0x7] =	stream.linear.gather [hbm4b:s21+s3], $0x400, $0x38;
	[tilespmem:$0x1E780] =	vst v63  }
0xb3: {  	p0 =	por $0x1, $0x1  }
.LBB2_8:
0xb4: {  	s15 =	sadd.s32 $0x1, s13  }
0xb5: {  	s16 =	sshrl.u32 s15, $0x3;
	s17 =	sand.u32 $0x7, s15  }
0xb6: {  	p1 =	seq.s32 s17, $0x0;
	p2 =	sne.s32 s16, $0x0  }
0xb7: {  	p1 =	por !p1, !p2  }
0xb8: {  	p1 =	por !p1, !p1  }
0xb9: {  	s15 =	sand.u32 @p1 $0x1, s16  }
0xba: {  	p2 =	seq.s32 @p1 s15, $0x1  }
0xbb: {  	s18 =	simm.s32 @p1 $0x8;
	p2 =	por !p2, !p1  }
0xbc: {  	s18 =	simm.s32 @p2 $0x7  }
0xbd: {  	_ =	swait.ge @p1 [sflag:s18], $0x400  }
0xbe: {  	p2 =	sne.s32 s13, $0x7B;
	[sflag:s18] =	ssyncset.done @p1 $0x0  }
.Ltmp9:
0xbf: {  	s15 =	sand.u32 $0x1, s16;
	[sflag:s18] =	ssyncadd.s32 @p1 $0xFFFFFC00;
	(pc) =	sbr.rel @!p2 .LBB2_9-.Ltmp9, $4  }
0xc0: {  	s17 =	sshll.u32 s17, $0x7;
	s16 =	sshll.u32 s15, $0xA;
	_ =	swait.ge [sflag:s31], $0x2800  }
0xc1: {  	s16 =	sor.u32 s17, s16;
	p1 =	por !p1, !p0;
	[sflag:s31] =	ssyncset.done $0x0  }
0xc2: {  	s16 =	sadd.s32 $0x2780, s16;
	p1 =	por !p1, !p1;
	[sflag:s31] =	ssyncadd.s32 $0xFFFFD800  }
0xc3: {  	[spmem:s1] =	stream.indirect.scatter.add.f32 [tilespmem:s28], [sflag:$0x5], $0x80, s16, s26, $0xb8;
	[tilespmem:$0x1E780] =	vst v63  }
.Ltmp10:
0xc4: {  	(pc) =	sbr.rel @!p1 .LBB2_12-.Ltmp10, $4  }
.Ltmp11:
0xc5: {  	_ =	swait.ge [sflag:s24], $0x2800;
	(pc) =	sbr.rel @p1 .LBB2_11-.Ltmp11, $4  }
0xc6: {  	[sflag:s24] =	ssyncset.done $0x0  }
0xc7: {  	s16 =	sadd.s32 $0xFFFFFFB0, s11;
	[sflag:s24] =	ssyncadd.s32 $0xFFFFD800  }
0xc8: {  	[tilespmem:s25], [sflag:$0x1] =	stream.indirect.gather [hbm4b:s4+s26], $0x80, s16, s26, $0xb8;
	[tilespmem:$0x1E780] =	vst v63  }
0xc9: {  	_ = 	snop  }
.LBB2_14:
0xca: {  	_ =	sfence.sel $0x180000  }
0xcb: {  	[bflag:$0x0] =	sbarrier.arrive $0xFFFF  }
0xcc: {  	_ =	strace $0x9000004D  }
0xcd: {  	s0 =	stileid.u32;
	[bflag:$0x2] =	sbarrier.arrive $0xFFFF  }
0xce: {  	p0 =	sne.s32 s0, $0x0;
	s0 =	rddreg [dreg:$0x3]  }
0xcf: {  	s0 =	sadd.s32 @!p0 $0x100000, s0  }
0xd0: {  	[sflag:s0] =	ssyncadd.tile.s32 @!p0 $0x1;
	_ =	shalt  }
.Lfunc_end2:
_tile_overlayer_lowered:
.L_overlay_start_2:
0xd1: {  	(tag) =	ssettag $0x2  }
0xd2: {  	s0 =	rddreg [dreg:$0x0];
	s2 =	stileid.u32  }
0xd3: {  	s1 =	rddreg [dreg:$0x1];
	p0 =	sne.s32 s2, $0x0  }
0xd4: {  	s3 =	rddreg [dreg:$0x2];
	[bflag:$0x3] =	sbarrier.arrive $0xFFFF;
	s2 =	simm.s32 @!p0 $0x1C09  }
0xd5: {  	[timem:s3], [sflag:s2] =	dma.local @!p0 [hbm:s0], s1  }
0xd6: {  	s0 =	simm.s32 @!p0 $0x9  }
0xd7: {  	_ =	swait.ge @!p0 [sflag:s0], s1  }
0xd8: {  	s1 =	ssub.s32 @!p0 $0x0, s1;
	[sflag:s0] =	ssyncset.done @!p0 $0x0  }
0xd9: {  	[sflag:s0] =	ssyncadd.s32 @!p0 s1  }
0xda: {  	[bflag:$0x3] =	sbarrier.arrive $0xFFFF  }
0xdb: {  	_ =	shalt  }

// kernel: kernel.9.cloned.1.call-start
scs
__scs_entry_jumppad:
0x0: {  	(pc) =	sbr.rel $0x88, $3  }
0x1: {  	(tag) =	ssettag $0x0;
	lr =	simm.s32 $0x1  }
0x2: {  	[smem:$0x3F95] =	sst lr;
	_ =	strace $0xD0000000  }
0x3: {  	_ = 	snop  }
0x4: {  	_ = 	snop  }
0x5: {  	_ = 	snop  }
0x6: {  	_ = 	snop  }
0x7: {  	_ = 	snop  }
__scs_overlays_trampoline_lowered:
0x8: {  	[smem:$0x3FA4] =	sst s0  }
0x9: {  	[smem:$0x3FA5] =	sst s1  }
0xa: {  	[smem:$0x3FA6] =	sst s2  }
0xb: {  	[smem:$0x3FA7] =	sst s3  }
0xc: {  	[smem:$0x3FA8] =	sst s4  }
0xd: {  	[smem:$0x3FA9] =	sst s5  }
0xe: {  	[smem:$0x3FAA] =	sst s6  }
0xf: {  	[smem:$0x3FAB] =	sst s7  }
0x10: {  	[smem:$0x3FAC] =	sst s8  }
0x11: {  	[smem:$0x3FAD] =	sst s9;
	s0 =	simm.s32 @!p0 $0x0  }
0x12: {  	s1 =	sld [smem:$0x3F93];
	s0 =	simm.s32 @p0 $0x1  }
0x13: {  	[smem:$0x3FAE] =	sst s0;
	s0 =	simm.s32 @!p1 $0x0  }
0x14: {  	s2 =	sld [smem:$0x3F92];
	s0 =	simm.s32 @p1 $0x1  }
0x15: {  	[smem:$0x3FAF] =	sst s0;
	s0 =	simm.s32 @!p2 $0x0  }
0x16: {  	s3 =	sld [smem:$0x3FDB];
	s0 =	simm.s32 @p2 $0x1  }
0x17: {  	s4 =	simm.s32 $0x1BF5;
	[smem:$0x3FB1] =	sst s0  }
0x18: {  	s0 =	sld [smem:$0x3F94];
	_ =	swait.ge [sflag:s4], $0x0  }
0x19: {  	s7 =	sld [smem:$0x3F95]  }
0x1a: {  	s8 =	sadd.s32 $0xFFFFE003, lr  }
0x1b: {  	s9 =	sadd.s32 $0xFFFFFEF7, lr;
	s5 =	simm.s32 $0xFFFFFFFF;
	p2 =	slt.u32 s8, $0xFFFFF086  }
0x1c: {  	p1 =	slt.u32 s9, $0xF7A;
	s5 =	simm.s32 @!p2 $0x0  }
0x1d: {  	s5 =	simm.s32 @p1 $0x1;
	p0 =	seq.s32 s7, s2  }
0x1e: {  	s7 =	smul.u32 @!p0 $0xF7A, s2;
	p2 =	seq.s32 @!p0 s5, $0x0  }
0x1f: {  	s9 =	smul.u32 $0xF7A, s1;
	s8 =	simm.s32 @!p0 $0x1BF5;
	p2 =	por !p2, p0  }
0x20: {  	[sflag:s8] =	ssyncset.s32 @!p0 $0xFFFFF086;
	s6 =	sadd.s32 @!p0 s3, s7;
	s7 =	simm.s32 @!p0 $0x108  }
0x21: {  	s3 =	sadd.s32 s3, s9;
	s6 =	sadd.s32 @!p0 $0x88, s6;
	s7 =	simm.s32 @p2 $0x1082  }
0x22: {  	[simem:s7], [sflag:s8] =	dma.local @!p0 [hbm:s6], $0xF7A  }
0x23: {  	s9 =	sor.u32 $0xD0000000, s2;
	s6 =	simm.s32 $0x108;
	_ =	swait.ge @!p0 [sflag:s8], $0x0  }
0x24: {  	s3 =	sadd.s32 $0x88, s3;
	s6 =	simm.s32 @!p1 $0x1082;
	[sflag:s4] =	ssyncset.s32 $0xFFFFF086  }
0x25: {  	[simem:s6], [sflag:s4] =	dma.local [hbm:s3], $0xF7A  }
0x26: {  	[smem:$0x3F95] =	sst s1;
	(tag) =	ssettag s2;
	_ =	strace s9  }
0x27: {  	s1 =	sld [smem:$0x3FA5]  }
0x28: {  	s2 =	sld [smem:$0x3FA6]  }
0x29: {  	s4 =	sld [smem:$0x3FA8]  }
0x2a: {  	p0 =	seq.s32 s5, $0x0;
	s5 =	sld [smem:$0x3FA9]  }
0x2b: {  	s6 =	sld [smem:$0x3FAA]  }
0x2c: {  	s7 =	sld [smem:$0x3FAB]  }
0x2d: {  	s3 =	simm.s32 $0x108;
	s8 =	sld [smem:$0x3FAC]  }
0x2e: {  	s3 =	simm.s32 @!p0 $0x1082;
	s9 =	sld [smem:$0x3FAD]  }
0x2f: {  	lr =	sadd.s32 s0, s3;
	s0 =	sld [smem:$0x3FA4]  }
0x30: {  	s3 =	sld [smem:$0x3FA7]  }
0x31: {  	[smem:$0x3FB0] =	sst s10  }
0x32: {  	s10 =	sld [smem:$0x3FAE];
	_ =	sdelay $0x3  }
0x33: {  	p0 =	seq.s32 s10, $0x1;
	s10 =	sld [smem:$0x3FB0];
	_ =	sdelay $0x3  }
0x34: {  	[smem:$0x3FB0] =	sst s10  }
0x35: {  	s10 =	sld [smem:$0x3FAF];
	_ =	sdelay $0x3  }
0x36: {  	p1 =	seq.s32 s10, $0x1;
	s10 =	sld [smem:$0x3FB0];
	_ =	sdelay $0x3  }
0x37: {  	[smem:$0x3FB0] =	sst s10  }
0x38: {  	s10 =	sld [smem:$0x3FB1]  }
0x39: {  	_ = 	snop;
	(pc) =	sbr.ind lr, $3  }
0x3a: {  	_ = 	snop  }
0x3b: {  	_ = 	snop  }
0x3c: {  	p2 =	seq.s32 s10, $0x1;
	s10 =	sld [smem:$0x3FB0]  }
0x3d: {  	_ =	shalt  }
0x3e: {  	_ =	shalt  }
0x3f: {  	_ =	shalt  }
0x40: {  	_ =	shalt  }
0x41: {  	_ =	shalt  }
0x42: {  	_ =	shalt  }
0x43: {  	_ =	shalt  }
0x44: {  	_ =	shalt  }
0x45: {  	_ =	shalt  }
0x46: {  	_ =	shalt  }
0x47: {  	_ =	shalt  }
0x48: {  	_ =	shalt  }
0x49: {  	_ =	shalt  }
0x4a: {  	_ =	shalt  }
0x4b: {  	_ =	shalt  }
0x4c: {  	_ =	shalt  }
0x4d: {  	_ =	shalt  }
0x4e: {  	_ =	shalt  }
0x4f: {  	_ =	shalt  }
0x50: {  	_ =	shalt  }
0x51: {  	_ =	shalt  }
0x52: {  	_ =	shalt  }
0x53: {  	_ =	shalt  }
0x54: {  	_ =	shalt  }
0x55: {  	_ =	shalt  }
0x56: {  	_ =	shalt  }
0x57: {  	_ =	shalt  }
0x58: {  	_ =	shalt  }
0x59: {  	_ =	shalt  }
0x5a: {  	_ =	shalt  }
0x5b: {  	_ =	shalt  }
0x5c: {  	_ =	shalt  }
0x5d: {  	_ =	shalt  }
0x5e: {  	_ =	shalt  }
0x5f: {  	_ =	shalt  }
0x60: {  	_ =	shalt  }
0x61: {  	_ =	shalt  }
0x62: {  	_ =	shalt  }
0x63: {  	_ =	shalt  }
0x64: {  	_ =	shalt  }
0x65: {  	_ =	shalt  }
0x66: {  	_ =	shalt  }
0x67: {  	_ =	shalt  }
0x68: {  	_ =	shalt  }
0x69: {  	_ =	shalt  }
0x6a: {  	_ =	shalt  }
0x6b: {  	_ =	shalt  }
0x6c: {  	_ =	shalt  }
0x6d: {  	_ =	shalt  }
0x6e: {  	_ =	shalt  }
0x6f: {  	_ =	shalt  }
0x70: {  	_ =	shalt  }
0x71: {  	_ =	shalt  }
0x72: {  	_ =	shalt  }
0x73: {  	_ =	shalt  }
0x74: {  	_ =	shalt  }
0x75: {  	_ =	shalt  }
0x76: {  	_ =	shalt  }
0x77: {  	_ =	shalt  }
0x78: {  	_ =	shalt  }
0x79: {  	_ =	shalt  }
0x7a: {  	_ =	shalt  }
0x7b: {  	_ =	shalt  }
0x7c: {  	_ =	shalt  }
0x7d: {  	_ =	shalt  }
0x7e: {  	_ =	shalt  }
0x7f: {  	_ =	shalt  }
0x80: {  	_ =	shalt  }
0x81: {  	_ =	shalt  }
0x82: {  	_ =	shalt  }
0x83: {  	_ =	shalt  }
0x84: {  	_ =	shalt  }
0x85: {  	_ =	shalt  }
0x86: {  	_ =	shalt  }
0x87: {  	_ =	shalt  }
.Lfunc_end0:
.L_simem_size_0:
called_computation_lowered:
.L_overlay_start_0:
0x88: {  	s2 =	sld [smem:$0x3FD9]  }
0x89: {  	s3 =	sld [smem:$0x3FFE];
	_ =	sdelay $0x1  }
0x8a: {  	s1 =	srdreg.scid  }
0x8b: {  	s0 =	sand.u32 $0x1, s1  }
0x8c: {  	s16 =	sshll.u32 s0, $0xA;
	s2 =	sadd.s32 s3, s2  }
0x8d: {  	s2 =	sadd.s32 s2, s16  }
0x8e: {  	[smem:$0x3FBC] =	sst s2  }
0x8f: {  	_ = 	snop  }
0x90: {  	(tm) =	ssettm $0x1  }
0x91: {  	s17 =	sld [smem:$0x3FFB];
	_ =	sdelay $0x3  }
0x92: {  	_ =	strace s17  }
0x93: {  	s2 =	sld [smem:$0x3FFC];
	_ =	sdelay $0x3  }
0x94: {  	_ =	strace s2  }
0x95: {  	s2 =	sld [smem:$0x3FFD];
	_ =	sdelay $0x3  }
0x96: {  	_ =	strace s2  }
0x97: {  	_ =	strace $0x8FFFFFFF  }
0x98: {  	s18 =	sld [smem:$0x3FDB];
	_ =	sdelay $0x1  }
0x99: {  	s19 =	simm.s32 $_scs_section_size  }
0x9a: {  	s4 =	simm.s32 $_size__tile_overlayer_lowered;
	s5 =	simm.s32 $_tile_overlayer_lowered  }
0x9b: {  	s22 =	simm.s32 $0x1BFF;
	s21 =	sshll.u32 s5, $0x1;
	s2 =	sadd.s32 s19, s18  }
0x9c: {  	s6 =	simm.s32 $0x0;
	s20 =	sshll.u32 s4, $0x1;
	s4 =	sadd.s32 s21, s2  }
0x9d: {  	[timem:s6], [sflag:s22] =	dma.local [hbm:s4], s20  }
0x9e: {  	_ =	swait.ge [sflag:s22], s20  }
0x9f: {  	s3 =	ssub.s32 $0x0, s20;
	[sflag:s22] =	ssyncset.done $0x0  }
0xa0: {  	[sflag:s22] =	ssyncadd.s32 s3;
	_ =	sdelay $0x1  }
0xa1: {  	s23 =	simm.s32 $0x1B8B  }
0xa2: {  	_ =	swait.ge [sflag:s23], $0x1  }
0xa3: {  	[sflag:s23] =	ssyncset.done $0x0  }
0xa4: {  	s25 =	simm.s32 $0x1B8E;
	s24 =	sld [smem:$0x3FFE];
	[sflag:s23] =	ssyncadd.s32 $0xFFFFFFFF  }
0xa5: {  	s26 =	simm.s32 $execute0_lowered;
	[smem:$0x3FD2] =	sst s25  }
0xa6: {  	s4 =	sshll.u32 s26, $0x1;
	_ =	strace $0x80000046;
	[dreg:$0x1] =	wrdreg $0xFFFFFFFF  }
0xa7: {  	s28 =	simm.s32 $_size_execute0_lowered;
	s2 =	sadd.s32 s2, s4;
	[dreg:$0x0] =	wrdreg $0x0  }
0xa8: {  	s4 =	sshll.u32 s28, $0x1;
	[dreg:$0x2] =	wrdreg s2  }
0xa9: {  	[dreg:$0x3] =	wrdreg s4  }
0xaa: {  	[dreg:$0x4] =	wrdreg $0xC0  }
0xab: {  	_ =	task [dreg:s6], $0x5FFFF  }
0xac: {  	[dreg:$0x1] =	wrdreg $0xFFFFFFFF  }
0xad: {  	[dreg:$0x0] =	wrdreg $0x60  }
0xae: {  	[dreg:$0x2] =	wrdreg s24  }
0xaf: {  	[dreg:$0x3] =	wrdreg $0x40800  }
0xb0: {  	[dreg:$0x4] =	wrdreg $0x9  }
0xb1: {  	_ =	task.clear_ibuf [dreg:s6], $0x5FFFF;
	_ =	strace $0x90000046  }
0xb2: {  	s29 =	simm.s32 $0x9;
	_ =	strace $0x80000048  }
0xb3: {  	_ =	swait.ge [sflag:s29], $0x1  }
0xb4: {  	[sflag:s29] =	ssyncadd.s32 $0xFFFFFFFF  }
0xb5: {  	_ =	strace $0x90000048  }
0xb6: {  	_ =	sfence  }
0xb7: {  	s30 =	sld [smem:$0x0];
	_ =	sdelay $0x2  }
0xb8: {  	s31 =	sshll.u32 s1, $0xD;
	s1 =	sshrl.u32 s1, $0x2  }
0xb9: {  	s3 =	sand.u32 $0x4000, s31;
	s1 =	sadd.s32 s1, s30  }
0xba: {  	s0 =	sor.u32 s3, s0;
	s1 =	sshll.u32 s1, $0x11  }
0xbb: {  	s0 =	sor.u32 s1, s0  }
0xbc: {  	s0 =	sadd.s32 $0x8F2B, s0  }
0xbd: {  	[sflag:s0] =	ssyncadd.remote.s32 $0x1  }
0xbe: {  	_ =	sfence.sel $0xFFFF  }
0xbf: {  	[dreg:$0x0] =	wrdreg $0xFFFFFFFF;
	(pc) =	sbr.abs _section_cstart, $3  }
0xc0: {  	[dreg:$0x1] =	wrdreg $0xFFFFFFFF  }
0xc1: {  	_ =	task.clear_ibuf [dreg:s6], $0x2FFFF;
	_ =	strace $0x9FFFFFFF  }
0xc2: {  	(tm) =	ssettm $0x7FFFFFFF  }
0xc3: {  	_ =	shalt  }
tec
execute0_lowered:
.L_overlay_start_1:
0x0: {  	(tag) =	ssettag $0x1  }
0x1: {  	s5 =	rddreg [dreg:$0x0]  }
0x2: {  	s2 =	rddreg [dreg:$0x1]  }
0x3: {  	s0 =	rddreg [dreg:$0x2]  }
0x4: {  	s1 =	stileid.u32;
	s3 =	simm.s32 $0x0;
	s4 =	srdreg.scid  }
0x5: {  	s13 =	simm.s32 $0x50;
	s14 =	simm.s32 $0x0;
	s6 =	smul.u32 $0x280, s1  }
0x6: {  	[smem:$0x7FF] =	sst s3;
	s7 =	sand.u32 $0x1, s4;
	s12 =	sshll.u32 s1, $0xC  }
0x7: {  	s31 =	sshll.u32 s1, $0x6;
	s4 =	sshll.u32 s7, $0xB;
	s9 =	smul.u32 $0x2800, s7  }
0x8: {  	_ =	strace $0x80000047;
	s7 =	ssub.s32 $0x2, s7;
	s8 =	sshrl.u32 s6, $0x3  }
0x9: {  	s10 =	sadd.s32 s4, s5;
	s4 =	sadd.s32 $0x12800, s5;
	s11 =	sshrl.u32 s7, $0x1  }
0xa: {  	s30 =	sadd.s32 s6, s2;
	s8 =	sadd.s32 s8, s5;
	s9 =	sadd.s32 s6, s9  }
0xb: {  	s11 =	ssub.s32 s7, s11;
	s29 =	sadd.s32 s12, s10;
	s10 =	simm.s32 $0x1  }
0xc: {  	s12 =	sshrl.u32 s30, $0x3;
	s9 =	sshrl.u32 s9, $0x3;
	s6 =	sadd.s32 $0x12200, s8  }
0xd: {  	s8 =	smax.u32 s11, $0x1;
	s11 =	sor.u32 $0x1C01, s31;
	s9 =	sadd.s32 s9, s5  }
0xe: {  	s5 =	sadd.s32 $0x2200, s29;
	s7 =	sadd.s32 $0x12A00, s9;
	s9 =	simm.s32 $0x4000  }
.LBB2_1:
0xf: {  	[tilespmem:s9], [sflag:$0x1] =	stream.linear.gather [hbm4b:s4+s3], $0x80, $0x38;
	[tilespmem:$0x4300] =	vst v63  }
0x10: {  	_ =	swait.ge [sflag:s10], $0x80  }
0x11: {  	[sflag:s10] =	ssyncset.done $0x0  }
0x12: {  	[sflag:s10] =	ssyncadd.s32 $0xFFFFFF80  }
0x13: {  	[tilespmem:s3], [sflag:$0x1] =	stream.linear.gather [hbm4b:s5+s3], $0x4000, $0x38;
	[tilespmem:$0x4300] =	vst v63  }
0x14: {  	_ =	swait.ge [sflag:s10], $0x4000  }
0x15: {  	[sflag:s10] =	ssyncset.done $0x0  }
0x16: {  	[sflag:s10] =	ssyncadd.s32 $0xFFFFC000  }
0x17: {  	[spmem:s12], [sflag:s11] =	dma.local [hbm:s6], $0x50  }
0x18: {  	_ =	swait.ge [sflag:s10], $0x50  }
0x19: {  	[sflag:s10] =	ssyncset.done $0x0  }
0x1a: {  	[sflag:s10] =	ssyncadd.s32 $0xFFFFFFB0  }
0x1b: {  	s15 =	simm.s32 $0x0;
	[bflag:$0x0] =	sbarrier.arrive $0xFFFF  }
0x1c: {  	[spmem:s2] =	stream.indirect.scatter.add.f32 [tilespmem:s9], [sflag:$0x1], $0x1, s15, s13, $0xb8;
	[tilespmem:$0x4300] =	vst v63  }
0x1d: {  	_ =	swait.ge [sflag:s10], $0x50  }
0x1e: {  	s15 =	simm.s32 $0x200;
	[sflag:s10] =	ssyncset.done $0x0  }
.LBB2_2:
0x1f: {  	s16 =	sshra.s32 s15, $0x2;
	[sflag:s10] =	ssyncadd.s32 $0xFFFFFFB0;
	p0 =	sne.s32 s15, $0xF800  }
0x20: {  	[spmem:s2] =	stream.indirect.scatter.add.f32 [tilespmem:s9], [sflag:$0x1], $0x1, s16, s13, $0xb8;
	[tilespmem:$0x4300] =	vst v63  }
.Ltmp0:
0x21: {  	_ = 	snop;
	(pc) =	sbr.rel @p0 .LBB2_2-.Ltmp0, $4  }
0x22: {  	_ = 	snop  }
0x23: {  	s15 =	sadd.s32 $0x200, s15  }
0x24: {  	_ =	swait.ge [sflag:s10], $0x50  }
0x25: {  	[sflag:s10] =	ssyncset.done $0x0  }
0x26: {  	s14 =	sadd.s32 $0x1, s14  }
0x27: {  	[sflag:s10] =	ssyncadd.s32 $0xFFFFFFB0;
	p0 =	sne.s32 s14, s8  }
.Ltmp1:
0x28: {  	[bflag:$0x0] =	sbarrier.arrive $0xFFFF;
	(pc) =	sbr.rel @p0 .LBB2_1-.Ltmp1, $4  }
0x29: {  	[hbm:s7], [sflag:s11] =	dma.local [spmem:s12], $0x50  }
0x2a: {  	_ =	swait.ge [sflag:s10], $0x50  }
0x2b: {  	[sflag:s10] =	ssyncset.done $0x0  }
0x2c: {  	[sflag:s10] =	ssyncadd.s32 $0xFFFFFFB0  }
0x2d: {  	_ =	sfence.sel $0x180000  }
0x2e: {  	[bflag:$0x0] =	sbarrier.arrive $0xFFFF  }
0x2f: {  	p0 =	sne.s32 s1, $0x0;
	_ =	strace $0x90000047  }
0x30: {  	s0 =	sadd.s32 @!p0 $0x100000, s0;
	[bflag:$0x2] =	sbarrier.arrive $0xFFFF  }
0x31: {  	[sflag:s0] =	ssyncadd.tile.s32 @!p0 $0x1;
	_ =	shalt  }
.Lfunc_end2:
_tile_overlayer_lowered:
.L_overlay_start_2:
0x32: {  	(tag) =	ssettag $0x2  }
0x33: {  	s0 =	rddreg [dreg:$0x0];
	s2 =	stileid.u32  }
0x34: {  	s1 =	rddreg [dreg:$0x1];
	p0 =	sne.s32 s2, $0x0  }
0x35: {  	s3 =	rddreg [dreg:$0x2];
	[bflag:$0x3] =	sbarrier.arrive $0xFFFF;
	s2 =	simm.s32 @!p0 $0x1C01  }
0x36: {  	[timem:s3], [sflag:s2] =	dma.local @!p0 [hbm:s0], s1  }
0x37: {  	s0 =	simm.s32 @!p0 $0x1  }
0x38: {  	_ =	swait.ge @!p0 [sflag:s0], s1  }
0x39: {  	s1 =	ssub.s32 @!p0 $0x0, s1;
	[sflag:s0] =	ssyncset.done @!p0 $0x0  }
0x3a: {  	[sflag:s0] =	ssyncadd.s32 @!p0 s1  }
0x3b: {  	[bflag:$0x3] =	sbarrier.arrive $0xFFFF  }
0x3c: {  	_ =	shalt  }

</sc_bundles>
